<compile_context>
chip_gen: v7x
topology: tpu7x:2x2x1
jax: 0.10.2.dev20260603
libtpu: 0.0.44.dev20260713+nightly
codegen_flags: <defaults>
</compile_context>

<pallas_src>
import dataclasses

import jax
import jax.numpy as jnp
import numpy as np
from jax import lax
from jax.experimental import pallas as pl
from jax.experimental.pallas import tpu as pltpu
from jax.experimental.pallas import tpu_sc as plsc

NC, NS, L = 2, 16, 16
NW = NC * NS
B = 16384
F = 26
D = 16
V_EMB = 2600000
LIN_V = 26000
ROWS_PER_W = B // NW
SUB = 128
NSUB = ROWS_PER_W // SUB
W_IDX_ROWS = F * NSUB
TCB = 4096

_OFFS_FM = np.arange(F, dtype=np.int32) * 100000
_OFFS_LIN = np.arange(F, dtype=np.int32) * 1000


def _fm_body(fm_idx_h, lin_idx_h, emb_h, wfl_h, wl_h, bias_h,
             out_h, idx_e, idx_l, rows_v, fval_v, lin_tab, bias_v,
             out_v, sem):
    wid = lax.axis_index("c") * NS + lax.axis_index("s")
    pltpu.sync_copy(bias_h, bias_v)
    pltpu.sync_copy(wl_h, lin_tab)
    pltpu.sync_copy(fm_idx_h.at[pl.ds(wid * W_IDX_ROWS, W_IDX_ROWS)], idx_e)
    pltpu.sync_copy(lin_idx_h.at[pl.ds(wid * W_IDX_ROWS * 128,
                                       W_IDX_ROWS * 128)], idx_l)

    zeros16 = jnp.zeros((16,), jnp.float32)

    @pl.loop(0, ROWS_PER_W // 16)
    def _(i):
        out_v[pl.ds(i * 16, 16)] = zeros16

    @pl.loop(0, NSUB)
    def _(c):
        copies = []
        for f in range(F):
            copies.append(pltpu.async_copy(
                emb_h.at[idx_e.at[f * NSUB + c]],
                rows_v.at[pl.ds(f * 128, 128)], sem))
        for f in range(F):
            copies.append(pltpu.async_copy(
                wfl_h.at[idx_e.at[f * NSUB + c]],
                fval_v.at[pl.ds(f * 128, 128)], sem))
        for cp in copies:
            cp.wait()

        @pl.loop(0, SUB)
        def _(r):
            s = jnp.zeros((16,), jnp.float32)
            q = jnp.zeros((16,), jnp.float32)
            for f in range(F):
                v = rows_v[f * 128 + r]
                s = s + v
                q = q + v * v
            red = 0.5 * (s * s - q)
            pos = jnp.full((16,), c * SUB + r, jnp.int32)
            plsc.addupdate_scatter(out_v, [pos], red)

        @pl.loop(0, SUB // 16)
        def _(k):
            acc = jnp.zeros((16,), jnp.float32)
            for f in range(F):
                acc = acc + fval_v[pl.ds(f * 128 + k * 16, 16)]
            for f in range(F):
                lidx = idx_l[pl.ds((f * NSUB + c) * 128 + k * 16, 16)]
                acc = acc + plsc.load_gather(lin_tab, [lidx])
            o = pl.ds(c * SUB + k * 16, 16)
            out_v[o] = out_v[o] + acc

    bias_vec = bias_v[...]

    @pl.loop(0, ROWS_PER_W // 16)
    def _(i):
        zv = out_v[pl.ds(i * 16, 16)] + bias_vec
        out_v[pl.ds(i * 16, 16)] = 1.0 / (1.0 + jnp.exp(-zv))

    pltpu.sync_copy(out_v, out_h.at[pl.ds(wid * ROWS_PER_W, ROWS_PER_W)])


@jax.jit
def _fm_model(fm_idx_g, lin_idx_g, w_emb_rows, wfl, wl, bias16):
    mesh = plsc.VectorSubcoreMesh(core_axis_name="c", subcore_axis_name="s")
    cp = pltpu.CompilerParams()
    for fld, val in (("needs_layout_passes", False),
                     ("use_tc_tiling_on_sc", False)):
        if fld in pltpu.CompilerParams.__dataclass_fields__:
            cp = dataclasses.replace(cp, **{fld: val})
    krn = pl.kernel(
        _fm_body,
        out_type=jax.ShapeDtypeStruct((B,), jnp.float32),
        mesh=mesh,
        compiler_params=cp,
        scratch_types=[
            pltpu.VMEM((W_IDX_ROWS, 128), jnp.int32),
            pltpu.VMEM((W_IDX_ROWS * 128,), jnp.int32),
            pltpu.VMEM((SUB * F, D), jnp.float32),
            pltpu.VMEM((SUB * F,), jnp.float32),
            pltpu.VMEM((LIN_V,), jnp.float32),
            pltpu.VMEM((16,), jnp.float32),
            pltpu.VMEM((ROWS_PER_W,), jnp.float32),
            pltpu.SemaphoreType.DMA,
        ],
    )
    return krn(fm_idx_g, lin_idx_g, w_emb_rows, wfl, wl, bias16)


def _worker_major(idx_t):
    return (idx_t.reshape(F, NW, NSUB, 128)
            .swapaxes(0, 1)
            .reshape(NW * W_IDX_ROWS, 128))


def kernel(fm_x, linear_x, W_embed, W_fm_linear, b_fm, W_lin, b_lin):
    fm_idx_t = fm_x.T.astype(jnp.int32) + jnp.asarray(_OFFS_FM)[:, None]
    lin_idx_t = linear_x.T.astype(jnp.int32) + jnp.asarray(_OFFS_LIN)[:, None]

    fm_idx_g = _worker_major(fm_idx_t)
    lin_idx_g = _worker_major(lin_idx_t).reshape(-1)

    w_emb_rows = W_embed
    bias16 = jnp.broadcast_to((b_fm + b_lin).astype(jnp.float32), (16,))
    return _fm_model(fm_idx_g, lin_idx_g, w_emb_rows,
                     W_fm_linear[:, 0], W_lin[:, 0], bias16)

# --- scband reference (transcript-rebuilt; emitter-appended) ---
"""Pipeline reference for scband-fmw-model-60335700574623 (READ-ONLY COPY).

The authoritative reference and input builder live on the scoring server;
editing this copy changes nothing except your own understanding.
"""

import jax, jax.numpy as jnp
import numpy as np

FM_FIELD_DIMS = [100000] * 26
LIN_FIELD_DIMS = [1000] * 26
EMBED_DIM = 16
BATCH = 16384

FM_OFFSETS = np.array((0, *np.cumsum(FM_FIELD_DIMS)[:-1]), dtype=np.int64)
LIN_OFFSETS = np.array((0, *np.cumsum(LIN_FIELD_DIMS)[:-1]), dtype=np.int64)
FM_TOTAL = int(sum(FM_FIELD_DIMS))
LIN_TOTAL = int(sum(LIN_FIELD_DIMS))


def setup_inputs(seed: int = 0) -> dict:
    key = jax.random.key(seed)
    k1, k2, k3, k4, k5, k6 = jax.random.split(key, 6)
    fm_x = jax.random.randint(k1, (BATCH, 26), 0, 100000, dtype=jnp.int64)
    linear_x = jax.random.randint(k2, (BATCH, 26), 0, 1000, dtype=jnp.int64)
    W_embed = jax.random.normal(k3, (FM_TOTAL, EMBED_DIM), dtype=jnp.float32) * 0.01
    W_fm_linear = jax.random.normal(k4, (FM_TOTAL, 1), dtype=jnp.float32) * 0.01
    b_fm = jnp.zeros((1,), dtype=jnp.float32)
    W_lin = jax.random.normal(k5, (LIN_TOTAL, 1), dtype=jnp.float32) * 0.01
    b_lin = jnp.zeros((1,), dtype=jnp.float32)
    return {
        'fm_x': fm_x,
        'linear_x': linear_x,
        'W_embed': W_embed,
        'W_fm_linear': W_fm_linear,
        'b_fm': b_fm,
        'W_lin': W_lin,
        'b_lin': b_lin,
    }


def reference(fm_x, linear_x, W_embed, W_fm_linear, b_fm, W_lin, b_lin):
    fm_idx = fm_x + jnp.asarray(FM_OFFSETS)[None, :]
    lin_idx = linear_x + jnp.asarray(LIN_OFFSETS)[None, :]

    # FMLinear(fm_x): sum of per-field 1-dim embeddings + bias -> [B, 1]
    lin_fm = jnp.sum(jnp.take(W_fm_linear, fm_idx, axis=0), axis=1) + b_fm

    # FMEmbedding(fm_x): [B, F, D]
    emb = jnp.take(W_embed, fm_idx, axis=0)

    # FactoMachine(reduce_sum=True): 0.5 * sum(square_of_sum - sum_of_square) -> [B, 1]
    square_of_sum = jnp.sum(emb, axis=1) ** 2
    sum_of_square = jnp.sum(emb ** 2, axis=1)
    ix = 0.5 * jnp.sum(square_of_sum - sum_of_square, axis=1, keepdims=True)

    # FMLinear(linear_x) -> [B, 1]
    lin_lin = jnp.sum(jnp.take(W_lin, lin_idx, axis=0), axis=1) + b_lin

    x = lin_fm + ix + lin_lin
    return jax.nn.sigmoid(jnp.squeeze(x, axis=1))

if __name__ == "__main__":
    import jax
    _d = setup_inputs()
    print(jax.jit(kernel)(*tuple(_d.values())))

</pallas_src>

<mosaic_0001>
#map = affine_map<(d0, d1) -> (0, 0)>
#map1 = affine_map<(d0, d1) -> (0)>
module attributes {stable_mosaic.version = 14 : i64} {
  func.func @_fm_body(%arg0: i32, %arg1: i32, %arg2: memref<3328x128xi32, #tpu.memory_space<hbm>>, %arg3: memref<425984xi32, #tpu.memory_space<hbm>>, %arg4: memref<2600000x16xf32, #tpu.memory_space<hbm>>, %arg5: memref<2600000xf32, #tpu.memory_space<hbm>>, %arg6: memref<26000xf32, #tpu.memory_space<hbm>>, %arg7: memref<16xf32, #tpu.memory_space<hbm>>, %arg8: memref<16384xf32, #tpu.memory_space<hbm>>, %arg9: memref<104x128xi32, #tpu.memory_space<vmem>>, %arg10: memref<13312xi32, #tpu.memory_space<vmem>>, %arg11: memref<3328x16xf32, #tpu.memory_space<vmem>>, %arg12: memref<3328xf32, #tpu.memory_space<vmem>>, %arg13: memref<26000xf32, #tpu.memory_space<vmem>>, %arg14: memref<16xf32, #tpu.memory_space<vmem>>, %arg15: memref<512xf32, #tpu.memory_space<vmem>>, %arg16: memref<!tpu.dma_semaphore, #tpu.memory_space<semaphore_mem>>) attributes {dimension_semantics = [#tpu.dimension_semantics<core_parallel>, #tpu.dimension_semantics<subcore_parallel>], iteration_bounds = array<i64: 2, 16>, scalar_prefetch = 0 : i64, scratch_operands = 8 : i64, tpu.core_type = #tpu.core_type<sc_vector_subcore>, window_params = [{transform_indices = #map}, {transform_indices = #map1}, {transform_indices = #map}, {transform_indices = #map1}, {transform_indices = #map1}, {transform_indices = #map1}, {transform_indices = #map1}]} {
    %mul3A = arith.constant 16 : i32
    %mul3A_0 = arith.muli %arg0, %mul3A : i32
    %add3A = arith.addi %mul3A_0, %arg1 : i32
    "tpu.region"() ({
      %run_scoped3A = tpu.sem_alloc : memref<!tpu.dma_semaphore, #tpu.memory_space<semaphore_mem>>
      tpu.enqueue_dma source(%arg7 : memref<16xf32, #tpu.memory_space<hbm>>) target(%arg14 : memref<16xf32, #tpu.memory_space<vmem>>) target_semaphore(%run_scoped3A : memref<!tpu.dma_semaphore, #tpu.memory_space<semaphore_mem>>)
      tpu.wait_dma2 semaphore(%run_scoped3A : memref<!tpu.dma_semaphore, #tpu.memory_space<semaphore_mem>>) src(%arg7 : memref<16xf32, #tpu.memory_space<hbm>>) dst(%arg14 : memref<16xf32, #tpu.memory_space<vmem>>)
      tpu.yield
    }) : () -> ()
    "tpu.region"() ({
      %run_scoped3A = tpu.sem_alloc : memref<!tpu.dma_semaphore, #tpu.memory_space<semaphore_mem>>
      tpu.enqueue_dma source(%arg6 : memref<26000xf32, #tpu.memory_space<hbm>>) target(%arg13 : memref<26000xf32, #tpu.memory_space<vmem>>) target_semaphore(%run_scoped3A : memref<!tpu.dma_semaphore, #tpu.memory_space<semaphore_mem>>)
      tpu.wait_dma2 semaphore(%run_scoped3A : memref<!tpu.dma_semaphore, #tpu.memory_space<semaphore_mem>>) src(%arg6 : memref<26000xf32, #tpu.memory_space<hbm>>) dst(%arg13 : memref<26000xf32, #tpu.memory_space<vmem>>)
      tpu.yield
    }) : () -> ()
    %mul3A_1 = arith.constant 104 : i32
    %mul3A_2 = arith.muli %add3A, %mul3A_1 : i32
    "tpu.region"() ({
      %run_scoped3A = tpu.sem_alloc : memref<!tpu.dma_semaphore, #tpu.memory_space<semaphore_mem>>
      %dma_start3A = arith.constant 0 : i32
      %dma_start3A_25 = tpu.memref_slice %arg2[%mul3A_2, %dma_start3A] : memref<3328x128xi32, #tpu.memory_space<hbm>> -> memref<104x128xi32, #tpu.memory_space<hbm>>
      %dma_start3A_26 = arith.constant 0 : i32
      %dma_start3A_27 = tpu.memref_slice %arg2[%mul3A_2, %dma_start3A_26] : memref<3328x128xi32, #tpu.memory_space<hbm>> -> memref<104x128xi32, #tpu.memory_space<hbm>>
      tpu.enqueue_dma source(%dma_start3A_27 : memref<104x128xi32, #tpu.memory_space<hbm>>) target(%arg9 : memref<104x128xi32, #tpu.memory_space<vmem>>) target_semaphore(%run_scoped3A : memref<!tpu.dma_semaphore, #tpu.memory_space<semaphore_mem>>)
      %dma_wait3A = arith.constant 0 : i32
      %dma_wait3A_28 = tpu.memref_slice %arg2[%mul3A_2, %dma_wait3A] : memref<3328x128xi32, #tpu.memory_space<hbm>> -> memref<104x128xi32, #tpu.memory_space<hbm>>
      %dma_wait3A_29 = arith.constant 0 : i32
      %dma_wait3A_30 = tpu.memref_slice %arg2[%mul3A_2, %dma_wait3A_29] : memref<3328x128xi32, #tpu.memory_space<hbm>> -> memref<104x128xi32, #tpu.memory_space<hbm>>
      tpu.wait_dma2 semaphore(%run_scoped3A : memref<!tpu.dma_semaphore, #tpu.memory_space<semaphore_mem>>) src(%dma_wait3A_30 : memref<104x128xi32, #tpu.memory_space<hbm>>) dst(%arg9 : memref<104x128xi32, #tpu.memory_space<vmem>>)
      tpu.yield
    }) : () -> ()
    %mul3A_3 = arith.constant 104 : i32
    %mul3A_4 = arith.muli %add3A, %mul3A_3 : i32
    %mul3A_5 = arith.constant 128 : i32
    %mul3A_6 = arith.muli %mul3A_4, %mul3A_5 : i32
    "tpu.region"() ({
      %run_scoped3A = tpu.sem_alloc : memref<!tpu.dma_semaphore, #tpu.memory_space<semaphore_mem>>
      %dma_start3A = tpu.memref_slice %arg3[%mul3A_6] : memref<425984xi32, #tpu.memory_space<hbm>> -> memref<13312xi32, #tpu.memory_space<hbm>>
      %dma_start3A_25 = tpu.memref_slice %arg3[%mul3A_6] : memref<425984xi32, #tpu.memory_space<hbm>> -> memref<13312xi32, #tpu.memory_space<hbm>>
      tpu.enqueue_dma source(%dma_start3A_25 : memref<13312xi32, #tpu.memory_space<hbm>>) target(%arg10 : memref<13312xi32, #tpu.memory_space<vmem>>) target_semaphore(%run_scoped3A : memref<!tpu.dma_semaphore, #tpu.memory_space<semaphore_mem>>)
      %dma_wait3A = tpu.memref_slice %arg3[%mul3A_6] : memref<425984xi32, #tpu.memory_space<hbm>> -> memref<13312xi32, #tpu.memory_space<hbm>>
      %dma_wait3A_26 = tpu.memref_slice %arg3[%mul3A_6] : memref<425984xi32, #tpu.memory_space<hbm>> -> memref<13312xi32, #tpu.memory_space<hbm>>
      tpu.wait_dma2 semaphore(%run_scoped3A : memref<!tpu.dma_semaphore, #tpu.memory_space<semaphore_mem>>) src(%dma_wait3A_26 : memref<13312xi32, #tpu.memory_space<hbm>>) dst(%arg10 : memref<13312xi32, #tpu.memory_space<vmem>>)
      tpu.yield
    }) : () -> ()
    %broadcast_in_dim3A = arith.constant 0.000000e+00 : f32
    %broadcast_in_dim3A_7 = vector.broadcast %broadcast_in_dim3A : f32 to vector<16xf32>
    %scan3A = arith.constant 0 : i32
    %scan3A_8 = arith.constant 32 : i32
    %scan3A_9 = arith.addi %scan3A, %scan3A_8 : i32
    %scan3A_10 = arith.constant 1 : i32
    scf.for %scan3A_25 = %scan3A to %scan3A_9 step %scan3A_10  : i32 {
      %mul3A_26 = arith.constant 1 : i32
      %mul3A_27 = arith.muli %scan3A_25, %mul3A_26 : i32
      %add3A_28 = arith.constant 0 : i32
      %add3A_29 = arith.addi %add3A_28, %mul3A_27 : i32
      %mul3A_30 = arith.constant 16 : i32
      %mul3A_31 = arith.muli %add3A_29, %mul3A_30 : i32
      %swap3A = arith.index_cast %mul3A_31 : i32 to index
      %swap3A_32 = tpu.vector_load %arg15[%swap3A] {strides = array<i32>} : memref<512xf32, #tpu.memory_space<vmem>>, vector<16xf32>,
      tpu.vector_store %arg15[%swap3A], %broadcast_in_dim3A_7 {strides = array<i32>} : memref<512xf32, #tpu.memory_space<vmem>>, vector<16xf32>,
    }
    %scan3A_11 = arith.constant 32 : i32
    %scan3A_12 = arith.constant 0 : i32
    %scan3A_13 = arith.constant 4 : i32
    %scan3A_14 = arith.addi %scan3A_12, %scan3A_13 : i32
    %scan3A_15 = arith.constant 1 : i32
    scf.for %scan3A_25 = %scan3A_12 to %scan3A_14 step %scan3A_15  : i32 {
      %mul3A_26 = arith.constant 1 : i32
      %mul3A_27 = arith.muli %scan3A_25, %mul3A_26 : i32
      %add3A_28 = arith.constant 0 : i32
      %add3A_29 = arith.addi %add3A_28, %mul3A_27 : i32
      %add3A_30 = arith.constant 0 : i32
      %add3A_31 = arith.addi %add3A_30, %add3A_29 : i32
      %dma_start3A = arith.constant 0 : i32
      %dma_start3A_32 = arith.constant 0 : i32
      %dma_start3A_33 = tpu.memref_slice %arg11[%dma_start3A, %dma_start3A_32] : memref<3328x16xf32, #tpu.memory_space<vmem>> -> memref<128x16xf32, #tpu.memory_space<vmem>>
      %dma_start3A_34 = arith.constant 0 : i32
      %dma_start3A_35 = tpu.memref_slice %arg9[%add3A_31, %dma_start3A_34] : memref<104x128xi32, #tpu.memory_space<vmem>> -> memref<1x128xi32, #tpu.memory_space<vmem>>
      %dma_start3A_36 = tpu.memref_squeeze %dma_start3A_35 : memref<1x128xi32, #tpu.memory_space<vmem>> -> memref<128xi32, #tpu.memory_space<vmem>>
      %dma_start3A_37 = arith.constant 0 : i32
      %dma_start3A_38 = arith.constant 0 : i32
      %dma_start3A_39 = tpu.memref_slice %arg4[%dma_start3A_37, %dma_start3A_38] : memref<2600000x16xf32, #tpu.memory_space<hbm>> -> memref<2600000x16xf32, #tpu.memory_space<hbm>>
      tpu.enqueue_indirect_dma source(%dma_start3A_39 : memref<2600000x16xf32, #tpu.memory_space<hbm>>) target(%dma_start3A_33 : memref<128x16xf32, #tpu.memory_space<vmem>>) offsets(%dma_start3A_36 : memref<128xi32, #tpu.memory_space<vmem>>) semaphore(%arg16 : memref<!tpu.dma_semaphore, #tpu.memory_space<semaphore_mem>>)
      %add3A_40 = arith.constant 4 : i32
      %add3A_41 = arith.addi %add3A_40, %add3A_29 : i32
      %dma_start3A_42 = arith.constant 128 : i32
      %dma_start3A_43 = arith.constant 0 : i32
      %dma_start3A_44 = tpu.memref_slice %arg11[%dma_start3A_42, %dma_start3A_43] : memref<3328x16xf32, #tpu.memory_space<vmem>> -> memref<128x16xf32, #tpu.memory_space<vmem>>
      %dma_start3A_45 = arith.constant 0 : i32
      %dma_start3A_46 = tpu.memref_slice %arg9[%add3A_41, %dma_start3A_45] : memref<104x128xi32, #tpu.memory_space<vmem>> -> memref<1x128xi32, #tpu.memory_space<vmem>>
      %dma_start3A_47 = tpu.memref_squeeze %dma_start3A_46 : memref<1x128xi32, #tpu.memory_space<vmem>> -> memref<128xi32, #tpu.memory_space<vmem>>
      %dma_start3A_48 = arith.constant 0 : i32
      %dma_start3A_49 = arith.constant 0 : i32
      %dma_start3A_50 = tpu.memref_slice %arg4[%dma_start3A_48, %dma_start3A_49] : memref<2600000x16xf32, #tpu.memory_space<hbm>> -> memref<2600000x16xf32, #tpu.memory_space<hbm>>
      tpu.enqueue_indirect_dma source(%dma_start3A_50 : memref<2600000x16xf32, #tpu.memory_space<hbm>>) target(%dma_start3A_44 : memref<128x16xf32, #tpu.memory_space<vmem>>) offsets(%dma_start3A_47 : memref<128xi32, #tpu.memory_space<vmem>>) semaphore(%arg16 : memref<!tpu.dma_semaphore, #tpu.memory_space<semaphore_mem>>)
      %add3A_51 = arith.constant 8 : i32
      %add3A_52 = arith.addi %add3A_51, %add3A_29 : i32
      %dma_start3A_53 = arith.constant 256 : i32
      %dma_start3A_54 = arith.constant 0 : i32
      %dma_start3A_55 = tpu.memref_slice %arg11[%dma_start3A_53, %dma_start3A_54] : memref<3328x16xf32, #tpu.memory_space<vmem>> -> memref<128x16xf32, #tpu.memory_space<vmem>>
      %dma_start3A_56 = arith.constant 0 : i32
      %dma_start3A_57 = tpu.memref_slice %arg9[%add3A_52, %dma_start3A_56] : memref<104x128xi32, #tpu.memory_space<vmem>> -> memref<1x128xi32, #tpu.memory_space<vmem>>
      %dma_start3A_58 = tpu.memref_squeeze %dma_start3A_57 : memref<1x128xi32, #tpu.memory_space<vmem>> -> memref<128xi32, #tpu.memory_space<vmem>>
      %dma_start3A_59 = arith.constant 0 : i32
      %dma_start3A_60 = arith.constant 0 : i32
      %dma_start3A_61 = tpu.memref_slice %arg4[%dma_start3A_59, %dma_start3A_60] : memref<2600000x16xf32, #tpu.memory_space<hbm>> -> memref<2600000x16xf32, #tpu.memory_space<hbm>>
      tpu.enqueue_indirect_dma source(%dma_start3A_61 : memref<2600000x16xf32, #tpu.memory_space<hbm>>) target(%dma_start3A_55 : memref<128x16xf32, #tpu.memory_space<vmem>>) offsets(%dma_start3A_58 : memref<128xi32, #tpu.memory_space<vmem>>) semaphore(%arg16 : memref<!tpu.dma_semaphore, #tpu.memory_space<semaphore_mem>>)
      %add3A_62 = arith.constant 12 : i32
      %add3A_63 = arith.addi %add3A_62, %add3A_29 : i32
      %dma_start3A_64 = arith.constant 384 : i32
      %dma_start3A_65 = arith.constant 0 : i32
      %dma_start3A_66 = tpu.memref_slice %arg11[%dma_start3A_64, %dma_start3A_65] : memref<3328x16xf32, #tpu.memory_space<vmem>> -> memref<128x16xf32, #tpu.memory_space<vmem>>
      %dma_start3A_67 = arith.constant 0 : i32
      %dma_start3A_68 = tpu.memref_slice %arg9[%add3A_63, %dma_start3A_67] : memref<104x128xi32, #tpu.memory_space<vmem>> -> memref<1x128xi32, #tpu.memory_space<vmem>>
      %dma_start3A_69 = tpu.memref_squeeze %dma_start3A_68 : memref<1x128xi32, #tpu.memory_space<vmem>> -> memref<128xi32, #tpu.memory_space<vmem>>
      %dma_start3A_70 = arith.constant 0 : i32
      %dma_start3A_71 = arith.constant 0 : i32
      %dma_start3A_72 = tpu.memref_slice %arg4[%dma_start3A_70, %dma_start3A_71] : memref<2600000x16xf32, #tpu.memory_space<hbm>> -> memref<2600000x16xf32, #tpu.memory_space<hbm>>
      tpu.enqueue_indirect_dma source(%dma_start3A_72 : memref<2600000x16xf32, #tpu.memory_space<hbm>>) target(%dma_start3A_66 : memref<128x16xf32, #tpu.memory_space<vmem>>) offsets(%dma_start3A_69 : memref<128xi32, #tpu.memory_space<vmem>>) semaphore(%arg16 : memref<!tpu.dma_semaphore, #tpu.memory_space<semaphore_mem>>)
      %add3A_73 = arith.constant 16 : i32
      %add3A_74 = arith.addi %add3A_73, %add3A_29 : i32
      %dma_start3A_75 = arith.constant 512 : i32
      %dma_start3A_76 = arith.constant 0 : i32
      %dma_start3A_77 = tpu.memref_slice %arg11[%dma_start3A_75, %dma_start3A_76] : memref<3328x16xf32, #tpu.memory_space<vmem>> -> memref<128x16xf32, #tpu.memory_space<vmem>>
      %dma_start3A_78 = arith.constant 0 : i32
      %dma_start3A_79 = tpu.memref_slice %arg9[%add3A_74, %dma_start3A_78] : memref<104x128xi32, #tpu.memory_space<vmem>> -> memref<1x128xi32, #tpu.memory_space<vmem>>
      %dma_start3A_80 = tpu.memref_squeeze %dma_start3A_79 : memref<1x128xi32, #tpu.memory_space<vmem>> -> memref<128xi32, #tpu.memory_space<vmem>>
      %dma_start3A_81 = arith.constant 0 : i32
      %dma_start3A_82 = arith.constant 0 : i32
      %dma_start3A_83 = tpu.memref_slice %arg4[%dma_start3A_81, %dma_start3A_82] : memref<2600000x16xf32, #tpu.memory_space<hbm>> -> memref<2600000x16xf32, #tpu.memory_space<hbm>>
      tpu.enqueue_indirect_dma source(%dma_start3A_83 : memref<2600000x16xf32, #tpu.memory_space<hbm>>) target(%dma_start3A_77 : memref<128x16xf32, #tpu.memory_space<vmem>>) offsets(%dma_start3A_80 : memref<128xi32, #tpu.memory_space<vmem>>) semaphore(%arg16 : memref<!tpu.dma_semaphore, #tpu.memory_space<semaphore_mem>>)
      %add3A_84 = arith.constant 20 : i32
      %add3A_85 = arith.addi %add3A_84, %add3A_29 : i32
      %dma_start3A_86 = arith.constant 640 : i32
      %dma_start3A_87 = arith.constant 0 : i32
      %dma_start3A_88 = tpu.memref_slice %arg11[%dma_start3A_86, %dma_start3A_87] : memref<3328x16xf32, #tpu.memory_space<vmem>> -> memref<128x16xf32, #tpu.memory_space<vmem>>
      %dma_start3A_89 = arith.constant 0 : i32
      %dma_start3A_90 = tpu.memref_slice %arg9[%add3A_85, %dma_start3A_89] : memref<104x128xi32, #tpu.memory_space<vmem>> -> memref<1x128xi32, #tpu.memory_space<vmem>>
      %dma_start3A_91 = tpu.memref_squeeze %dma_start3A_90 : memref<1x128xi32, #tpu.memory_space<vmem>> -> memref<128xi32, #tpu.memory_space<vmem>>
      %dma_start3A_92 = arith.constant 0 : i32
      %dma_start3A_93 = arith.constant 0 : i32
      %dma_start3A_94 = tpu.memref_slice %arg4[%dma_start3A_92, %dma_start3A_93] : memref<2600000x16xf32, #tpu.memory_space<hbm>> -> memref<2600000x16xf32, #tpu.memory_space<hbm>>
      tpu.enqueue_indirect_dma source(%dma_start3A_94 : memref<2600000x16xf32, #tpu.memory_space<hbm>>) target(%dma_start3A_88 : memref<128x16xf32, #tpu.memory_space<vmem>>) offsets(%dma_start3A_91 : memref<128xi32, #tpu.memory_space<vmem>>) semaphore(%arg16 : memref<!tpu.dma_semaphore, #tpu.memory_space<semaphore_mem>>)
      %add3A_95 = arith.constant 24 : i32
      %add3A_96 = arith.addi %add3A_95, %add3A_29 : i32
      %dma_start3A_97 = arith.constant 768 : i32
      %dma_start3A_98 = arith.constant 0 : i32
      %dma_start3A_99 = tpu.memref_slice %arg11[%dma_start3A_97, %dma_start3A_98] : memref<3328x16xf32, #tpu.memory_space<vmem>> -> memref<128x16xf32, #tpu.memory_space<vmem>>
      %dma_start3A_100 = arith.constant 0 : i32
      %dma_start3A_101 = tpu.memref_slice %arg9[%add3A_96, %dma_start3A_100] : memref<104x128xi32, #tpu.memory_space<vmem>> -> memref<1x128xi32, #tpu.memory_space<vmem>>
      %dma_start3A_102 = tpu.memref_squeeze %dma_start3A_101 : memref<1x128xi32, #tpu.memory_space<vmem>> -> memref<128xi32, #tpu.memory_space<vmem>>
      %dma_start3A_103 = arith.constant 0 : i32
      %dma_start3A_104 = arith.constant 0 : i32
      %dma_start3A_105 = tpu.memref_slice %arg4[%dma_start3A_103, %dma_start3A_104] : memref<2600000x16xf32, #tpu.memory_space<hbm>> -> memref<2600000x16xf32, #tpu.memory_space<hbm>>
      tpu.enqueue_indirect_dma source(%dma_start3A_105 : memref<2600000x16xf32, #tpu.memory_space<hbm>>) target(%dma_start3A_99 : memref<128x16xf32, #tpu.memory_space<vmem>>) offsets(%dma_start3A_102 : memref<128xi32, #tpu.memory_space<vmem>>) semaphore(%arg16 : memref<!tpu.dma_semaphore, #tpu.memory_space<semaphore_mem>>)
      %add3A_106 = arith.constant 28 : i32
      %add3A_107 = arith.addi %add3A_106, %add3A_29 : i32
      %dma_start3A_108 = arith.constant 896 : i32
      %dma_start3A_109 = arith.constant 0 : i32
      %dma_start3A_110 = tpu.memref_slice %arg11[%dma_start3A_108, %dma_start3A_109] : memref<3328x16xf32, #tpu.memory_space<vmem>> -> memref<128x16xf32, #tpu.memory_space<vmem>>
      %dma_start3A_111 = arith.constant 0 : i32
      %dma_start3A_112 = tpu.memref_slice %arg9[%add3A_107, %dma_start3A_111] : memref<104x128xi32, #tpu.memory_space<vmem>> -> memref<1x128xi32, #tpu.memory_space<vmem>>
      %dma_start3A_113 = tpu.memref_squeeze %dma_start3A_112 : memref<1x128xi32, #tpu.memory_space<vmem>> -> memref<128xi32, #tpu.memory_space<vmem>>
      %dma_start3A_114 = arith.constant 0 : i32
      %dma_start3A_115 = arith.constant 0 : i32
      %dma_start3A_116 = tpu.memref_slice %arg4[%dma_start3A_114, %dma_start3A_115] : memref<2600000x16xf32, #tpu.memory_space<hbm>> -> memref<2600000x16xf32, #tpu.memory_space<hbm>>
      tpu.enqueue_indirect_dma source(%dma_start3A_116 : memref<2600000x16xf32, #tpu.memory_space<hbm>>) target(%dma_start3A_110 : memref<128x16xf32, #tpu.memory_space<vmem>>) offsets(%dma_start3A_113 : memref<128xi32, #tpu.memory_space<vmem>>) semaphore(%arg16 : memref<!tpu.dma_semaphore, #tpu.memory_space<semaphore_mem>>)
      %add3A_117 = arith.constant 32 : i32
      %add3A_118 = arith.addi %add3A_117, %add3A_29 : i32
      %dma_start3A_119 = arith.constant 1024 : i32
      %dma_start3A_120 = arith.constant 0 : i32
      %dma_start3A_121 = tpu.memref_slice %arg11[%dma_start3A_119, %dma_start3A_120] : memref<3328x16xf32, #tpu.memory_space<vmem>> -> memref<128x16xf32, #tpu.memory_space<vmem>>
      %dma_start3A_122 = arith.constant 0 : i32
      %dma_start3A_123 = tpu.memref_slice %arg9[%add3A_118, %dma_start3A_122] : memref<104x128xi32, #tpu.memory_space<vmem>> -> memref<1x128xi32, #tpu.memory_space<vmem>>
      %dma_start3A_124 = tpu.memref_squeeze %dma_start3A_123 : memref<1x128xi32, #tpu.memory_space<vmem>> -> memref<128xi32, #tpu.memory_space<vmem>>
      %dma_start3A_125 = arith.constant 0 : i32
      %dma_start3A_126 = arith.constant 0 : i32
      %dma_start3A_127 = tpu.memref_slice %arg4[%dma_start3A_125, %dma_start3A_126] : memref<2600000x16xf32, #tpu.memory_space<hbm>> -> memref<2600000x16xf32, #tpu.memory_space<hbm>>
      tpu.enqueue_indirect_dma source(%dma_start3A_127 : memref<2600000x16xf32, #tpu.memory_space<hbm>>) target(%dma_start3A_121 : memref<128x16xf32, #tpu.memory_space<vmem>>) offsets(%dma_start3A_124 : memref<128xi32, #tpu.memory_space<vmem>>) semaphore(%arg16 : memref<!tpu.dma_semaphore, #tpu.memory_space<semaphore_mem>>)
      %add3A_128 = arith.constant 36 : i32
      %add3A_129 = arith.addi %add3A_128, %add3A_29 : i32
      %dma_start3A_130 = arith.constant 1152 : i32
      %dma_start3A_131 = arith.constant 0 : i32
      %dma_start3A_132 = tpu.memref_slice %arg11[%dma_start3A_130, %dma_start3A_131] : memref<3328x16xf32, #tpu.memory_space<vmem>> -> memref<128x16xf32, #tpu.memory_space<vmem>>
      %dma_start3A_133 = arith.constant 0 : i32
      %dma_start3A_134 = tpu.memref_slice %arg9[%add3A_129, %dma_start3A_133] : memref<104x128xi32, #tpu.memory_space<vmem>> -> memref<1x128xi32, #tpu.memory_space<vmem>>
      %dma_start3A_135 = tpu.memref_squeeze %dma_start3A_134 : memref<1x128xi32, #tpu.memory_space<vmem>> -> memref<128xi32, #tpu.memory_space<vmem>>
      %dma_start3A_136 = arith.constant 0 : i32
      %dma_start3A_137 = arith.constant 0 : i32
      %dma_start3A_138 = tpu.memref_slice %arg4[%dma_start3A_136, %dma_start3A_137] : memref<2600000x16xf32, #tpu.memory_space<hbm>> -> memref<2600000x16xf32, #tpu.memory_space<hbm>>
      tpu.enqueue_indirect_dma source(%dma_start3A_138 : memref<2600000x16xf32, #tpu.memory_space<hbm>>) target(%dma_start3A_132 : memref<128x16xf32, #tpu.memory_space<vmem>>) offsets(%dma_start3A_135 : memref<128xi32, #tpu.memory_space<vmem>>) semaphore(%arg16 : memref<!tpu.dma_semaphore, #tpu.memory_space<semaphore_mem>>)
      %add3A_139 = arith.constant 40 : i32
      %add3A_140 = arith.addi %add3A_139, %add3A_29 : i32
      %dma_start3A_141 = arith.constant 1280 : i32
      %dma_start3A_142 = arith.constant 0 : i32
      %dma_start3A_143 = tpu.memref_slice %arg11[%dma_start3A_141, %dma_start3A_142] : memref<3328x16xf32, #tpu.memory_space<vmem>> -> memref<128x16xf32, #tpu.memory_space<vmem>>
      %dma_start3A_144 = arith.constant 0 : i32
      %dma_start3A_145 = tpu.memref_slice %arg9[%add3A_140, %dma_start3A_144] : memref<104x128xi32, #tpu.memory_space<vmem>> -> memref<1x128xi32, #tpu.memory_space<vmem>>
      %dma_start3A_146 = tpu.memref_squeeze %dma_start3A_145 : memref<1x128xi32, #tpu.memory_space<vmem>> -> memref<128xi32, #tpu.memory_space<vmem>>
      %dma_start3A_147 = arith.constant 0 : i32
      %dma_start3A_148 = arith.constant 0 : i32
      %dma_start3A_149 = tpu.memref_slice %arg4[%dma_start3A_147, %dma_start3A_148] : memref<2600000x16xf32, #tpu.memory_space<hbm>> -> memref<2600000x16xf32, #tpu.memory_space<hbm>>
      tpu.enqueue_indirect_dma source(%dma_start3A_149 : memref<2600000x16xf32, #tpu.memory_space<hbm>>) target(%dma_start3A_143 : memref<128x16xf32, #tpu.memory_space<vmem>>) offsets(%dma_start3A_146 : memref<128xi32, #tpu.memory_space<vmem>>) semaphore(%arg16 : memref<!tpu.dma_semaphore, #tpu.memory_space<semaphore_mem>>)
      %add3A_150 = arith.constant 44 : i32
      %add3A_151 = arith.addi %add3A_150, %add3A_29 : i32
      %dma_start3A_152 = arith.constant 1408 : i32
      %dma_start3A_153 = arith.constant 0 : i32
      %dma_start3A_154 = tpu.memref_slice %arg11[%dma_start3A_152, %dma_start3A_153] : memref<3328x16xf32, #tpu.memory_space<vmem>> -> memref<128x16xf32, #tpu.memory_space<vmem>>
      %dma_start3A_155 = arith.constant 0 : i32
      %dma_start3A_156 = tpu.memref_slice %arg9[%add3A_151, %dma_start3A_155] : memref<104x128xi32, #tpu.memory_space<vmem>> -> memref<1x128xi32, #tpu.memory_space<vmem>>
      %dma_start3A_157 = tpu.memref_squeeze %dma_start3A_156 : memref<1x128xi32, #tpu.memory_space<vmem>> -> memref<128xi32, #tpu.memory_space<vmem>>
      %dma_start3A_158 = arith.constant 0 : i32
      %dma_start3A_159 = arith.constant 0 : i32
      %dma_start3A_160 = tpu.memref_slice %arg4[%dma_start3A_158, %dma_start3A_159] : memref<2600000x16xf32, #tpu.memory_space<hbm>> -> memref<2600000x16xf32, #tpu.memory_space<hbm>>
      tpu.enqueue_indirect_dma source(%dma_start3A_160 : memref<2600000x16xf32, #tpu.memory_space<hbm>>) target(%dma_start3A_154 : memref<128x16xf32, #tpu.memory_space<vmem>>) offsets(%dma_start3A_157 : memref<128xi32, #tpu.memory_space<vmem>>) semaphore(%arg16 : memref<!tpu.dma_semaphore, #tpu.memory_space<semaphore_mem>>)
      %add3A_161 = arith.constant 48 : i32
      %add3A_162 = arith.addi %add3A_161, %add3A_29 : i32
      %dma_start3A_163 = arith.constant 1536 : i32
      %dma_start3A_164 = arith.constant 0 : i32
      %dma_start3A_165 = tpu.memref_slice %arg11[%dma_start3A_163, %dma_start3A_164] : memref<3328x16xf32, #tpu.memory_space<vmem>> -> memref<128x16xf32, #tpu.memory_space<vmem>>
      %dma_start3A_166 = arith.constant 0 : i32
      %dma_start3A_167 = tpu.memref_slice %arg9[%add3A_162, %dma_start3A_166] : memref<104x128xi32, #tpu.memory_space<vmem>> -> memref<1x128xi32, #tpu.memory_space<vmem>>
      %dma_start3A_168 = tpu.memref_squeeze %dma_start3A_167 : memref<1x128xi32, #tpu.memory_space<vmem>> -> memref<128xi32, #tpu.memory_space<vmem>>
      %dma_start3A_169 = arith.constant 0 : i32
      %dma_start3A_170 = arith.constant 0 : i32
      %dma_start3A_171 = tpu.memref_slice %arg4[%dma_start3A_169, %dma_start3A_170] : memref<2600000x16xf32, #tpu.memory_space<hbm>> -> memref<2600000x16xf32, #tpu.memory_space<hbm>>
      tpu.enqueue_indirect_dma source(%dma_start3A_171 : memref<2600000x16xf32, #tpu.memory_space<hbm>>) target(%dma_start3A_165 : memref<128x16xf32, #tpu.memory_space<vmem>>) offsets(%dma_start3A_168 : memref<128xi32, #tpu.memory_space<vmem>>) semaphore(%arg16 : memref<!tpu.dma_semaphore, #tpu.memory_space<semaphore_mem>>)
      %add3A_172 = arith.constant 52 : i32
      %add3A_173 = arith.addi %add3A_172, %add3A_29 : i32
      %dma_start3A_174 = arith.constant 1664 : i32
      %dma_start3A_175 = arith.constant 0 : i32
      %dma_start3A_176 = tpu.memref_slice %arg11[%dma_start3A_174, %dma_start3A_175] : memref<3328x16xf32, #tpu.memory_space<vmem>> -> memref<128x16xf32, #tpu.memory_space<vmem>>
      %dma_start3A_177 = arith.constant 0 : i32
      %dma_start3A_178 = tpu.memref_slice %arg9[%add3A_173, %dma_start3A_177] : memref<104x128xi32, #tpu.memory_space<vmem>> -> memref<1x128xi32, #tpu.memory_space<vmem>>
      %dma_start3A_179 = tpu.memref_squeeze %dma_start3A_178 : memref<1x128xi32, #tpu.memory_space<vmem>> -> memref<128xi32, #tpu.memory_space<vmem>>
      %dma_start3A_180 = arith.constant 0 : i32
      %dma_start3A_181 = arith.constant 0 : i32
      %dma_start3A_182 = tpu.memref_slice %arg4[%dma_start3A_180, %dma_start3A_181] : memref<2600000x16xf32, #tpu.memory_space<hbm>> -> memref<2600000x16xf32, #tpu.memory_space<hbm>>
      tpu.enqueue_indirect_dma source(%dma_start3A_182 : memref<2600000x16xf32, #tpu.memory_space<hbm>>) target(%dma_start3A_176 : memref<128x16xf32, #tpu.memory_space<vmem>>) offsets(%dma_start3A_179 : memref<128xi32, #tpu.memory_space<vmem>>) semaphore(%arg16 : memref<!tpu.dma_semaphore, #tpu.memory_space<semaphore_mem>>)
      %add3A_183 = arith.constant 56 : i32
      %add3A_184 = arith.addi %add3A_183, %add3A_29 : i32
      %dma_start3A_185 = arith.constant 1792 : i32
      %dma_start3A_186 = arith.constant 0 : i32
      %dma_start3A_187 = tpu.memref_slice %arg11[%dma_start3A_185, %dma_start3A_186] : memref<3328x16xf32, #tpu.memory_space<vmem>> -> memref<128x16xf32, #tpu.memory_space<vmem>>
      %dma_start3A_188 = arith.constant 0 : i32
      %dma_start3A_189 = tpu.memref_slice %arg9[%add3A_184, %dma_start3A_188] : memref<104x128xi32, #tpu.memory_space<vmem>> -> memref<1x128xi32, #tpu.memory_space<vmem>>
      %dma_start3A_190 = tpu.memref_squeeze %dma_start3A_189 : memref<1x128xi32, #tpu.memory_space<vmem>> -> memref<128xi32, #tpu.memory_space<vmem>>
      %dma_start3A_191 = arith.constant 0 : i32
      %dma_start3A_192 = arith.constant 0 : i32
      %dma_start3A_193 = tpu.memref_slice %arg4[%dma_start3A_191, %dma_start3A_192] : memref<2600000x16xf32, #tpu.memory_space<hbm>> -> memref<2600000x16xf32, #tpu.memory_space<hbm>>
      tpu.enqueue_indirect_dma source(%dma_start3A_193 : memref<2600000x16xf32, #tpu.memory_space<hbm>>) target(%dma_start3A_187 : memref<128x16xf32, #tpu.memory_space<vmem>>) offsets(%dma_start3A_190 : memref<128xi32, #tpu.memory_space<vmem>>) semaphore(%arg16 : memref<!tpu.dma_semaphore, #tpu.memory_space<semaphore_mem>>)
      %add3A_194 = arith.constant 60 : i32
      %add3A_195 = arith.addi %add3A_194, %add3A_29 : i32
      %dma_start3A_196 = arith.constant 1920 : i32
      %dma_start3A_197 = arith.constant 0 : i32
      %dma_start3A_198 = tpu.memref_slice %arg11[%dma_start3A_196, %dma_start3A_197] : memref<3328x16xf32, #tpu.memory_space<vmem>> -> memref<128x16xf32, #tpu.memory_space<vmem>>
      %dma_start3A_199 = arith.constant 0 : i32
      %dma_start3A_200 = tpu.memref_slice %arg9[%add3A_195, %dma_start3A_199] : memref<104x128xi32, #tpu.memory_space<vmem>> -> memref<1x128xi32, #tpu.memory_space<vmem>>
      %dma_start3A_201 = tpu.memref_squeeze %dma_start3A_200 : memref<1x128xi32, #tpu.memory_space<vmem>> -> memref<128xi32, #tpu.memory_space<vmem>>
      %dma_start3A_202 = arith.constant 0 : i32
      %dma_start3A_203 = arith.constant 0 : i32
      %dma_start3A_204 = tpu.memref_slice %arg4[%dma_start3A_202, %dma_start3A_203] : memref<2600000x16xf32, #tpu.memory_space<hbm>> -> memref<2600000x16xf32, #tpu.memory_space<hbm>>
      tpu.enqueue_indirect_dma source(%dma_start3A_204 : memref<2600000x16xf32, #tpu.memory_space<hbm>>) target(%dma_start3A_198 : memref<128x16xf32, #tpu.memory_space<vmem>>) offsets(%dma_start3A_201 : memref<128xi32, #tpu.memory_space<vmem>>) semaphore(%arg16 : memref<!tpu.dma_semaphore, #tpu.memory_space<semaphore_mem>>)
      %add3A_205 = arith.constant 64 : i32
      %add3A_206 = arith.addi %add3A_205, %add3A_29 : i32
      %dma_start3A_207 = arith.constant 2048 : i32
      %dma_start3A_208 = arith.constant 0 : i32
      %dma_start3A_209 = tpu.memref_slice %arg11[%dma_start3A_207, %dma_start3A_208] : memref<3328x16xf32, #tpu.memory_space<vmem>> -> memref<128x16xf32, #tpu.memory_space<vmem>>
      %dma_start3A_210 = arith.constant 0 : i32
      %dma_start3A_211 = tpu.memref_slice %arg9[%add3A_206, %dma_start3A_210] : memref<104x128xi32, #tpu.memory_space<vmem>> -> memref<1x128xi32, #tpu.memory_space<vmem>>
      %dma_start3A_212 = tpu.memref_squeeze %dma_start3A_211 : memref<1x128xi32, #tpu.memory_space<vmem>> -> memref<128xi32, #tpu.memory_space<vmem>>
      %dma_start3A_213 = arith.constant 0 : i32
      %dma_start3A_214 = arith.constant 0 : i32
      %dma_start3A_215 = tpu.memref_slice %arg4[%dma_start3A_213, %dma_start3A_214] : memref<2600000x16xf32, #tpu.memory_space<hbm>> -> memref<2600000x16xf32, #tpu.memory_space<hbm>>
      tpu.enqueue_indirect_dma source(%dma_start3A_215 : memref<2600000x16xf32, #tpu.memory_space<hbm>>) target(%dma_start3A_209 : memref<128x16xf32, #tpu.memory_space<vmem>>) offsets(%dma_start3A_212 : memref<128xi32, #tpu.memory_space<vmem>>) semaphore(%arg16 : memref<!tpu.dma_semaphore, #tpu.memory_space<semaphore_mem>>)
      %add3A_216 = arith.constant 68 : i32
      %add3A_217 = arith.addi %add3A_216, %add3A_29 : i32
      %dma_start3A_218 = arith.constant 2176 : i32
      %dma_start3A_219 = arith.constant 0 : i32
      %dma_start3A_220 = tpu.memref_slice %arg11[%dma_start3A_218, %dma_start3A_219] : memref<3328x16xf32, #tpu.memory_space<vmem>> -> memref<128x16xf32, #tpu.memory_space<vmem>>
      %dma_start3A_221 = arith.constant 0 : i32
      %dma_start3A_222 = tpu.memref_slice %arg9[%add3A_217, %dma_start3A_221] : memref<104x128xi32, #tpu.memory_space<vmem>> -> memref<1x128xi32, #tpu.memory_space<vmem>>
      %dma_start3A_223 = tpu.memref_squeeze %dma_start3A_222 : memref<1x128xi32, #tpu.memory_space<vmem>> -> memref<128xi32, #tpu.memory_space<vmem>>
      %dma_start3A_224 = arith.constant 0 : i32
      %dma_start3A_225 = arith.constant 0 : i32
      %dma_start3A_226 = tpu.memref_slice %arg4[%dma_start3A_224, %dma_start3A_225] : memref<2600000x16xf32, #tpu.memory_space<hbm>> -> memref<2600000x16xf32, #tpu.memory_space<hbm>>
      tpu.enqueue_indirect_dma source(%dma_start3A_226 : memref<2600000x16xf32, #tpu.memory_space<hbm>>) target(%dma_start3A_220 : memref<128x16xf32, #tpu.memory_space<vmem>>) offsets(%dma_start3A_223 : memref<128xi32, #tpu.memory_space<vmem>>) semaphore(%arg16 : memref<!tpu.dma_semaphore, #tpu.memory_space<semaphore_mem>>)
      %add3A_227 = arith.constant 72 : i32
      %add3A_228 = arith.addi %add3A_227, %add3A_29 : i32
      %dma_start3A_229 = arith.constant 2304 : i32
      %dma_start3A_230 = arith.constant 0 : i32
      %dma_start3A_231 = tpu.memref_slice %arg11[%dma_start3A_229, %dma_start3A_230] : memref<3328x16xf32, #tpu.memory_space<vmem>> -> memref<128x16xf32, #tpu.memory_space<vmem>>
      %dma_start3A_232 = arith.constant 0 : i32
      %dma_start3A_233 = tpu.memref_slice %arg9[%add3A_228, %dma_start3A_232] : memref<104x128xi32, #tpu.memory_space<vmem>> -> memref<1x128xi32, #tpu.memory_space<vmem>>
      %dma_start3A_234 = tpu.memref_squeeze %dma_start3A_233 : memref<1x128xi32, #tpu.memory_space<vmem>> -> memref<128xi32, #tpu.memory_space<vmem>>
      %dma_start3A_235 = arith.constant 0 : i32
      %dma_start3A_236 = arith.constant 0 : i32
      %dma_start3A_237 = tpu.memref_slice %arg4[%dma_start3A_235, %dma_start3A_236] : memref<2600000x16xf32, #tpu.memory_space<hbm>> -> memref<2600000x16xf32, #tpu.memory_space<hbm>>
      tpu.enqueue_indirect_dma source(%dma_start3A_237 : memref<2600000x16xf32, #tpu.memory_space<hbm>>) target(%dma_start3A_231 : memref<128x16xf32, #tpu.memory_space<vmem>>) offsets(%dma_start3A_234 : memref<128xi32, #tpu.memory_space<vmem>>) semaphore(%arg16 : memref<!tpu.dma_semaphore, #tpu.memory_space<semaphore_mem>>)
      %add3A_238 = arith.constant 76 : i32
      %add3A_239 = arith.addi %add3A_238, %add3A_29 : i32
      %dma_start3A_240 = arith.constant 2432 : i32
      %dma_start3A_241 = arith.constant 0 : i32
      %dma_start3A_242 = tpu.memref_slice %arg11[%dma_start3A_240, %dma_start3A_241] : memref<3328x16xf32, #tpu.memory_space<vmem>> -> memref<128x16xf32, #tpu.memory_space<vmem>>
      %dma_start3A_243 = arith.constant 0 : i32
      %dma_start3A_244 = tpu.memref_slice %arg9[%add3A_239, %dma_start3A_243] : memref<104x128xi32, #tpu.memory_space<vmem>> -> memref<1x128xi32, #tpu.memory_space<vmem>>
      %dma_start3A_245 = tpu.memref_squeeze %dma_start3A_244 : memref<1x128xi32, #tpu.memory_space<vmem>> -> memref<128xi32, #tpu.memory_space<vmem>>
      %dma_start3A_246 = arith.constant 0 : i32
      %dma_start3A_247 = arith.constant 0 : i32
      %dma_start3A_248 = tpu.memref_slice %arg4[%dma_start3A_246, %dma_start3A_247] : memref<2600000x16xf32, #tpu.memory_space<hbm>> -> memref<2600000x16xf32, #tpu.memory_space<hbm>>
      tpu.enqueue_indirect_dma source(%dma_start3A_248 : memref<2600000x16xf32, #tpu.memory_space<hbm>>) target(%dma_start3A_242 : memref<128x16xf32, #tpu.memory_space<vmem>>) offsets(%dma_start3A_245 : memref<128xi32, #tpu.memory_space<vmem>>) semaphore(%arg16 : memref<!tpu.dma_semaphore, #tpu.memory_space<semaphore_mem>>)
      %add3A_249 = arith.constant 80 : i32
      %add3A_250 = arith.addi %add3A_249, %add3A_29 : i32
      %dma_start3A_251 = arith.constant 2560 : i32
      %dma_start3A_252 = arith.constant 0 : i32
      %dma_start3A_253 = tpu.memref_slice %arg11[%dma_start3A_251, %dma_start3A_252] : memref<3328x16xf32, #tpu.memory_space<vmem>> -> memref<128x16xf32, #tpu.memory_space<vmem>>
      %dma_start3A_254 = arith.constant 0 : i32
      %dma_start3A_255 = tpu.memref_slice %arg9[%add3A_250, %dma_start3A_254] : memref<104x128xi32, #tpu.memory_space<vmem>> -> memref<1x128xi32, #tpu.memory_space<vmem>>
      %dma_start3A_256 = tpu.memref_squeeze %dma_start3A_255 : memref<1x128xi32, #tpu.memory_space<vmem>> -> memref<128xi32, #tpu.memory_space<vmem>>
      %dma_start3A_257 = arith.constant 0 : i32
      %dma_start3A_258 = arith.constant 0 : i32
      %dma_start3A_259 = tpu.memref_slice %arg4[%dma_start3A_257, %dma_start3A_258] : memref<2600000x16xf32, #tpu.memory_space<hbm>> -> memref<2600000x16xf32, #tpu.memory_space<hbm>>
      tpu.enqueue_indirect_dma source(%dma_start3A_259 : memref<2600000x16xf32, #tpu.memory_space<hbm>>) target(%dma_start3A_253 : memref<128x16xf32, #tpu.memory_space<vmem>>) offsets(%dma_start3A_256 : memref<128xi32, #tpu.memory_space<vmem>>) semaphore(%arg16 : memref<!tpu.dma_semaphore, #tpu.memory_space<semaphore_mem>>)
      %add3A_260 = arith.constant 84 : i32
      %add3A_261 = arith.addi %add3A_260, %add3A_29 : i32
      %dma_start3A_262 = arith.constant 2688 : i32
      %dma_start3A_263 = arith.constant 0 : i32
      %dma_start3A_264 = tpu.memref_slice %arg11[%dma_start3A_262, %dma_start3A_263] : memref<3328x16xf32, #tpu.memory_space<vmem>> -> memref<128x16xf32, #tpu.memory_space<vmem>>
      %dma_start3A_265 = arith.constant 0 : i32
      %dma_start3A_266 = tpu.memref_slice %arg9[%add3A_261, %dma_start3A_265] : memref<104x128xi32, #tpu.memory_space<vmem>> -> memref<1x128xi32, #tpu.memory_space<vmem>>
      %dma_start3A_267 = tpu.memref_squeeze %dma_start3A_266 : memref<1x128xi32, #tpu.memory_space<vmem>> -> memref<128xi32, #tpu.memory_space<vmem>>
      %dma_start3A_268 = arith.constant 0 : i32
      %dma_start3A_269 = arith.constant 0 : i32
      %dma_start3A_270 = tpu.memref_slice %arg4[%dma_start3A_268, %dma_start3A_269] : memref<2600000x16xf32, #tpu.memory_space<hbm>> -> memref<2600000x16xf32, #tpu.memory_space<hbm>>
      tpu.enqueue_indirect_dma source(%dma_start3A_270 : memref<2600000x16xf32, #tpu.memory_space<hbm>>) target(%dma_start3A_264 : memref<128x16xf32, #tpu.memory_space<vmem>>) offsets(%dma_start3A_267 : memref<128xi32, #tpu.memory_space<vmem>>) semaphore(%arg16 : memref<!tpu.dma_semaphore, #tpu.memory_space<semaphore_mem>>)
      %add3A_271 = arith.constant 88 : i32
      %add3A_272 = arith.addi %add3A_271, %add3A_29 : i32
      %dma_start3A_273 = arith.constant 2816 : i32
      %dma_start3A_274 = arith.constant 0 : i32
      %dma_start3A_275 = tpu.memref_slice %arg11[%dma_start3A_273, %dma_start3A_274] : memref<3328x16xf32, #tpu.memory_space<vmem>> -> memref<128x16xf32, #tpu.memory_space<vmem>>
      %dma_start3A_276 = arith.constant 0 : i32
      %dma_start3A_277 = tpu.memref_slice %arg9[%add3A_272, %dma_start3A_276] : memref<104x128xi32, #tpu.memory_space<vmem>> -> memref<1x128xi32, #tpu.memory_space<vmem>>
      %dma_start3A_278 = tpu.memref_squeeze %dma_start3A_277 : memref<1x128xi32, #tpu.memory_space<vmem>> -> memref<128xi32, #tpu.memory_space<vmem>>
      %dma_start3A_279 = arith.constant 0 : i32
      %dma_start3A_280 = arith.constant 0 : i32
      %dma_start3A_281 = tpu.memref_slice %arg4[%dma_start3A_279, %dma_start3A_280] : memref<2600000x16xf32, #tpu.memory_space<hbm>> -> memref<2600000x16xf32, #tpu.memory_space<hbm>>
      tpu.enqueue_indirect_dma source(%dma_start3A_281 : memref<2600000x16xf32, #tpu.memory_space<hbm>>) target(%dma_start3A_275 : memref<128x16xf32, #tpu.memory_space<vmem>>) offsets(%dma_start3A_278 : memref<128xi32, #tpu.memory_space<vmem>>) semaphore(%arg16 : memref<!tpu.dma_semaphore, #tpu.memory_space<semaphore_mem>>)
      %add3A_282 = arith.constant 92 : i32
      %add3A_283 = arith.addi %add3A_282, %add3A_29 : i32
      %dma_start3A_284 = arith.constant 2944 : i32
      %dma_start3A_285 = arith.constant 0 : i32
      %dma_start3A_286 = tpu.memref_slice %arg11[%dma_start3A_284, %dma_start3A_285] : memref<3328x16xf32, #tpu.memory_space<vmem>> -> memref<128x16xf32, #tpu.memory_space<vmem>>
      %dma_start3A_287 = arith.constant 0 : i32
      %dma_start3A_288 = tpu.memref_slice %arg9[%add3A_283, %dma_start3A_287] : memref<104x128xi32, #tpu.memory_space<vmem>> -> memref<1x128xi32, #tpu.memory_space<vmem>>
      %dma_start3A_289 = tpu.memref_squeeze %dma_start3A_288 : memref<1x128xi32, #tpu.memory_space<vmem>> -> memref<128xi32, #tpu.memory_space<vmem>>
      %dma_start3A_290 = arith.constant 0 : i32
      %dma_start3A_291 = arith.constant 0 : i32
      %dma_start3A_292 = tpu.memref_slice %arg4[%dma_start3A_290, %dma_start3A_291] : memref<2600000x16xf32, #tpu.memory_space<hbm>> -> memref<2600000x16xf32, #tpu.memory_space<hbm>>
      tpu.enqueue_indirect_dma source(%dma_start3A_292 : memref<2600000x16xf32, #tpu.memory_space<hbm>>) target(%dma_start3A_286 : memref<128x16xf32, #tpu.memory_space<vmem>>) offsets(%dma_start3A_289 : memref<128xi32, #tpu.memory_space<vmem>>) semaphore(%arg16 : memref<!tpu.dma_semaphore, #tpu.memory_space<semaphore_mem>>)
      %add3A_293 = arith.constant 96 : i32
      %add3A_294 = arith.addi %add3A_293, %add3A_29 : i32
      %dma_start3A_295 = arith.constant 3072 : i32
      %dma_start3A_296 = arith.constant 0 : i32
      %dma_start3A_297 = tpu.memref_slice %arg11[%dma_start3A_295, %dma_start3A_296] : memref<3328x16xf32, #tpu.memory_space<vmem>> -> memref<128x16xf32, #tpu.memory_space<vmem>>
      %dma_start3A_298 = arith.constant 0 : i32
      %dma_start3A_299 = tpu.memref_slice %arg9[%add3A_294, %dma_start3A_298] : memref<104x128xi32, #tpu.memory_space<vmem>> -> memref<1x128xi32, #tpu.memory_space<vmem>>
      %dma_start3A_300 = tpu.memref_squeeze %dma_start3A_299 : memref<1x128xi32, #tpu.memory_space<vmem>> -> memref<128xi32, #tpu.memory_space<vmem>>
      %dma_start3A_301 = arith.constant 0 : i32
      %dma_start3A_302 = arith.constant 0 : i32
      %dma_start3A_303 = tpu.memref_slice %arg4[%dma_start3A_301, %dma_start3A_302] : memref<2600000x16xf32, #tpu.memory_space<hbm>> -> memref<2600000x16xf32, #tpu.memory_space<hbm>>
      tpu.enqueue_indirect_dma source(%dma_start3A_303 : memref<2600000x16xf32, #tpu.memory_space<hbm>>) target(%dma_start3A_297 : memref<128x16xf32, #tpu.memory_space<vmem>>) offsets(%dma_start3A_300 : memref<128xi32, #tpu.memory_space<vmem>>) semaphore(%arg16 : memref<!tpu.dma_semaphore, #tpu.memory_space<semaphore_mem>>)
      %add3A_304 = arith.constant 100 : i32
      %add3A_305 = arith.addi %add3A_304, %add3A_29 : i32
      %dma_start3A_306 = arith.constant 3200 : i32
      %dma_start3A_307 = arith.constant 0 : i32
      %dma_start3A_308 = tpu.memref_slice %arg11[%dma_start3A_306, %dma_start3A_307] : memref<3328x16xf32, #tpu.memory_space<vmem>> -> memref<128x16xf32, #tpu.memory_space<vmem>>
      %dma_start3A_309 = arith.constant 0 : i32
      %dma_start3A_310 = tpu.memref_slice %arg9[%add3A_305, %dma_start3A_309] : memref<104x128xi32, #tpu.memory_space<vmem>> -> memref<1x128xi32, #tpu.memory_space<vmem>>
      %dma_start3A_311 = tpu.memref_squeeze %dma_start3A_310 : memref<1x128xi32, #tpu.memory_space<vmem>> -> memref<128xi32, #tpu.memory_space<vmem>>
      %dma_start3A_312 = arith.constant 0 : i32
      %dma_start3A_313 = arith.constant 0 : i32
      %dma_start3A_314 = tpu.memref_slice %arg4[%dma_start3A_312, %dma_start3A_313] : memref<2600000x16xf32, #tpu.memory_space<hbm>> -> memref<2600000x16xf32, #tpu.memory_space<hbm>>
      tpu.enqueue_indirect_dma source(%dma_start3A_314 : memref<2600000x16xf32, #tpu.memory_space<hbm>>) target(%dma_start3A_308 : memref<128x16xf32, #tpu.memory_space<vmem>>) offsets(%dma_start3A_311 : memref<128xi32, #tpu.memory_space<vmem>>) semaphore(%arg16 : memref<!tpu.dma_semaphore, #tpu.memory_space<semaphore_mem>>)
      %add3A_315 = arith.constant 0 : i32
      %add3A_316 = arith.addi %add3A_315, %add3A_29 : i32
      %dma_start3A_317 = arith.constant 0 : i32
      %dma_start3A_318 = tpu.memref_slice %arg12[%dma_start3A_317] : memref<3328xf32, #tpu.memory_space<vmem>> -> memref<128xf32, #tpu.memory_space<vmem>>
      %dma_start3A_319 = arith.constant 0 : i32
      %dma_start3A_320 = tpu.memref_slice %arg9[%add3A_316, %dma_start3A_319] : memref<104x128xi32, #tpu.memory_space<vmem>> -> memref<1x128xi32, #tpu.memory_space<vmem>>
      %dma_start3A_321 = tpu.memref_squeeze %dma_start3A_320 : memref<1x128xi32, #tpu.memory_space<vmem>> -> memref<128xi32, #tpu.memory_space<vmem>>
      %dma_start3A_322 = arith.constant 0 : i32
      %dma_start3A_323 = tpu.memref_slice %arg5[%dma_start3A_322] : memref<2600000xf32, #tpu.memory_space<hbm>> -> memref<2600000xf32, #tpu.memory_space<hbm>>
      tpu.enqueue_indirect_dma source(%dma_start3A_323 : memref<2600000xf32, #tpu.memory_space<hbm>>) target(%dma_start3A_318 : memref<128xf32, #tpu.memory_space<vmem>>) offsets(%dma_start3A_321 : memref<128xi32, #tpu.memory_space<vmem>>) semaphore(%arg16 : memref<!tpu.dma_semaphore, #tpu.memory_space<semaphore_mem>>)
      %add3A_324 = arith.constant 4 : i32
      %add3A_325 = arith.addi %add3A_324, %add3A_29 : i32
      %dma_start3A_326 = arith.constant 128 : i32
      %dma_start3A_327 = tpu.memref_slice %arg12[%dma_start3A_326] : memref<3328xf32, #tpu.memory_space<vmem>> -> memref<128xf32, #tpu.memory_space<vmem>>
      %dma_start3A_328 = arith.constant 0 : i32
      %dma_start3A_329 = tpu.memref_slice %arg9[%add3A_325, %dma_start3A_328] : memref<104x128xi32, #tpu.memory_space<vmem>> -> memref<1x128xi32, #tpu.memory_space<vmem>>
      %dma_start3A_330 = tpu.memref_squeeze %dma_start3A_329 : memref<1x128xi32, #tpu.memory_space<vmem>> -> memref<128xi32, #tpu.memory_space<vmem>>
      %dma_start3A_331 = arith.constant 0 : i32
      %dma_start3A_332 = tpu.memref_slice %arg5[%dma_start3A_331] : memref<2600000xf32, #tpu.memory_space<hbm>> -> memref<2600000xf32, #tpu.memory_space<hbm>>
      tpu.enqueue_indirect_dma source(%dma_start3A_332 : memref<2600000xf32, #tpu.memory_space<hbm>>) target(%dma_start3A_327 : memref<128xf32, #tpu.memory_space<vmem>>) offsets(%dma_start3A_330 : memref<128xi32, #tpu.memory_space<vmem>>) semaphore(%arg16 : memref<!tpu.dma_semaphore, #tpu.memory_space<semaphore_mem>>)
      %add3A_333 = arith.constant 8 : i32
      %add3A_334 = arith.addi %add3A_333, %add3A_29 : i32
      %dma_start3A_335 = arith.constant 256 : i32
      %dma_start3A_336 = tpu.memref_slice %arg12[%dma_start3A_335] : memref<3328xf32, #tpu.memory_space<vmem>> -> memref<128xf32, #tpu.memory_space<vmem>>
      %dma_start3A_337 = arith.constant 0 : i32
      %dma_start3A_338 = tpu.memref_slice %arg9[%add3A_334, %dma_start3A_337] : memref<104x128xi32, #tpu.memory_space<vmem>> -> memref<1x128xi32, #tpu.memory_space<vmem>>
      %dma_start3A_339 = tpu.memref_squeeze %dma_start3A_338 : memref<1x128xi32, #tpu.memory_space<vmem>> -> memref<128xi32, #tpu.memory_space<vmem>>
      %dma_start3A_340 = arith.constant 0 : i32
      %dma_start3A_341 = tpu.memref_slice %arg5[%dma_start3A_340] : memref<2600000xf32, #tpu.memory_space<hbm>> -> memref<2600000xf32, #tpu.memory_space<hbm>>
      tpu.enqueue_indirect_dma source(%dma_start3A_341 : memref<2600000xf32, #tpu.memory_space<hbm>>) target(%dma_start3A_336 : memref<128xf32, #tpu.memory_space<vmem>>) offsets(%dma_start3A_339 : memref<128xi32, #tpu.memory_space<vmem>>) semaphore(%arg16 : memref<!tpu.dma_semaphore, #tpu.memory_space<semaphore_mem>>)
      %add3A_342 = arith.constant 12 : i32
      %add3A_343 = arith.addi %add3A_342, %add3A_29 : i32
      %dma_start3A_344 = arith.constant 384 : i32
      %dma_start3A_345 = tpu.memref_slice %arg12[%dma_start3A_344] : memref<3328xf32, #tpu.memory_space<vmem>> -> memref<128xf32, #tpu.memory_space<vmem>>
      %dma_start3A_346 = arith.constant 0 : i32
      %dma_start3A_347 = tpu.memref_slice %arg9[%add3A_343, %dma_start3A_346] : memref<104x128xi32, #tpu.memory_space<vmem>> -> memref<1x128xi32, #tpu.memory_space<vmem>>
      %dma_start3A_348 = tpu.memref_squeeze %dma_start3A_347 : memref<1x128xi32, #tpu.memory_space<vmem>> -> memref<128xi32, #tpu.memory_space<vmem>>
      %dma_start3A_349 = arith.constant 0 : i32
      %dma_start3A_350 = tpu.memref_slice %arg5[%dma_start3A_349] : memref<2600000xf32, #tpu.memory_space<hbm>> -> memref<2600000xf32, #tpu.memory_space<hbm>>
      tpu.enqueue_indirect_dma source(%dma_start3A_350 : memref<2600000xf32, #tpu.memory_space<hbm>>) target(%dma_start3A_345 : memref<128xf32, #tpu.memory_space<vmem>>) offsets(%dma_start3A_348 : memref<128xi32, #tpu.memory_space<vmem>>) semaphore(%arg16 : memref<!tpu.dma_semaphore, #tpu.memory_space<semaphore_mem>>)
      %add3A_351 = arith.constant 16 : i32
      %add3A_352 = arith.addi %add3A_351, %add3A_29 : i32
      %dma_start3A_353 = arith.constant 512 : i32
      %dma_start3A_354 = tpu.memref_slice %arg12[%dma_start3A_353] : memref<3328xf32, #tpu.memory_space<vmem>> -> memref<128xf32, #tpu.memory_space<vmem>>
      %dma_start3A_355 = arith.constant 0 : i32
      %dma_start3A_356 = tpu.memref_slice %arg9[%add3A_352, %dma_start3A_355] : memref<104x128xi32, #tpu.memory_space<vmem>> -> memref<1x128xi32, #tpu.memory_space<vmem>>
      %dma_start3A_357 = tpu.memref_squeeze %dma_start3A_356 : memref<1x128xi32, #tpu.memory_space<vmem>> -> memref<128xi32, #tpu.memory_space<vmem>>
      %dma_start3A_358 = arith.constant 0 : i32
      %dma_start3A_359 = tpu.memref_slice %arg5[%dma_start3A_358] : memref<2600000xf32, #tpu.memory_space<hbm>> -> memref<2600000xf32, #tpu.memory_space<hbm>>
      tpu.enqueue_indirect_dma source(%dma_start3A_359 : memref<2600000xf32, #tpu.memory_space<hbm>>) target(%dma_start3A_354 : memref<128xf32, #tpu.memory_space<vmem>>) offsets(%dma_start3A_357 : memref<128xi32, #tpu.memory_space<vmem>>) semaphore(%arg16 : memref<!tpu.dma_semaphore, #tpu.memory_space<semaphore_mem>>)
      %add3A_360 = arith.constant 20 : i32
      %add3A_361 = arith.addi %add3A_360, %add3A_29 : i32
      %dma_start3A_362 = arith.constant 640 : i32
      %dma_start3A_363 = tpu.memref_slice %arg12[%dma_start3A_362] : memref<3328xf32, #tpu.memory_space<vmem>> -> memref<128xf32, #tpu.memory_space<vmem>>
      %dma_start3A_364 = arith.constant 0 : i32
      %dma_start3A_365 = tpu.memref_slice %arg9[%add3A_361, %dma_start3A_364] : memref<104x128xi32, #tpu.memory_space<vmem>> -> memref<1x128xi32, #tpu.memory_space<vmem>>
      %dma_start3A_366 = tpu.memref_squeeze %dma_start3A_365 : memref<1x128xi32, #tpu.memory_space<vmem>> -> memref<128xi32, #tpu.memory_space<vmem>>
      %dma_start3A_367 = arith.constant 0 : i32
      %dma_start3A_368 = tpu.memref_slice %arg5[%dma_start3A_367] : memref<2600000xf32, #tpu.memory_space<hbm>> -> memref<2600000xf32, #tpu.memory_space<hbm>>
      tpu.enqueue_indirect_dma source(%dma_start3A_368 : memref<2600000xf32, #tpu.memory_space<hbm>>) target(%dma_start3A_363 : memref<128xf32, #tpu.memory_space<vmem>>) offsets(%dma_start3A_366 : memref<128xi32, #tpu.memory_space<vmem>>) semaphore(%arg16 : memref<!tpu.dma_semaphore, #tpu.memory_space<semaphore_mem>>)
      %add3A_369 = arith.constant 24 : i32
      %add3A_370 = arith.addi %add3A_369, %add3A_29 : i32
      %dma_start3A_371 = arith.constant 768 : i32
      %dma_start3A_372 = tpu.memref_slice %arg12[%dma_start3A_371] : memref<3328xf32, #tpu.memory_space<vmem>> -> memref<128xf32, #tpu.memory_space<vmem>>
      %dma_start3A_373 = arith.constant 0 : i32
      %dma_start3A_374 = tpu.memref_slice %arg9[%add3A_370, %dma_start3A_373] : memref<104x128xi32, #tpu.memory_space<vmem>> -> memref<1x128xi32, #tpu.memory_space<vmem>>
      %dma_start3A_375 = tpu.memref_squeeze %dma_start3A_374 : memref<1x128xi32, #tpu.memory_space<vmem>> -> memref<128xi32, #tpu.memory_space<vmem>>
      %dma_start3A_376 = arith.constant 0 : i32
      %dma_start3A_377 = tpu.memref_slice %arg5[%dma_start3A_376] : memref<2600000xf32, #tpu.memory_space<hbm>> -> memref<2600000xf32, #tpu.memory_space<hbm>>
      tpu.enqueue_indirect_dma source(%dma_start3A_377 : memref<2600000xf32, #tpu.memory_space<hbm>>) target(%dma_start3A_372 : memref<128xf32, #tpu.memory_space<vmem>>) offsets(%dma_start3A_375 : memref<128xi32, #tpu.memory_space<vmem>>) semaphore(%arg16 : memref<!tpu.dma_semaphore, #tpu.memory_space<semaphore_mem>>)
      %add3A_378 = arith.constant 28 : i32
      %add3A_379 = arith.addi %add3A_378, %add3A_29 : i32
      %dma_start3A_380 = arith.constant 896 : i32
      %dma_start3A_381 = tpu.memref_slice %arg12[%dma_start3A_380] : memref<3328xf32, #tpu.memory_space<vmem>> -> memref<128xf32, #tpu.memory_space<vmem>>
      %dma_start3A_382 = arith.constant 0 : i32
      %dma_start3A_383 = tpu.memref_slice %arg9[%add3A_379, %dma_start3A_382] : memref<104x128xi32, #tpu.memory_space<vmem>> -> memref<1x128xi32, #tpu.memory_space<vmem>>
      %dma_start3A_384 = tpu.memref_squeeze %dma_start3A_383 : memref<1x128xi32, #tpu.memory_space<vmem>> -> memref<128xi32, #tpu.memory_space<vmem>>
      %dma_start3A_385 = arith.constant 0 : i32
      %dma_start3A_386 = tpu.memref_slice %arg5[%dma_start3A_385] : memref<2600000xf32, #tpu.memory_space<hbm>> -> memref<2600000xf32, #tpu.memory_space<hbm>>
      tpu.enqueue_indirect_dma source(%dma_start3A_386 : memref<2600000xf32, #tpu.memory_space<hbm>>) target(%dma_start3A_381 : memref<128xf32, #tpu.memory_space<vmem>>) offsets(%dma_start3A_384 : memref<128xi32, #tpu.memory_space<vmem>>) semaphore(%arg16 : memref<!tpu.dma_semaphore, #tpu.memory_space<semaphore_mem>>)
      %add3A_387 = arith.constant 32 : i32
      %add3A_388 = arith.addi %add3A_387, %add3A_29 : i32
      %dma_start3A_389 = arith.constant 1024 : i32
      %dma_start3A_390 = tpu.memref_slice %arg12[%dma_start3A_389] : memref<3328xf32, #tpu.memory_space<vmem>> -> memref<128xf32, #tpu.memory_space<vmem>>
      %dma_start3A_391 = arith.constant 0 : i32
      %dma_start3A_392 = tpu.memref_slice %arg9[%add3A_388, %dma_start3A_391] : memref<104x128xi32, #tpu.memory_space<vmem>> -> memref<1x128xi32, #tpu.memory_space<vmem>>
      %dma_start3A_393 = tpu.memref_squeeze %dma_start3A_392 : memref<1x128xi32, #tpu.memory_space<vmem>> -> memref<128xi32, #tpu.memory_space<vmem>>
      %dma_start3A_394 = arith.constant 0 : i32
      %dma_start3A_395 = tpu.memref_slice %arg5[%dma_start3A_394] : memref<2600000xf32, #tpu.memory_space<hbm>> -> memref<2600000xf32, #tpu.memory_space<hbm>>
      tpu.enqueue_indirect_dma source(%dma_start3A_395 : memref<2600000xf32, #tpu.memory_space<hbm>>) target(%dma_start3A_390 : memref<128xf32, #tpu.memory_space<vmem>>) offsets(%dma_start3A_393 : memref<128xi32, #tpu.memory_space<vmem>>) semaphore(%arg16 : memref<!tpu.dma_semaphore, #tpu.memory_space<semaphore_mem>>)
      %add3A_396 = arith.constant 36 : i32
      %add3A_397 = arith.addi %add3A_396, %add3A_29 : i32
      %dma_start3A_398 = arith.constant 1152 : i32
      %dma_start3A_399 = tpu.memref_slice %arg12[%dma_start3A_398] : memref<3328xf32, #tpu.memory_space<vmem>> -> memref<128xf32, #tpu.memory_space<vmem>>
      %dma_start3A_400 = arith.constant 0 : i32
      %dma_start3A_401 = tpu.memref_slice %arg9[%add3A_397, %dma_start3A_400] : memref<104x128xi32, #tpu.memory_space<vmem>> -> memref<1x128xi32, #tpu.memory_space<vmem>>
      %dma_start3A_402 = tpu.memref_squeeze %dma_start3A_401 : memref<1x128xi32, #tpu.memory_space<vmem>> -> memref<128xi32, #tpu.memory_space<vmem>>
      %dma_start3A_403 = arith.constant 0 : i32
      %dma_start3A_404 = tpu.memref_slice %arg5[%dma_start3A_403] : memref<2600000xf32, #tpu.memory_space<hbm>> -> memref<2600000xf32, #tpu.memory_space<hbm>>
      tpu.enqueue_indirect_dma source(%dma_start3A_404 : memref<2600000xf32, #tpu.memory_space<hbm>>) target(%dma_start3A_399 : memref<128xf32, #tpu.memory_space<vmem>>) offsets(%dma_start3A_402 : memref<128xi32, #tpu.memory_space<vmem>>) semaphore(%arg16 : memref<!tpu.dma_semaphore, #tpu.memory_space<semaphore_mem>>)
      %add3A_405 = arith.constant 40 : i32
      %add3A_406 = arith.addi %add3A_405, %add3A_29 : i32
      %dma_start3A_407 = arith.constant 1280 : i32
      %dma_start3A_408 = tpu.memref_slice %arg12[%dma_start3A_407] : memref<3328xf32, #tpu.memory_space<vmem>> -> memref<128xf32, #tpu.memory_space<vmem>>
      %dma_start3A_409 = arith.constant 0 : i32
      %dma_start3A_410 = tpu.memref_slice %arg9[%add3A_406, %dma_start3A_409] : memref<104x128xi32, #tpu.memory_space<vmem>> -> memref<1x128xi32, #tpu.memory_space<vmem>>
      %dma_start3A_411 = tpu.memref_squeeze %dma_start3A_410 : memref<1x128xi32, #tpu.memory_space<vmem>> -> memref<128xi32, #tpu.memory_space<vmem>>
      %dma_start3A_412 = arith.constant 0 : i32
      %dma_start3A_413 = tpu.memref_slice %arg5[%dma_start3A_412] : memref<2600000xf32, #tpu.memory_space<hbm>> -> memref<2600000xf32, #tpu.memory_space<hbm>>
      tpu.enqueue_indirect_dma source(%dma_start3A_413 : memref<2600000xf32, #tpu.memory_space<hbm>>) target(%dma_start3A_408 : memref<128xf32, #tpu.memory_space<vmem>>) offsets(%dma_start3A_411 : memref<128xi32, #tpu.memory_space<vmem>>) semaphore(%arg16 : memref<!tpu.dma_semaphore, #tpu.memory_space<semaphore_mem>>)
      %add3A_414 = arith.constant 44 : i32
      %add3A_415 = arith.addi %add3A_414, %add3A_29 : i32
      %dma_start3A_416 = arith.constant 1408 : i32
      %dma_start3A_417 = tpu.memref_slice %arg12[%dma_start3A_416] : memref<3328xf32, #tpu.memory_space<vmem>> -> memref<128xf32, #tpu.memory_space<vmem>>
      %dma_start3A_418 = arith.constant 0 : i32
      %dma_start3A_419 = tpu.memref_slice %arg9[%add3A_415, %dma_start3A_418] : memref<104x128xi32, #tpu.memory_space<vmem>> -> memref<1x128xi32, #tpu.memory_space<vmem>>
      %dma_start3A_420 = tpu.memref_squeeze %dma_start3A_419 : memref<1x128xi32, #tpu.memory_space<vmem>> -> memref<128xi32, #tpu.memory_space<vmem>>
      %dma_start3A_421 = arith.constant 0 : i32
      %dma_start3A_422 = tpu.memref_slice %arg5[%dma_start3A_421] : memref<2600000xf32, #tpu.memory_space<hbm>> -> memref<2600000xf32, #tpu.memory_space<hbm>>
      tpu.enqueue_indirect_dma source(%dma_start3A_422 : memref<2600000xf32, #tpu.memory_space<hbm>>) target(%dma_start3A_417 : memref<128xf32, #tpu.memory_space<vmem>>) offsets(%dma_start3A_420 : memref<128xi32, #tpu.memory_space<vmem>>) semaphore(%arg16 : memref<!tpu.dma_semaphore, #tpu.memory_space<semaphore_mem>>)
      %add3A_423 = arith.constant 48 : i32
      %add3A_424 = arith.addi %add3A_423, %add3A_29 : i32
      %dma_start3A_425 = arith.constant 1536 : i32
      %dma_start3A_426 = tpu.memref_slice %arg12[%dma_start3A_425] : memref<3328xf32, #tpu.memory_space<vmem>> -> memref<128xf32, #tpu.memory_space<vmem>>
      %dma_start3A_427 = arith.constant 0 : i32
      %dma_start3A_428 = tpu.memref_slice %arg9[%add3A_424, %dma_start3A_427] : memref<104x128xi32, #tpu.memory_space<vmem>> -> memref<1x128xi32, #tpu.memory_space<vmem>>
      %dma_start3A_429 = tpu.memref_squeeze %dma_start3A_428 : memref<1x128xi32, #tpu.memory_space<vmem>> -> memref<128xi32, #tpu.memory_space<vmem>>
      %dma_start3A_430 = arith.constant 0 : i32
      %dma_start3A_431 = tpu.memref_slice %arg5[%dma_start3A_430] : memref<2600000xf32, #tpu.memory_space<hbm>> -> memref<2600000xf32, #tpu.memory_space<hbm>>
      tpu.enqueue_indirect_dma source(%dma_start3A_431 : memref<2600000xf32, #tpu.memory_space<hbm>>) target(%dma_start3A_426 : memref<128xf32, #tpu.memory_space<vmem>>) offsets(%dma_start3A_429 : memref<128xi32, #tpu.memory_space<vmem>>) semaphore(%arg16 : memref<!tpu.dma_semaphore, #tpu.memory_space<semaphore_mem>>)
      %add3A_432 = arith.constant 52 : i32
      %add3A_433 = arith.addi %add3A_432, %add3A_29 : i32
      %dma_start3A_434 = arith.constant 1664 : i32
      %dma_start3A_435 = tpu.memref_slice %arg12[%dma_start3A_434] : memref<3328xf32, #tpu.memory_space<vmem>> -> memref<128xf32, #tpu.memory_space<vmem>>
      %dma_start3A_436 = arith.constant 0 : i32
      %dma_start3A_437 = tpu.memref_slice %arg9[%add3A_433, %dma_start3A_436] : memref<104x128xi32, #tpu.memory_space<vmem>> -> memref<1x128xi32, #tpu.memory_space<vmem>>
      %dma_start3A_438 = tpu.memref_squeeze %dma_start3A_437 : memref<1x128xi32, #tpu.memory_space<vmem>> -> memref<128xi32, #tpu.memory_space<vmem>>
      %dma_start3A_439 = arith.constant 0 : i32
      %dma_start3A_440 = tpu.memref_slice %arg5[%dma_start3A_439] : memref<2600000xf32, #tpu.memory_space<hbm>> -> memref<2600000xf32, #tpu.memory_space<hbm>>
      tpu.enqueue_indirect_dma source(%dma_start3A_440 : memref<2600000xf32, #tpu.memory_space<hbm>>) target(%dma_start3A_435 : memref<128xf32, #tpu.memory_space<vmem>>) offsets(%dma_start3A_438 : memref<128xi32, #tpu.memory_space<vmem>>) semaphore(%arg16 : memref<!tpu.dma_semaphore, #tpu.memory_space<semaphore_mem>>)
      %add3A_441 = arith.constant 56 : i32
      %add3A_442 = arith.addi %add3A_441, %add3A_29 : i32
      %dma_start3A_443 = arith.constant 1792 : i32
      %dma_start3A_444 = tpu.memref_slice %arg12[%dma_start3A_443] : memref<3328xf32, #tpu.memory_space<vmem>> -> memref<128xf32, #tpu.memory_space<vmem>>
      %dma_start3A_445 = arith.constant 0 : i32
      %dma_start3A_446 = tpu.memref_slice %arg9[%add3A_442, %dma_start3A_445] : memref<104x128xi32, #tpu.memory_space<vmem>> -> memref<1x128xi32, #tpu.memory_space<vmem>>
      %dma_start3A_447 = tpu.memref_squeeze %dma_start3A_446 : memref<1x128xi32, #tpu.memory_space<vmem>> -> memref<128xi32, #tpu.memory_space<vmem>>
      %dma_start3A_448 = arith.constant 0 : i32
      %dma_start3A_449 = tpu.memref_slice %arg5[%dma_start3A_448] : memref<2600000xf32, #tpu.memory_space<hbm>> -> memref<2600000xf32, #tpu.memory_space<hbm>>
      tpu.enqueue_indirect_dma source(%dma_start3A_449 : memref<2600000xf32, #tpu.memory_space<hbm>>) target(%dma_start3A_444 : memref<128xf32, #tpu.memory_space<vmem>>) offsets(%dma_start3A_447 : memref<128xi32, #tpu.memory_space<vmem>>) semaphore(%arg16 : memref<!tpu.dma_semaphore, #tpu.memory_space<semaphore_mem>>)
      %add3A_450 = arith.constant 60 : i32
      %add3A_451 = arith.addi %add3A_450, %add3A_29 : i32
      %dma_start3A_452 = arith.constant 1920 : i32
      %dma_start3A_453 = tpu.memref_slice %arg12[%dma_start3A_452] : memref<3328xf32, #tpu.memory_space<vmem>> -> memref<128xf32, #tpu.memory_space<vmem>>
      %dma_start3A_454 = arith.constant 0 : i32
      %dma_start3A_455 = tpu.memref_slice %arg9[%add3A_451, %dma_start3A_454] : memref<104x128xi32, #tpu.memory_space<vmem>> -> memref<1x128xi32, #tpu.memory_space<vmem>>
      %dma_start3A_456 = tpu.memref_squeeze %dma_start3A_455 : memref<1x128xi32, #tpu.memory_space<vmem>> -> memref<128xi32, #tpu.memory_space<vmem>>
      %dma_start3A_457 = arith.constant 0 : i32
      %dma_start3A_458 = tpu.memref_slice %arg5[%dma_start3A_457] : memref<2600000xf32, #tpu.memory_space<hbm>> -> memref<2600000xf32, #tpu.memory_space<hbm>>
      tpu.enqueue_indirect_dma source(%dma_start3A_458 : memref<2600000xf32, #tpu.memory_space<hbm>>) target(%dma_start3A_453 : memref<128xf32, #tpu.memory_space<vmem>>) offsets(%dma_start3A_456 : memref<128xi32, #tpu.memory_space<vmem>>) semaphore(%arg16 : memref<!tpu.dma_semaphore, #tpu.memory_space<semaphore_mem>>)
      %add3A_459 = arith.constant 64 : i32
      %add3A_460 = arith.addi %add3A_459, %add3A_29 : i32
      %dma_start3A_461 = arith.constant 2048 : i32
      %dma_start3A_462 = tpu.memref_slice %arg12[%dma_start3A_461] : memref<3328xf32, #tpu.memory_space<vmem>> -> memref<128xf32, #tpu.memory_space<vmem>>
      %dma_start3A_463 = arith.constant 0 : i32
      %dma_start3A_464 = tpu.memref_slice %arg9[%add3A_460, %dma_start3A_463] : memref<104x128xi32, #tpu.memory_space<vmem>> -> memref<1x128xi32, #tpu.memory_space<vmem>>
      %dma_start3A_465 = tpu.memref_squeeze %dma_start3A_464 : memref<1x128xi32, #tpu.memory_space<vmem>> -> memref<128xi32, #tpu.memory_space<vmem>>
      %dma_start3A_466 = arith.constant 0 : i32
      %dma_start3A_467 = tpu.memref_slice %arg5[%dma_start3A_466] : memref<2600000xf32, #tpu.memory_space<hbm>> -> memref<2600000xf32, #tpu.memory_space<hbm>>
      tpu.enqueue_indirect_dma source(%dma_start3A_467 : memref<2600000xf32, #tpu.memory_space<hbm>>) target(%dma_start3A_462 : memref<128xf32, #tpu.memory_space<vmem>>) offsets(%dma_start3A_465 : memref<128xi32, #tpu.memory_space<vmem>>) semaphore(%arg16 : memref<!tpu.dma_semaphore, #tpu.memory_space<semaphore_mem>>)
      %add3A_468 = arith.constant 68 : i32
      %add3A_469 = arith.addi %add3A_468, %add3A_29 : i32
      %dma_start3A_470 = arith.constant 2176 : i32
      %dma_start3A_471 = tpu.memref_slice %arg12[%dma_start3A_470] : memref<3328xf32, #tpu.memory_space<vmem>> -> memref<128xf32, #tpu.memory_space<vmem>>
      %dma_start3A_472 = arith.constant 0 : i32
      %dma_start3A_473 = tpu.memref_slice %arg9[%add3A_469, %dma_start3A_472] : memref<104x128xi32, #tpu.memory_space<vmem>> -> memref<1x128xi32, #tpu.memory_space<vmem>>
      %dma_start3A_474 = tpu.memref_squeeze %dma_start3A_473 : memref<1x128xi32, #tpu.memory_space<vmem>> -> memref<128xi32, #tpu.memory_space<vmem>>
      %dma_start3A_475 = arith.constant 0 : i32
      %dma_start3A_476 = tpu.memref_slice %arg5[%dma_start3A_475] : memref<2600000xf32, #tpu.memory_space<hbm>> -> memref<2600000xf32, #tpu.memory_space<hbm>>
      tpu.enqueue_indirect_dma source(%dma_start3A_476 : memref<2600000xf32, #tpu.memory_space<hbm>>) target(%dma_start3A_471 : memref<128xf32, #tpu.memory_space<vmem>>) offsets(%dma_start3A_474 : memref<128xi32, #tpu.memory_space<vmem>>) semaphore(%arg16 : memref<!tpu.dma_semaphore, #tpu.memory_space<semaphore_mem>>)
      %add3A_477 = arith.constant 72 : i32
      %add3A_478 = arith.addi %add3A_477, %add3A_29 : i32
      %dma_start3A_479 = arith.constant 2304 : i32
      %dma_start3A_480 = tpu.memref_slice %arg12[%dma_start3A_479] : memref<3328xf32, #tpu.memory_space<vmem>> -> memref<128xf32, #tpu.memory_space<vmem>>
      %dma_start3A_481 = arith.constant 0 : i32
      %dma_start3A_482 = tpu.memref_slice %arg9[%add3A_478, %dma_start3A_481] : memref<104x128xi32, #tpu.memory_space<vmem>> -> memref<1x128xi32, #tpu.memory_space<vmem>>
      %dma_start3A_483 = tpu.memref_squeeze %dma_start3A_482 : memref<1x128xi32, #tpu.memory_space<vmem>> -> memref<128xi32, #tpu.memory_space<vmem>>
      %dma_start3A_484 = arith.constant 0 : i32
      %dma_start3A_485 = tpu.memref_slice %arg5[%dma_start3A_484] : memref<2600000xf32, #tpu.memory_space<hbm>> -> memref<2600000xf32, #tpu.memory_space<hbm>>
      tpu.enqueue_indirect_dma source(%dma_start3A_485 : memref<2600000xf32, #tpu.memory_space<hbm>>) target(%dma_start3A_480 : memref<128xf32, #tpu.memory_space<vmem>>) offsets(%dma_start3A_483 : memref<128xi32, #tpu.memory_space<vmem>>) semaphore(%arg16 : memref<!tpu.dma_semaphore, #tpu.memory_space<semaphore_mem>>)
      %add3A_486 = arith.constant 76 : i32
      %add3A_487 = arith.addi %add3A_486, %add3A_29 : i32
      %dma_start3A_488 = arith.constant 2432 : i32
      %dma_start3A_489 = tpu.memref_slice %arg12[%dma_start3A_488] : memref<3328xf32, #tpu.memory_space<vmem>> -> memref<128xf32, #tpu.memory_space<vmem>>
      %dma_start3A_490 = arith.constant 0 : i32
      %dma_start3A_491 = tpu.memref_slice %arg9[%add3A_487, %dma_start3A_490] : memref<104x128xi32, #tpu.memory_space<vmem>> -> memref<1x128xi32, #tpu.memory_space<vmem>>
      %dma_start3A_492 = tpu.memref_squeeze %dma_start3A_491 : memref<1x128xi32, #tpu.memory_space<vmem>> -> memref<128xi32, #tpu.memory_space<vmem>>
      %dma_start3A_493 = arith.constant 0 : i32
      %dma_start3A_494 = tpu.memref_slice %arg5[%dma_start3A_493] : memref<2600000xf32, #tpu.memory_space<hbm>> -> memref<2600000xf32, #tpu.memory_space<hbm>>
      tpu.enqueue_indirect_dma source(%dma_start3A_494 : memref<2600000xf32, #tpu.memory_space<hbm>>) target(%dma_start3A_489 : memref<128xf32, #tpu.memory_space<vmem>>) offsets(%dma_start3A_492 : memref<128xi32, #tpu.memory_space<vmem>>) semaphore(%arg16 : memref<!tpu.dma_semaphore, #tpu.memory_space<semaphore_mem>>)
      %add3A_495 = arith.constant 80 : i32
      %add3A_496 = arith.addi %add3A_495, %add3A_29 : i32
      %dma_start3A_497 = arith.constant 2560 : i32
      %dma_start3A_498 = tpu.memref_slice %arg12[%dma_start3A_497] : memref<3328xf32, #tpu.memory_space<vmem>> -> memref<128xf32, #tpu.memory_space<vmem>>
      %dma_start3A_499 = arith.constant 0 : i32
      %dma_start3A_500 = tpu.memref_slice %arg9[%add3A_496, %dma_start3A_499] : memref<104x128xi32, #tpu.memory_space<vmem>> -> memref<1x128xi32, #tpu.memory_space<vmem>>
      %dma_start3A_501 = tpu.memref_squeeze %dma_start3A_500 : memref<1x128xi32, #tpu.memory_space<vmem>> -> memref<128xi32, #tpu.memory_space<vmem>>
      %dma_start3A_502 = arith.constant 0 : i32
      %dma_start3A_503 = tpu.memref_slice %arg5[%dma_start3A_502] : memref<2600000xf32, #tpu.memory_space<hbm>> -> memref<2600000xf32, #tpu.memory_space<hbm>>
      tpu.enqueue_indirect_dma source(%dma_start3A_503 : memref<2600000xf32, #tpu.memory_space<hbm>>) target(%dma_start3A_498 : memref<128xf32, #tpu.memory_space<vmem>>) offsets(%dma_start3A_501 : memref<128xi32, #tpu.memory_space<vmem>>) semaphore(%arg16 : memref<!tpu.dma_semaphore, #tpu.memory_space<semaphore_mem>>)
      %add3A_504 = arith.constant 84 : i32
      %add3A_505 = arith.addi %add3A_504, %add3A_29 : i32
      %dma_start3A_506 = arith.constant 2688 : i32
      %dma_start3A_507 = tpu.memref_slice %arg12[%dma_start3A_506] : memref<3328xf32, #tpu.memory_space<vmem>> -> memref<128xf32, #tpu.memory_space<vmem>>
      %dma_start3A_508 = arith.constant 0 : i32
      %dma_start3A_509 = tpu.memref_slice %arg9[%add3A_505, %dma_start3A_508] : memref<104x128xi32, #tpu.memory_space<vmem>> -> memref<1x128xi32, #tpu.memory_space<vmem>>
      %dma_start3A_510 = tpu.memref_squeeze %dma_start3A_509 : memref<1x128xi32, #tpu.memory_space<vmem>> -> memref<128xi32, #tpu.memory_space<vmem>>
      %dma_start3A_511 = arith.constant 0 : i32
      %dma_start3A_512 = tpu.memref_slice %arg5[%dma_start3A_511] : memref<2600000xf32, #tpu.memory_space<hbm>> -> memref<2600000xf32, #tpu.memory_space<hbm>>
      tpu.enqueue_indirect_dma source(%dma_start3A_512 : memref<2600000xf32, #tpu.memory_space<hbm>>) target(%dma_start3A_507 : memref<128xf32, #tpu.memory_space<vmem>>) offsets(%dma_start3A_510 : memref<128xi32, #tpu.memory_space<vmem>>) semaphore(%arg16 : memref<!tpu.dma_semaphore, #tpu.memory_space<semaphore_mem>>)
      %add3A_513 = arith.constant 88 : i32
      %add3A_514 = arith.addi %add3A_513, %add3A_29 : i32
      %dma_start3A_515 = arith.constant 2816 : i32
      %dma_start3A_516 = tpu.memref_slice %arg12[%dma_start3A_515] : memref<3328xf32, #tpu.memory_space<vmem>> -> memref<128xf32, #tpu.memory_space<vmem>>
      %dma_start3A_517 = arith.constant 0 : i32
      %dma_start3A_518 = tpu.memref_slice %arg9[%add3A_514, %dma_start3A_517] : memref<104x128xi32, #tpu.memory_space<vmem>> -> memref<1x128xi32, #tpu.memory_space<vmem>>
      %dma_start3A_519 = tpu.memref_squeeze %dma_start3A_518 : memref<1x128xi32, #tpu.memory_space<vmem>> -> memref<128xi32, #tpu.memory_space<vmem>>
      %dma_start3A_520 = arith.constant 0 : i32
      %dma_start3A_521 = tpu.memref_slice %arg5[%dma_start3A_520] : memref<2600000xf32, #tpu.memory_space<hbm>> -> memref<2600000xf32, #tpu.memory_space<hbm>>
      tpu.enqueue_indirect_dma source(%dma_start3A_521 : memref<2600000xf32, #tpu.memory_space<hbm>>) target(%dma_start3A_516 : memref<128xf32, #tpu.memory_space<vmem>>) offsets(%dma_start3A_519 : memref<128xi32, #tpu.memory_space<vmem>>) semaphore(%arg16 : memref<!tpu.dma_semaphore, #tpu.memory_space<semaphore_mem>>)
      %add3A_522 = arith.constant 92 : i32
      %add3A_523 = arith.addi %add3A_522, %add3A_29 : i32
      %dma_start3A_524 = arith.constant 2944 : i32
      %dma_start3A_525 = tpu.memref_slice %arg12[%dma_start3A_524] : memref<3328xf32, #tpu.memory_space<vmem>> -> memref<128xf32, #tpu.memory_space<vmem>>
      %dma_start3A_526 = arith.constant 0 : i32
      %dma_start3A_527 = tpu.memref_slice %arg9[%add3A_523, %dma_start3A_526] : memref<104x128xi32, #tpu.memory_space<vmem>> -> memref<1x128xi32, #tpu.memory_space<vmem>>
      %dma_start3A_528 = tpu.memref_squeeze %dma_start3A_527 : memref<1x128xi32, #tpu.memory_space<vmem>> -> memref<128xi32, #tpu.memory_space<vmem>>
      %dma_start3A_529 = arith.constant 0 : i32
      %dma_start3A_530 = tpu.memref_slice %arg5[%dma_start3A_529] : memref<2600000xf32, #tpu.memory_space<hbm>> -> memref<2600000xf32, #tpu.memory_space<hbm>>
      tpu.enqueue_indirect_dma source(%dma_start3A_530 : memref<2600000xf32, #tpu.memory_space<hbm>>) target(%dma_start3A_525 : memref<128xf32, #tpu.memory_space<vmem>>) offsets(%dma_start3A_528 : memref<128xi32, #tpu.memory_space<vmem>>) semaphore(%arg16 : memref<!tpu.dma_semaphore, #tpu.memory_space<semaphore_mem>>)
      %add3A_531 = arith.constant 96 : i32
      %add3A_532 = arith.addi %add3A_531, %add3A_29 : i32
      %dma_start3A_533 = arith.constant 3072 : i32
      %dma_start3A_534 = tpu.memref_slice %arg12[%dma_start3A_533] : memref<3328xf32, #tpu.memory_space<vmem>> -> memref<128xf32, #tpu.memory_space<vmem>>
      %dma_start3A_535 = arith.constant 0 : i32
      %dma_start3A_536 = tpu.memref_slice %arg9[%add3A_532, %dma_start3A_535] : memref<104x128xi32, #tpu.memory_space<vmem>> -> memref<1x128xi32, #tpu.memory_space<vmem>>
      %dma_start3A_537 = tpu.memref_squeeze %dma_start3A_536 : memref<1x128xi32, #tpu.memory_space<vmem>> -> memref<128xi32, #tpu.memory_space<vmem>>
      %dma_start3A_538 = arith.constant 0 : i32
      %dma_start3A_539 = tpu.memref_slice %arg5[%dma_start3A_538] : memref<2600000xf32, #tpu.memory_space<hbm>> -> memref<2600000xf32, #tpu.memory_space<hbm>>
      tpu.enqueue_indirect_dma source(%dma_start3A_539 : memref<2600000xf32, #tpu.memory_space<hbm>>) target(%dma_start3A_534 : memref<128xf32, #tpu.memory_space<vmem>>) offsets(%dma_start3A_537 : memref<128xi32, #tpu.memory_space<vmem>>) semaphore(%arg16 : memref<!tpu.dma_semaphore, #tpu.memory_space<semaphore_mem>>)
      %add3A_540 = arith.constant 100 : i32
      %add3A_541 = arith.addi %add3A_540, %add3A_29 : i32
      %dma_start3A_542 = arith.constant 3200 : i32
      %dma_start3A_543 = tpu.memref_slice %arg12[%dma_start3A_542] : memref<3328xf32, #tpu.memory_space<vmem>> -> memref<128xf32, #tpu.memory_space<vmem>>
      %dma_start3A_544 = arith.constant 0 : i32
      %dma_start3A_545 = tpu.memref_slice %arg9[%add3A_541, %dma_start3A_544] : memref<104x128xi32, #tpu.memory_space<vmem>> -> memref<1x128xi32, #tpu.memory_space<vmem>>
      %dma_start3A_546 = tpu.memref_squeeze %dma_start3A_545 : memref<1x128xi32, #tpu.memory_space<vmem>> -> memref<128xi32, #tpu.memory_space<vmem>>
      %dma_start3A_547 = arith.constant 0 : i32
      %dma_start3A_548 = tpu.memref_slice %arg5[%dma_start3A_547] : memref<2600000xf32, #tpu.memory_space<hbm>> -> memref<2600000xf32, #tpu.memory_space<hbm>>
      tpu.enqueue_indirect_dma source(%dma_start3A_548 : memref<2600000xf32, #tpu.memory_space<hbm>>) target(%dma_start3A_543 : memref<128xf32, #tpu.memory_space<vmem>>) offsets(%dma_start3A_546 : memref<128xi32, #tpu.memory_space<vmem>>) semaphore(%arg16 : memref<!tpu.dma_semaphore, #tpu.memory_space<semaphore_mem>>)
      %dma_wait3A = arith.constant 0 : i32
      %dma_wait3A_549 = arith.constant 0 : i32
      %dma_wait3A_550 = tpu.memref_slice %arg11[%dma_wait3A, %dma_wait3A_549] : memref<3328x16xf32, #tpu.memory_space<vmem>> -> memref<128x16xf32, #tpu.memory_space<vmem>>
      %dma_wait3A_551 = arith.constant 0 : i32
      %dma_wait3A_552 = tpu.memref_slice %arg9[%add3A_31, %dma_wait3A_551] : memref<104x128xi32, #tpu.memory_space<vmem>> -> memref<1x128xi32, #tpu.memory_space<vmem>>
      %dma_wait3A_553 = tpu.memref_squeeze %dma_wait3A_552 : memref<1x128xi32, #tpu.memory_space<vmem>> -> memref<128xi32, #tpu.memory_space<vmem>>
      %dma_wait3A_554 = arith.constant 0 : i32
      %dma_wait3A_555 = arith.constant 0 : i32
      %dma_wait3A_556 = tpu.memref_slice %arg4[%dma_wait3A_554, %dma_wait3A_555] : memref<2600000x16xf32, #tpu.memory_space<hbm>> -> memref<2600000x16xf32, #tpu.memory_space<hbm>>
      tpu.wait_indirect_dma semaphore(%arg16 : memref<!tpu.dma_semaphore, #tpu.memory_space<semaphore_mem>>) src(%dma_wait3A_556 : memref<2600000x16xf32, #tpu.memory_space<hbm>>) dst(%dma_wait3A_550 : memref<128x16xf32, #tpu.memory_space<vmem>>)
      %dma_wait3A_557 = arith.constant 128 : i32
      %dma_wait3A_558 = arith.constant 0 : i32
      %dma_wait3A_559 = tpu.memref_slice %arg11[%dma_wait3A_557, %dma_wait3A_558] : memref<3328x16xf32, #tpu.memory_space<vmem>> -> memref<128x16xf32, #tpu.memory_space<vmem>>
      %dma_wait3A_560 = arith.constant 0 : i32
      %dma_wait3A_561 = tpu.memref_slice %arg9[%add3A_41, %dma_wait3A_560] : memref<104x128xi32, #tpu.memory_space<vmem>> -> memref<1x128xi32, #tpu.memory_space<vmem>>
      %dma_wait3A_562 = tpu.memref_squeeze %dma_wait3A_561 : memref<1x128xi32, #tpu.memory_space<vmem>> -> memref<128xi32, #tpu.memory_space<vmem>>
      %dma_wait3A_563 = arith.constant 0 : i32
      %dma_wait3A_564 = arith.constant 0 : i32
      %dma_wait3A_565 = tpu.memref_slice %arg4[%dma_wait3A_563, %dma_wait3A_564] : memref<2600000x16xf32, #tpu.memory_space<hbm>> -> memref<2600000x16xf32, #tpu.memory_space<hbm>>
      tpu.wait_indirect_dma semaphore(%arg16 : memref<!tpu.dma_semaphore, #tpu.memory_space<semaphore_mem>>) src(%dma_wait3A_565 : memref<2600000x16xf32, #tpu.memory_space<hbm>>) dst(%dma_wait3A_559 : memref<128x16xf32, #tpu.memory_space<vmem>>)
      %dma_wait3A_566 = arith.constant 256 : i32
      %dma_wait3A_567 = arith.constant 0 : i32
      %dma_wait3A_568 = tpu.memref_slice %arg11[%dma_wait3A_566, %dma_wait3A_567] : memref<3328x16xf32, #tpu.memory_space<vmem>> -> memref<128x16xf32, #tpu.memory_space<vmem>>
      %dma_wait3A_569 = arith.constant 0 : i32
      %dma_wait3A_570 = tpu.memref_slice %arg9[%add3A_52, %dma_wait3A_569] : memref<104x128xi32, #tpu.memory_space<vmem>> -> memref<1x128xi32, #tpu.memory_space<vmem>>
      %dma_wait3A_571 = tpu.memref_squeeze %dma_wait3A_570 : memref<1x128xi32, #tpu.memory_space<vmem>> -> memref<128xi32, #tpu.memory_space<vmem>>
      %dma_wait3A_572 = arith.constant 0 : i32
      %dma_wait3A_573 = arith.constant 0 : i32
      %dma_wait3A_574 = tpu.memref_slice %arg4[%dma_wait3A_572, %dma_wait3A_573] : memref<2600000x16xf32, #tpu.memory_space<hbm>> -> memref<2600000x16xf32, #tpu.memory_space<hbm>>
      tpu.wait_indirect_dma semaphore(%arg16 : memref<!tpu.dma_semaphore, #tpu.memory_space<semaphore_mem>>) src(%dma_wait3A_574 : memref<2600000x16xf32, #tpu.memory_space<hbm>>) dst(%dma_wait3A_568 : memref<128x16xf32, #tpu.memory_space<vmem>>)
      %dma_wait3A_575 = arith.constant 384 : i32
      %dma_wait3A_576 = arith.constant 0 : i32
      %dma_wait3A_577 = tpu.memref_slice %arg11[%dma_wait3A_575, %dma_wait3A_576] : memref<3328x16xf32, #tpu.memory_space<vmem>> -> memref<128x16xf32, #tpu.memory_space<vmem>>
      %dma_wait3A_578 = arith.constant 0 : i32
      %dma_wait3A_579 = tpu.memref_slice %arg9[%add3A_63, %dma_wait3A_578] : memref<104x128xi32, #tpu.memory_space<vmem>> -> memref<1x128xi32, #tpu.memory_space<vmem>>
      %dma_wait3A_580 = tpu.memref_squeeze %dma_wait3A_579 : memref<1x128xi32, #tpu.memory_space<vmem>> -> memref<128xi32, #tpu.memory_space<vmem>>
      %dma_wait3A_581 = arith.constant 0 : i32
      %dma_wait3A_582 = arith.constant 0 : i32
      %dma_wait3A_583 = tpu.memref_slice %arg4[%dma_wait3A_581, %dma_wait3A_582] : memref<2600000x16xf32, #tpu.memory_space<hbm>> -> memref<2600000x16xf32, #tpu.memory_space<hbm>>
      tpu.wait_indirect_dma semaphore(%arg16 : memref<!tpu.dma_semaphore, #tpu.memory_space<semaphore_mem>>) src(%dma_wait3A_583 : memref<2600000x16xf32, #tpu.memory_space<hbm>>) dst(%dma_wait3A_577 : memref<128x16xf32, #tpu.memory_space<vmem>>)
      %dma_wait3A_584 = arith.constant 512 : i32
      %dma_wait3A_585 = arith.constant 0 : i32
      %dma_wait3A_586 = tpu.memref_slice %arg11[%dma_wait3A_584, %dma_wait3A_585] : memref<3328x16xf32, #tpu.memory_space<vmem>> -> memref<128x16xf32, #tpu.memory_space<vmem>>
      %dma_wait3A_587 = arith.constant 0 : i32
      %dma_wait3A_588 = tpu.memref_slice %arg9[%add3A_74, %dma_wait3A_587] : memref<104x128xi32, #tpu.memory_space<vmem>> -> memref<1x128xi32, #tpu.memory_space<vmem>>
      %dma_wait3A_589 = tpu.memref_squeeze %dma_wait3A_588 : memref<1x128xi32, #tpu.memory_space<vmem>> -> memref<128xi32, #tpu.memory_space<vmem>>
      %dma_wait3A_590 = arith.constant 0 : i32
      %dma_wait3A_591 = arith.constant 0 : i32
      %dma_wait3A_592 = tpu.memref_slice %arg4[%dma_wait3A_590, %dma_wait3A_591] : memref<2600000x16xf32, #tpu.memory_space<hbm>> -> memref<2600000x16xf32, #tpu.memory_space<hbm>>
      tpu.wait_indirect_dma semaphore(%arg16 : memref<!tpu.dma_semaphore, #tpu.memory_space<semaphore_mem>>) src(%dma_wait3A_592 : memref<2600000x16xf32, #tpu.memory_space<hbm>>) dst(%dma_wait3A_586 : memref<128x16xf32, #tpu.memory_space<vmem>>)
      %dma_wait3A_593 = arith.constant 640 : i32
      %dma_wait3A_594 = arith.constant 0 : i32
      %dma_wait3A_595 = tpu.memref_slice %arg11[%dma_wait3A_593, %dma_wait3A_594] : memref<3328x16xf32, #tpu.memory_space<vmem>> -> memref<128x16xf32, #tpu.memory_space<vmem>>
      %dma_wait3A_596 = arith.constant 0 : i32
      %dma_wait3A_597 = tpu.memref_slice %arg9[%add3A_85, %dma_wait3A_596] : memref<104x128xi32, #tpu.memory_space<vmem>> -> memref<1x128xi32, #tpu.memory_space<vmem>>
      %dma_wait3A_598 = tpu.memref_squeeze %dma_wait3A_597 : memref<1x128xi32, #tpu.memory_space<vmem>> -> memref<128xi32, #tpu.memory_space<vmem>>
      %dma_wait3A_599 = arith.constant 0 : i32
      %dma_wait3A_600 = arith.constant 0 : i32
      %dma_wait3A_601 = tpu.memref_slice %arg4[%dma_wait3A_599, %dma_wait3A_600] : memref<2600000x16xf32, #tpu.memory_space<hbm>> -> memref<2600000x16xf32, #tpu.memory_space<hbm>>
      tpu.wait_indirect_dma semaphore(%arg16 : memref<!tpu.dma_semaphore, #tpu.memory_space<semaphore_mem>>) src(%dma_wait3A_601 : memref<2600000x16xf32, #tpu.memory_space<hbm>>) dst(%dma_wait3A_595 : memref<128x16xf32, #tpu.memory_space<vmem>>)
      %dma_wait3A_602 = arith.constant 768 : i32
      %dma_wait3A_603 = arith.constant 0 : i32
      %dma_wait3A_604 = tpu.memref_slice %arg11[%dma_wait3A_602, %dma_wait3A_603] : memref<3328x16xf32, #tpu.memory_space<vmem>> -> memref<128x16xf32, #tpu.memory_space<vmem>>
      %dma_wait3A_605 = arith.constant 0 : i32
      %dma_wait3A_606 = tpu.memref_slice %arg9[%add3A_96, %dma_wait3A_605] : memref<104x128xi32, #tpu.memory_space<vmem>> -> memref<1x128xi32, #tpu.memory_space<vmem>>
      %dma_wait3A_607 = tpu.memref_squeeze %dma_wait3A_606 : memref<1x128xi32, #tpu.memory_space<vmem>> -> memref<128xi32, #tpu.memory_space<vmem>>
      %dma_wait3A_608 = arith.constant 0 : i32
      %dma_wait3A_609 = arith.constant 0 : i32
      %dma_wait3A_610 = tpu.memref_slice %arg4[%dma_wait3A_608, %dma_wait3A_609] : memref<2600000x16xf32, #tpu.memory_space<hbm>> -> memref<2600000x16xf32, #tpu.memory_space<hbm>>
      tpu.wait_indirect_dma semaphore(%arg16 : memref<!tpu.dma_semaphore, #tpu.memory_space<semaphore_mem>>) src(%dma_wait3A_610 : memref<2600000x16xf32, #tpu.memory_space<hbm>>) dst(%dma_wait3A_604 : memref<128x16xf32, #tpu.memory_space<vmem>>)
      %dma_wait3A_611 = arith.constant 896 : i32
      %dma_wait3A_612 = arith.constant 0 : i32
      %dma_wait3A_613 = tpu.memref_slice %arg11[%dma_wait3A_611, %dma_wait3A_612] : memref<3328x16xf32, #tpu.memory_space<vmem>> -> memref<128x16xf32, #tpu.memory_space<vmem>>
      %dma_wait3A_614 = arith.constant 0 : i32
      %dma_wait3A_615 = tpu.memref_slice %arg9[%add3A_107, %dma_wait3A_614] : memref<104x128xi32, #tpu.memory_space<vmem>> -> memref<1x128xi32, #tpu.memory_space<vmem>>
      %dma_wait3A_616 = tpu.memref_squeeze %dma_wait3A_615 : memref<1x128xi32, #tpu.memory_space<vmem>> -> memref<128xi32, #tpu.memory_space<vmem>>
      %dma_wait3A_617 = arith.constant 0 : i32
      %dma_wait3A_618 = arith.constant 0 : i32
      %dma_wait3A_619 = tpu.memref_slice %arg4[%dma_wait3A_617, %dma_wait3A_618] : memref<2600000x16xf32, #tpu.memory_space<hbm>> -> memref<2600000x16xf32, #tpu.memory_space<hbm>>
      tpu.wait_indirect_dma semaphore(%arg16 : memref<!tpu.dma_semaphore, #tpu.memory_space<semaphore_mem>>) src(%dma_wait3A_619 : memref<2600000x16xf32, #tpu.memory_space<hbm>>) dst(%dma_wait3A_613 : memref<128x16xf32, #tpu.memory_space<vmem>>)
      %dma_wait3A_620 = arith.constant 1024 : i32
      %dma_wait3A_621 = arith.constant 0 : i32
      %dma_wait3A_622 = tpu.memref_slice %arg11[%dma_wait3A_620, %dma_wait3A_621] : memref<3328x16xf32, #tpu.memory_space<vmem>> -> memref<128x16xf32, #tpu.memory_space<vmem>>
      %dma_wait3A_623 = arith.constant 0 : i32
      %dma_wait3A_624 = tpu.memref_slice %arg9[%add3A_118, %dma_wait3A_623] : memref<104x128xi32, #tpu.memory_space<vmem>> -> memref<1x128xi32, #tpu.memory_space<vmem>>
      %dma_wait3A_625 = tpu.memref_squeeze %dma_wait3A_624 : memref<1x128xi32, #tpu.memory_space<vmem>> -> memref<128xi32, #tpu.memory_space<vmem>>
      %dma_wait3A_626 = arith.constant 0 : i32
      %dma_wait3A_627 = arith.constant 0 : i32
      %dma_wait3A_628 = tpu.memref_slice %arg4[%dma_wait3A_626, %dma_wait3A_627] : memref<2600000x16xf32, #tpu.memory_space<hbm>> -> memref<2600000x16xf32, #tpu.memory_space<hbm>>
      tpu.wait_indirect_dma semaphore(%arg16 : memref<!tpu.dma_semaphore, #tpu.memory_space<semaphore_mem>>) src(%dma_wait3A_628 : memref<2600000x16xf32, #tpu.memory_space<hbm>>) dst(%dma_wait3A_622 : memref<128x16xf32, #tpu.memory_space<vmem>>)
      %dma_wait3A_629 = arith.constant 1152 : i32
      %dma_wait3A_630 = arith.constant 0 : i32
      %dma_wait3A_631 = tpu.memref_slice %arg11[%dma_wait3A_629, %dma_wait3A_630] : memref<3328x16xf32, #tpu.memory_space<vmem>> -> memref<128x16xf32, #tpu.memory_space<vmem>>
      %dma_wait3A_632 = arith.constant 0 : i32
      %dma_wait3A_633 = tpu.memref_slice %arg9[%add3A_129, %dma_wait3A_632] : memref<104x128xi32, #tpu.memory_space<vmem>> -> memref<1x128xi32, #tpu.memory_space<vmem>>
      %dma_wait3A_634 = tpu.memref_squeeze %dma_wait3A_633 : memref<1x128xi32, #tpu.memory_space<vmem>> -> memref<128xi32, #tpu.memory_space<vmem>>
      %dma_wait3A_635 = arith.constant 0 : i32
      %dma_wait3A_636 = arith.constant 0 : i32
      %dma_wait3A_637 = tpu.memref_slice %arg4[%dma_wait3A_635, %dma_wait3A_636] : memref<2600000x16xf32, #tpu.memory_space<hbm>> -> memref<2600000x16xf32, #tpu.memory_space<hbm>>
      tpu.wait_indirect_dma semaphore(%arg16 : memref<!tpu.dma_semaphore, #tpu.memory_space<semaphore_mem>>) src(%dma_wait3A_637 : memref<2600000x16xf32, #tpu.memory_space<hbm>>) dst(%dma_wait3A_631 : memref<128x16xf32, #tpu.memory_space<vmem>>)
      %dma_wait3A_638 = arith.constant 1280 : i32
      %dma_wait3A_639 = arith.constant 0 : i32
      %dma_wait3A_640 = tpu.memref_slice %arg11[%dma_wait3A_638, %dma_wait3A_639] : memref<3328x16xf32, #tpu.memory_space<vmem>> -> memref<128x16xf32, #tpu.memory_space<vmem>>
      %dma_wait3A_641 = arith.constant 0 : i32
      %dma_wait3A_642 = tpu.memref_slice %arg9[%add3A_140, %dma_wait3A_641] : memref<104x128xi32, #tpu.memory_space<vmem>> -> memref<1x128xi32, #tpu.memory_space<vmem>>
      %dma_wait3A_643 = tpu.memref_squeeze %dma_wait3A_642 : memref<1x128xi32, #tpu.memory_space<vmem>> -> memref<128xi32, #tpu.memory_space<vmem>>
      %dma_wait3A_644 = arith.constant 0 : i32
      %dma_wait3A_645 = arith.constant 0 : i32
      %dma_wait3A_646 = tpu.memref_slice %arg4[%dma_wait3A_644, %dma_wait3A_645] : memref<2600000x16xf32, #tpu.memory_space<hbm>> -> memref<2600000x16xf32, #tpu.memory_space<hbm>>
      tpu.wait_indirect_dma semaphore(%arg16 : memref<!tpu.dma_semaphore, #tpu.memory_space<semaphore_mem>>) src(%dma_wait3A_646 : memref<2600000x16xf32, #tpu.memory_space<hbm>>) dst(%dma_wait3A_640 : memref<128x16xf32, #tpu.memory_space<vmem>>)
      %dma_wait3A_647 = arith.constant 1408 : i32
      %dma_wait3A_648 = arith.constant 0 : i32
      %dma_wait3A_649 = tpu.memref_slice %arg11[%dma_wait3A_647, %dma_wait3A_648] : memref<3328x16xf32, #tpu.memory_space<vmem>> -> memref<128x16xf32, #tpu.memory_space<vmem>>
      %dma_wait3A_650 = arith.constant 0 : i32
      %dma_wait3A_651 = tpu.memref_slice %arg9[%add3A_151, %dma_wait3A_650] : memref<104x128xi32, #tpu.memory_space<vmem>> -> memref<1x128xi32, #tpu.memory_space<vmem>>
      %dma_wait3A_652 = tpu.memref_squeeze %dma_wait3A_651 : memref<1x128xi32, #tpu.memory_space<vmem>> -> memref<128xi32, #tpu.memory_space<vmem>>
      %dma_wait3A_653 = arith.constant 0 : i32
      %dma_wait3A_654 = arith.constant 0 : i32
      %dma_wait3A_655 = tpu.memref_slice %arg4[%dma_wait3A_653, %dma_wait3A_654] : memref<2600000x16xf32, #tpu.memory_space<hbm>> -> memref<2600000x16xf32, #tpu.memory_space<hbm>>
      tpu.wait_indirect_dma semaphore(%arg16 : memref<!tpu.dma_semaphore, #tpu.memory_space<semaphore_mem>>) src(%dma_wait3A_655 : memref<2600000x16xf32, #tpu.memory_space<hbm>>) dst(%dma_wait3A_649 : memref<128x16xf32, #tpu.memory_space<vmem>>)
      %dma_wait3A_656 = arith.constant 1536 : i32
      %dma_wait3A_657 = arith.constant 0 : i32
      %dma_wait3A_658 = tpu.memref_slice %arg11[%dma_wait3A_656, %dma_wait3A_657] : memref<3328x16xf32, #tpu.memory_space<vmem>> -> memref<128x16xf32, #tpu.memory_space<vmem>>
      %dma_wait3A_659 = arith.constant 0 : i32
      %dma_wait3A_660 = tpu.memref_slice %arg9[%add3A_162, %dma_wait3A_659] : memref<104x128xi32, #tpu.memory_space<vmem>> -> memref<1x128xi32, #tpu.memory_space<vmem>>
      %dma_wait3A_661 = tpu.memref_squeeze %dma_wait3A_660 : memref<1x128xi32, #tpu.memory_space<vmem>> -> memref<128xi32, #tpu.memory_space<vmem>>
      %dma_wait3A_662 = arith.constant 0 : i32
      %dma_wait3A_663 = arith.constant 0 : i32
      %dma_wait3A_664 = tpu.memref_slice %arg4[%dma_wait3A_662, %dma_wait3A_663] : memref<2600000x16xf32, #tpu.memory_space<hbm>> -> memref<2600000x16xf32, #tpu.memory_space<hbm>>
      tpu.wait_indirect_dma semaphore(%arg16 : memref<!tpu.dma_semaphore, #tpu.memory_space<semaphore_mem>>) src(%dma_wait3A_664 : memref<2600000x16xf32, #tpu.memory_space<hbm>>) dst(%dma_wait3A_658 : memref<128x16xf32, #tpu.memory_space<vmem>>)
      %dma_wait3A_665 = arith.constant 1664 : i32
      %dma_wait3A_666 = arith.constant 0 : i32
      %dma_wait3A_667 = tpu.memref_slice %arg11[%dma_wait3A_665, %dma_wait3A_666] : memref<3328x16xf32, #tpu.memory_space<vmem>> -> memref<128x16xf32, #tpu.memory_space<vmem>>
      %dma_wait3A_668 = arith.constant 0 : i32
      %dma_wait3A_669 = tpu.memref_slice %arg9[%add3A_173, %dma_wait3A_668] : memref<104x128xi32, #tpu.memory_space<vmem>> -> memref<1x128xi32, #tpu.memory_space<vmem>>
      %dma_wait3A_670 = tpu.memref_squeeze %dma_wait3A_669 : memref<1x128xi32, #tpu.memory_space<vmem>> -> memref<128xi32, #tpu.memory_space<vmem>>
      %dma_wait3A_671 = arith.constant 0 : i32
      %dma_wait3A_672 = arith.constant 0 : i32
      %dma_wait3A_673 = tpu.memref_slice %arg4[%dma_wait3A_671, %dma_wait3A_672] : memref<2600000x16xf32, #tpu.memory_space<hbm>> -> memref<2600000x16xf32, #tpu.memory_space<hbm>>
      tpu.wait_indirect_dma semaphore(%arg16 : memref<!tpu.dma_semaphore, #tpu.memory_space<semaphore_mem>>) src(%dma_wait3A_673 : memref<2600000x16xf32, #tpu.memory_space<hbm>>) dst(%dma_wait3A_667 : memref<128x16xf32, #tpu.memory_space<vmem>>)
      %dma_wait3A_674 = arith.constant 1792 : i32
      %dma_wait3A_675 = arith.constant 0 : i32
      %dma_wait3A_676 = tpu.memref_slice %arg11[%dma_wait3A_674, %dma_wait3A_675] : memref<3328x16xf32, #tpu.memory_space<vmem>> -> memref<128x16xf32, #tpu.memory_space<vmem>>
      %dma_wait3A_677 = arith.constant 0 : i32
      %dma_wait3A_678 = tpu.memref_slice %arg9[%add3A_184, %dma_wait3A_677] : memref<104x128xi32, #tpu.memory_space<vmem>> -> memref<1x128xi32, #tpu.memory_space<vmem>>
      %dma_wait3A_679 = tpu.memref_squeeze %dma_wait3A_678 : memref<1x128xi32, #tpu.memory_space<vmem>> -> memref<128xi32, #tpu.memory_space<vmem>>
      %dma_wait3A_680 = arith.constant 0 : i32
      %dma_wait3A_681 = arith.constant 0 : i32
      %dma_wait3A_682 = tpu.memref_slice %arg4[%dma_wait3A_680, %dma_wait3A_681] : memref<2600000x16xf32, #tpu.memory_space<hbm>> -> memref<2600000x16xf32, #tpu.memory_space<hbm>>
      tpu.wait_indirect_dma semaphore(%arg16 : memref<!tpu.dma_semaphore, #tpu.memory_space<semaphore_mem>>) src(%dma_wait3A_682 : memref<2600000x16xf32, #tpu.memory_space<hbm>>) dst(%dma_wait3A_676 : memref<128x16xf32, #tpu.memory_space<vmem>>)
      %dma_wait3A_683 = arith.constant 1920 : i32
      %dma_wait3A_684 = arith.constant 0 : i32
      %dma_wait3A_685 = tpu.memref_slice %arg11[%dma_wait3A_683, %dma_wait3A_684] : memref<3328x16xf32, #tpu.memory_space<vmem>> -> memref<128x16xf32, #tpu.memory_space<vmem>>
      %dma_wait3A_686 = arith.constant 0 : i32
      %dma_wait3A_687 = tpu.memref_slice %arg9[%add3A_195, %dma_wait3A_686] : memref<104x128xi32, #tpu.memory_space<vmem>> -> memref<1x128xi32, #tpu.memory_space<vmem>>
      %dma_wait3A_688 = tpu.memref_squeeze %dma_wait3A_687 : memref<1x128xi32, #tpu.memory_space<vmem>> -> memref<128xi32, #tpu.memory_space<vmem>>
      %dma_wait3A_689 = arith.constant 0 : i32
      %dma_wait3A_690 = arith.constant 0 : i32
      %dma_wait3A_691 = tpu.memref_slice %arg4[%dma_wait3A_689, %dma_wait3A_690] : memref<2600000x16xf32, #tpu.memory_space<hbm>> -> memref<2600000x16xf32, #tpu.memory_space<hbm>>
      tpu.wait_indirect_dma semaphore(%arg16 : memref<!tpu.dma_semaphore, #tpu.memory_space<semaphore_mem>>) src(%dma_wait3A_691 : memref<2600000x16xf32, #tpu.memory_space<hbm>>) dst(%dma_wait3A_685 : memref<128x16xf32, #tpu.memory_space<vmem>>)
      %dma_wait3A_692 = arith.constant 2048 : i32
      %dma_wait3A_693 = arith.constant 0 : i32
      %dma_wait3A_694 = tpu.memref_slice %arg11[%dma_wait3A_692, %dma_wait3A_693] : memref<3328x16xf32, #tpu.memory_space<vmem>> -> memref<128x16xf32, #tpu.memory_space<vmem>>
      %dma_wait3A_695 = arith.constant 0 : i32
      %dma_wait3A_696 = tpu.memref_slice %arg9[%add3A_206, %dma_wait3A_695] : memref<104x128xi32, #tpu.memory_space<vmem>> -> memref<1x128xi32, #tpu.memory_space<vmem>>
      %dma_wait3A_697 = tpu.memref_squeeze %dma_wait3A_696 : memref<1x128xi32, #tpu.memory_space<vmem>> -> memref<128xi32, #tpu.memory_space<vmem>>
      %dma_wait3A_698 = arith.constant 0 : i32
      %dma_wait3A_699 = arith.constant 0 : i32
      %dma_wait3A_700 = tpu.memref_slice %arg4[%dma_wait3A_698, %dma_wait3A_699] : memref<2600000x16xf32, #tpu.memory_space<hbm>> -> memref<2600000x16xf32, #tpu.memory_space<hbm>>
      tpu.wait_indirect_dma semaphore(%arg16 : memref<!tpu.dma_semaphore, #tpu.memory_space<semaphore_mem>>) src(%dma_wait3A_700 : memref<2600000x16xf32, #tpu.memory_space<hbm>>) dst(%dma_wait3A_694 : memref<128x16xf32, #tpu.memory_space<vmem>>)
      %dma_wait3A_701 = arith.constant 2176 : i32
      %dma_wait3A_702 = arith.constant 0 : i32
      %dma_wait3A_703 = tpu.memref_slice %arg11[%dma_wait3A_701, %dma_wait3A_702] : memref<3328x16xf32, #tpu.memory_space<vmem>> -> memref<128x16xf32, #tpu.memory_space<vmem>>
      %dma_wait3A_704 = arith.constant 0 : i32
      %dma_wait3A_705 = tpu.memref_slice %arg9[%add3A_217, %dma_wait3A_704] : memref<104x128xi32, #tpu.memory_space<vmem>> -> memref<1x128xi32, #tpu.memory_space<vmem>>
      %dma_wait3A_706 = tpu.memref_squeeze %dma_wait3A_705 : memref<1x128xi32, #tpu.memory_space<vmem>> -> memref<128xi32, #tpu.memory_space<vmem>>
      %dma_wait3A_707 = arith.constant 0 : i32
      %dma_wait3A_708 = arith.constant 0 : i32
      %dma_wait3A_709 = tpu.memref_slice %arg4[%dma_wait3A_707, %dma_wait3A_708] : memref<2600000x16xf32, #tpu.memory_space<hbm>> -> memref<2600000x16xf32, #tpu.memory_space<hbm>>
      tpu.wait_indirect_dma semaphore(%arg16 : memref<!tpu.dma_semaphore, #tpu.memory_space<semaphore_mem>>) src(%dma_wait3A_709 : memref<2600000x16xf32, #tpu.memory_space<hbm>>) dst(%dma_wait3A_703 : memref<128x16xf32, #tpu.memory_space<vmem>>)
      %dma_wait3A_710 = arith.constant 2304 : i32
      %dma_wait3A_711 = arith.constant 0 : i32
      %dma_wait3A_712 = tpu.memref_slice %arg11[%dma_wait3A_710, %dma_wait3A_711] : memref<3328x16xf32, #tpu.memory_space<vmem>> -> memref<128x16xf32, #tpu.memory_space<vmem>>
      %dma_wait3A_713 = arith.constant 0 : i32
      %dma_wait3A_714 = tpu.memref_slice %arg9[%add3A_228, %dma_wait3A_713] : memref<104x128xi32, #tpu.memory_space<vmem>> -> memref<1x128xi32, #tpu.memory_space<vmem>>
      %dma_wait3A_715 = tpu.memref_squeeze %dma_wait3A_714 : memref<1x128xi32, #tpu.memory_space<vmem>> -> memref<128xi32, #tpu.memory_space<vmem>>
      %dma_wait3A_716 = arith.constant 0 : i32
      %dma_wait3A_717 = arith.constant 0 : i32
      %dma_wait3A_718 = tpu.memref_slice %arg4[%dma_wait3A_716, %dma_wait3A_717] : memref<2600000x16xf32, #tpu.memory_space<hbm>> -> memref<2600000x16xf32, #tpu.memory_space<hbm>>
      tpu.wait_indirect_dma semaphore(%arg16 : memref<!tpu.dma_semaphore, #tpu.memory_space<semaphore_mem>>) src(%dma_wait3A_718 : memref<2600000x16xf32, #tpu.memory_space<hbm>>) dst(%dma_wait3A_712 : memref<128x16xf32, #tpu.memory_space<vmem>>)
      %dma_wait3A_719 = arith.constant 2432 : i32
      %dma_wait3A_720 = arith.constant 0 : i32
      %dma_wait3A_721 = tpu.memref_slice %arg11[%dma_wait3A_719, %dma_wait3A_720] : memref<3328x16xf32, #tpu.memory_space<vmem>> -> memref<128x16xf32, #tpu.memory_space<vmem>>
      %dma_wait3A_722 = arith.constant 0 : i32
      %dma_wait3A_723 = tpu.memref_slice %arg9[%add3A_239, %dma_wait3A_722] : memref<104x128xi32, #tpu.memory_space<vmem>> -> memref<1x128xi32, #tpu.memory_space<vmem>>
      %dma_wait3A_724 = tpu.memref_squeeze %dma_wait3A_723 : memref<1x128xi32, #tpu.memory_space<vmem>> -> memref<128xi32, #tpu.memory_space<vmem>>
      %dma_wait3A_725 = arith.constant 0 : i32
      %dma_wait3A_726 = arith.constant 0 : i32
      %dma_wait3A_727 = tpu.memref_slice %arg4[%dma_wait3A_725, %dma_wait3A_726] : memref<2600000x16xf32, #tpu.memory_space<hbm>> -> memref<2600000x16xf32, #tpu.memory_space<hbm>>
      tpu.wait_indirect_dma semaphore(%arg16 : memref<!tpu.dma_semaphore, #tpu.memory_space<semaphore_mem>>) src(%dma_wait3A_727 : memref<2600000x16xf32, #tpu.memory_space<hbm>>) dst(%dma_wait3A_721 : memref<128x16xf32, #tpu.memory_space<vmem>>)
      %dma_wait3A_728 = arith.constant 2560 : i32
      %dma_wait3A_729 = arith.constant 0 : i32
      %dma_wait3A_730 = tpu.memref_slice %arg11[%dma_wait3A_728, %dma_wait3A_729] : memref<3328x16xf32, #tpu.memory_space<vmem>> -> memref<128x16xf32, #tpu.memory_space<vmem>>
      %dma_wait3A_731 = arith.constant 0 : i32
      %dma_wait3A_732 = tpu.memref_slice %arg9[%add3A_250, %dma_wait3A_731] : memref<104x128xi32, #tpu.memory_space<vmem>> -> memref<1x128xi32, #tpu.memory_space<vmem>>
      %dma_wait3A_733 = tpu.memref_squeeze %dma_wait3A_732 : memref<1x128xi32, #tpu.memory_space<vmem>> -> memref<128xi32, #tpu.memory_space<vmem>>
      %dma_wait3A_734 = arith.constant 0 : i32
      %dma_wait3A_735 = arith.constant 0 : i32
      %dma_wait3A_736 = tpu.memref_slice %arg4[%dma_wait3A_734, %dma_wait3A_735] : memref<2600000x16xf32, #tpu.memory_space<hbm>> -> memref<2600000x16xf32, #tpu.memory_space<hbm>>
      tpu.wait_indirect_dma semaphore(%arg16 : memref<!tpu.dma_semaphore, #tpu.memory_space<semaphore_mem>>) src(%dma_wait3A_736 : memref<2600000x16xf32, #tpu.memory_space<hbm>>) dst(%dma_wait3A_730 : memref<128x16xf32, #tpu.memory_space<vmem>>)
      %dma_wait3A_737 = arith.constant 2688 : i32
      %dma_wait3A_738 = arith.constant 0 : i32
      %dma_wait3A_739 = tpu.memref_slice %arg11[%dma_wait3A_737, %dma_wait3A_738] : memref<3328x16xf32, #tpu.memory_space<vmem>> -> memref<128x16xf32, #tpu.memory_space<vmem>>
      %dma_wait3A_740 = arith.constant 0 : i32
      %dma_wait3A_741 = tpu.memref_slice %arg9[%add3A_261, %dma_wait3A_740] : memref<104x128xi32, #tpu.memory_space<vmem>> -> memref<1x128xi32, #tpu.memory_space<vmem>>
      %dma_wait3A_742 = tpu.memref_squeeze %dma_wait3A_741 : memref<1x128xi32, #tpu.memory_space<vmem>> -> memref<128xi32, #tpu.memory_space<vmem>>
      %dma_wait3A_743 = arith.constant 0 : i32
      %dma_wait3A_744 = arith.constant 0 : i32
      %dma_wait3A_745 = tpu.memref_slice %arg4[%dma_wait3A_743, %dma_wait3A_744] : memref<2600000x16xf32, #tpu.memory_space<hbm>> -> memref<2600000x16xf32, #tpu.memory_space<hbm>>
      tpu.wait_indirect_dma semaphore(%arg16 : memref<!tpu.dma_semaphore, #tpu.memory_space<semaphore_mem>>) src(%dma_wait3A_745 : memref<2600000x16xf32, #tpu.memory_space<hbm>>) dst(%dma_wait3A_739 : memref<128x16xf32, #tpu.memory_space<vmem>>)
      %dma_wait3A_746 = arith.constant 2816 : i32
      %dma_wait3A_747 = arith.constant 0 : i32
      %dma_wait3A_748 = tpu.memref_slice %arg11[%dma_wait3A_746, %dma_wait3A_747] : memref<3328x16xf32, #tpu.memory_space<vmem>> -> memref<128x16xf32, #tpu.memory_space<vmem>>
      %dma_wait3A_749 = arith.constant 0 : i32
      %dma_wait3A_750 = tpu.memref_slice %arg9[%add3A_272, %dma_wait3A_749] : memref<104x128xi32, #tpu.memory_space<vmem>> -> memref<1x128xi32, #tpu.memory_space<vmem>>
      %dma_wait3A_751 = tpu.memref_squeeze %dma_wait3A_750 : memref<1x128xi32, #tpu.memory_space<vmem>> -> memref<128xi32, #tpu.memory_space<vmem>>
      %dma_wait3A_752 = arith.constant 0 : i32
      %dma_wait3A_753 = arith.constant 0 : i32
      %dma_wait3A_754 = tpu.memref_slice %arg4[%dma_wait3A_752, %dma_wait3A_753] : memref<2600000x16xf32, #tpu.memory_space<hbm>> -> memref<2600000x16xf32, #tpu.memory_space<hbm>>
      tpu.wait_indirect_dma semaphore(%arg16 : memref<!tpu.dma_semaphore, #tpu.memory_space<semaphore_mem>>) src(%dma_wait3A_754 : memref<2600000x16xf32, #tpu.memory_space<hbm>>) dst(%dma_wait3A_748 : memref<128x16xf32, #tpu.memory_space<vmem>>)
      %dma_wait3A_755 = arith.constant 2944 : i32
      %dma_wait3A_756 = arith.constant 0 : i32
      %dma_wait3A_757 = tpu.memref_slice %arg11[%dma_wait3A_755, %dma_wait3A_756] : memref<3328x16xf32, #tpu.memory_space<vmem>> -> memref<128x16xf32, #tpu.memory_space<vmem>>
      %dma_wait3A_758 = arith.constant 0 : i32
      %dma_wait3A_759 = tpu.memref_slice %arg9[%add3A_283, %dma_wait3A_758] : memref<104x128xi32, #tpu.memory_space<vmem>> -> memref<1x128xi32, #tpu.memory_space<vmem>>
      %dma_wait3A_760 = tpu.memref_squeeze %dma_wait3A_759 : memref<1x128xi32, #tpu.memory_space<vmem>> -> memref<128xi32, #tpu.memory_space<vmem>>
      %dma_wait3A_761 = arith.constant 0 : i32
      %dma_wait3A_762 = arith.constant 0 : i32
      %dma_wait3A_763 = tpu.memref_slice %arg4[%dma_wait3A_761, %dma_wait3A_762] : memref<2600000x16xf32, #tpu.memory_space<hbm>> -> memref<2600000x16xf32, #tpu.memory_space<hbm>>
      tpu.wait_indirect_dma semaphore(%arg16 : memref<!tpu.dma_semaphore, #tpu.memory_space<semaphore_mem>>) src(%dma_wait3A_763 : memref<2600000x16xf32, #tpu.memory_space<hbm>>) dst(%dma_wait3A_757 : memref<128x16xf32, #tpu.memory_space<vmem>>)
      %dma_wait3A_764 = arith.constant 3072 : i32
      %dma_wait3A_765 = arith.constant 0 : i32
      %dma_wait3A_766 = tpu.memref_slice %arg11[%dma_wait3A_764, %dma_wait3A_765] : memref<3328x16xf32, #tpu.memory_space<vmem>> -> memref<128x16xf32, #tpu.memory_space<vmem>>
      %dma_wait3A_767 = arith.constant 0 : i32
      %dma_wait3A_768 = tpu.memref_slice %arg9[%add3A_294, %dma_wait3A_767] : memref<104x128xi32, #tpu.memory_space<vmem>> -> memref<1x128xi32, #tpu.memory_space<vmem>>
      %dma_wait3A_769 = tpu.memref_squeeze %dma_wait3A_768 : memref<1x128xi32, #tpu.memory_space<vmem>> -> memref<128xi32, #tpu.memory_space<vmem>>
      %dma_wait3A_770 = arith.constant 0 : i32
      %dma_wait3A_771 = arith.constant 0 : i32
      %dma_wait3A_772 = tpu.memref_slice %arg4[%dma_wait3A_770, %dma_wait3A_771] : memref<2600000x16xf32, #tpu.memory_space<hbm>> -> memref<2600000x16xf32, #tpu.memory_space<hbm>>
      tpu.wait_indirect_dma semaphore(%arg16 : memref<!tpu.dma_semaphore, #tpu.memory_space<semaphore_mem>>) src(%dma_wait3A_772 : memref<2600000x16xf32, #tpu.memory_space<hbm>>) dst(%dma_wait3A_766 : memref<128x16xf32, #tpu.memory_space<vmem>>)
      %dma_wait3A_773 = arith.constant 3200 : i32
      %dma_wait3A_774 = arith.constant 0 : i32
      %dma_wait3A_775 = tpu.memref_slice %arg11[%dma_wait3A_773, %dma_wait3A_774] : memref<3328x16xf32, #tpu.memory_space<vmem>> -> memref<128x16xf32, #tpu.memory_space<vmem>>
      %dma_wait3A_776 = arith.constant 0 : i32
      %dma_wait3A_777 = tpu.memref_slice %arg9[%add3A_305, %dma_wait3A_776] : memref<104x128xi32, #tpu.memory_space<vmem>> -> memref<1x128xi32, #tpu.memory_space<vmem>>
      %dma_wait3A_778 = tpu.memref_squeeze %dma_wait3A_777 : memref<1x128xi32, #tpu.memory_space<vmem>> -> memref<128xi32, #tpu.memory_space<vmem>>
      %dma_wait3A_779 = arith.constant 0 : i32
      %dma_wait3A_780 = arith.constant 0 : i32
      %dma_wait3A_781 = tpu.memref_slice %arg4[%dma_wait3A_779, %dma_wait3A_780] : memref<2600000x16xf32, #tpu.memory_space<hbm>> -> memref<2600000x16xf32, #tpu.memory_space<hbm>>
      tpu.wait_indirect_dma semaphore(%arg16 : memref<!tpu.dma_semaphore, #tpu.memory_space<semaphore_mem>>) src(%dma_wait3A_781 : memref<2600000x16xf32, #tpu.memory_space<hbm>>) dst(%dma_wait3A_775 : memref<128x16xf32, #tpu.memory_space<vmem>>)
      %dma_wait3A_782 = arith.constant 0 : i32
      %dma_wait3A_783 = tpu.memref_slice %arg12[%dma_wait3A_782] : memref<3328xf32, #tpu.memory_space<vmem>> -> memref<128xf32, #tpu.memory_space<vmem>>
      %dma_wait3A_784 = arith.constant 0 : i32
      %dma_wait3A_785 = tpu.memref_slice %arg9[%add3A_316, %dma_wait3A_784] : memref<104x128xi32, #tpu.memory_space<vmem>> -> memref<1x128xi32, #tpu.memory_space<vmem>>
      %dma_wait3A_786 = tpu.memref_squeeze %dma_wait3A_785 : memref<1x128xi32, #tpu.memory_space<vmem>> -> memref<128xi32, #tpu.memory_space<vmem>>
      %dma_wait3A_787 = arith.constant 0 : i32
      %dma_wait3A_788 = tpu.memref_slice %arg5[%dma_wait3A_787] : memref<2600000xf32, #tpu.memory_space<hbm>> -> memref<2600000xf32, #tpu.memory_space<hbm>>
      tpu.wait_indirect_dma semaphore(%arg16 : memref<!tpu.dma_semaphore, #tpu.memory_space<semaphore_mem>>) src(%dma_wait3A_788 : memref<2600000xf32, #tpu.memory_space<hbm>>) dst(%dma_wait3A_783 : memref<128xf32, #tpu.memory_space<vmem>>)
      %dma_wait3A_789 = arith.constant 128 : i32
      %dma_wait3A_790 = tpu.memref_slice %arg12[%dma_wait3A_789] : memref<3328xf32, #tpu.memory_space<vmem>> -> memref<128xf32, #tpu.memory_space<vmem>>
      %dma_wait3A_791 = arith.constant 0 : i32
      %dma_wait3A_792 = tpu.memref_slice %arg9[%add3A_325, %dma_wait3A_791] : memref<104x128xi32, #tpu.memory_space<vmem>> -> memref<1x128xi32, #tpu.memory_space<vmem>>
      %dma_wait3A_793 = tpu.memref_squeeze %dma_wait3A_792 : memref<1x128xi32, #tpu.memory_space<vmem>> -> memref<128xi32, #tpu.memory_space<vmem>>
      %dma_wait3A_794 = arith.constant 0 : i32
      %dma_wait3A_795 = tpu.memref_slice %arg5[%dma_wait3A_794] : memref<2600000xf32, #tpu.memory_space<hbm>> -> memref<2600000xf32, #tpu.memory_space<hbm>>
      tpu.wait_indirect_dma semaphore(%arg16 : memref<!tpu.dma_semaphore, #tpu.memory_space<semaphore_mem>>) src(%dma_wait3A_795 : memref<2600000xf32, #tpu.memory_space<hbm>>) dst(%dma_wait3A_790 : memref<128xf32, #tpu.memory_space<vmem>>)
      %dma_wait3A_796 = arith.constant 256 : i32
      %dma_wait3A_797 = tpu.memref_slice %arg12[%dma_wait3A_796] : memref<3328xf32, #tpu.memory_space<vmem>> -> memref<128xf32, #tpu.memory_space<vmem>>
      %dma_wait3A_798 = arith.constant 0 : i32
      %dma_wait3A_799 = tpu.memref_slice %arg9[%add3A_334, %dma_wait3A_798] : memref<104x128xi32, #tpu.memory_space<vmem>> -> memref<1x128xi32, #tpu.memory_space<vmem>>
      %dma_wait3A_800 = tpu.memref_squeeze %dma_wait3A_799 : memref<1x128xi32, #tpu.memory_space<vmem>> -> memref<128xi32, #tpu.memory_space<vmem>>
      %dma_wait3A_801 = arith.constant 0 : i32
      %dma_wait3A_802 = tpu.memref_slice %arg5[%dma_wait3A_801] : memref<2600000xf32, #tpu.memory_space<hbm>> -> memref<2600000xf32, #tpu.memory_space<hbm>>
      tpu.wait_indirect_dma semaphore(%arg16 : memref<!tpu.dma_semaphore, #tpu.memory_space<semaphore_mem>>) src(%dma_wait3A_802 : memref<2600000xf32, #tpu.memory_space<hbm>>) dst(%dma_wait3A_797 : memref<128xf32, #tpu.memory_space<vmem>>)
      %dma_wait3A_803 = arith.constant 384 : i32
      %dma_wait3A_804 = tpu.memref_slice %arg12[%dma_wait3A_803] : memref<3328xf32, #tpu.memory_space<vmem>> -> memref<128xf32, #tpu.memory_space<vmem>>
      %dma_wait3A_805 = arith.constant 0 : i32
      %dma_wait3A_806 = tpu.memref_slice %arg9[%add3A_343, %dma_wait3A_805] : memref<104x128xi32, #tpu.memory_space<vmem>> -> memref<1x128xi32, #tpu.memory_space<vmem>>
      %dma_wait3A_807 = tpu.memref_squeeze %dma_wait3A_806 : memref<1x128xi32, #tpu.memory_space<vmem>> -> memref<128xi32, #tpu.memory_space<vmem>>
      %dma_wait3A_808 = arith.constant 0 : i32
      %dma_wait3A_809 = tpu.memref_slice %arg5[%dma_wait3A_808] : memref<2600000xf32, #tpu.memory_space<hbm>> -> memref<2600000xf32, #tpu.memory_space<hbm>>
      tpu.wait_indirect_dma semaphore(%arg16 : memref<!tpu.dma_semaphore, #tpu.memory_space<semaphore_mem>>) src(%dma_wait3A_809 : memref<2600000xf32, #tpu.memory_space<hbm>>) dst(%dma_wait3A_804 : memref<128xf32, #tpu.memory_space<vmem>>)
      %dma_wait3A_810 = arith.constant 512 : i32
      %dma_wait3A_811 = tpu.memref_slice %arg12[%dma_wait3A_810] : memref<3328xf32, #tpu.memory_space<vmem>> -> memref<128xf32, #tpu.memory_space<vmem>>
      %dma_wait3A_812 = arith.constant 0 : i32
      %dma_wait3A_813 = tpu.memref_slice %arg9[%add3A_352, %dma_wait3A_812] : memref<104x128xi32, #tpu.memory_space<vmem>> -> memref<1x128xi32, #tpu.memory_space<vmem>>
      %dma_wait3A_814 = tpu.memref_squeeze %dma_wait3A_813 : memref<1x128xi32, #tpu.memory_space<vmem>> -> memref<128xi32, #tpu.memory_space<vmem>>
      %dma_wait3A_815 = arith.constant 0 : i32
      %dma_wait3A_816 = tpu.memref_slice %arg5[%dma_wait3A_815] : memref<2600000xf32, #tpu.memory_space<hbm>> -> memref<2600000xf32, #tpu.memory_space<hbm>>
      tpu.wait_indirect_dma semaphore(%arg16 : memref<!tpu.dma_semaphore, #tpu.memory_space<semaphore_mem>>) src(%dma_wait3A_816 : memref<2600000xf32, #tpu.memory_space<hbm>>) dst(%dma_wait3A_811 : memref<128xf32, #tpu.memory_space<vmem>>)
      %dma_wait3A_817 = arith.constant 640 : i32
      %dma_wait3A_818 = tpu.memref_slice %arg12[%dma_wait3A_817] : memref<3328xf32, #tpu.memory_space<vmem>> -> memref<128xf32, #tpu.memory_space<vmem>>
      %dma_wait3A_819 = arith.constant 0 : i32
      %dma_wait3A_820 = tpu.memref_slice %arg9[%add3A_361, %dma_wait3A_819] : memref<104x128xi32, #tpu.memory_space<vmem>> -> memref<1x128xi32, #tpu.memory_space<vmem>>
      %dma_wait3A_821 = tpu.memref_squeeze %dma_wait3A_820 : memref<1x128xi32, #tpu.memory_space<vmem>> -> memref<128xi32, #tpu.memory_space<vmem>>
      %dma_wait3A_822 = arith.constant 0 : i32
      %dma_wait3A_823 = tpu.memref_slice %arg5[%dma_wait3A_822] : memref<2600000xf32, #tpu.memory_space<hbm>> -> memref<2600000xf32, #tpu.memory_space<hbm>>
      tpu.wait_indirect_dma semaphore(%arg16 : memref<!tpu.dma_semaphore, #tpu.memory_space<semaphore_mem>>) src(%dma_wait3A_823 : memref<2600000xf32, #tpu.memory_space<hbm>>) dst(%dma_wait3A_818 : memref<128xf32, #tpu.memory_space<vmem>>)
      %dma_wait3A_824 = arith.constant 768 : i32
      %dma_wait3A_825 = tpu.memref_slice %arg12[%dma_wait3A_824] : memref<3328xf32, #tpu.memory_space<vmem>> -> memref<128xf32, #tpu.memory_space<vmem>>
      %dma_wait3A_826 = arith.constant 0 : i32
      %dma_wait3A_827 = tpu.memref_slice %arg9[%add3A_370, %dma_wait3A_826] : memref<104x128xi32, #tpu.memory_space<vmem>> -> memref<1x128xi32, #tpu.memory_space<vmem>>
      %dma_wait3A_828 = tpu.memref_squeeze %dma_wait3A_827 : memref<1x128xi32, #tpu.memory_space<vmem>> -> memref<128xi32, #tpu.memory_space<vmem>>
      %dma_wait3A_829 = arith.constant 0 : i32
      %dma_wait3A_830 = tpu.memref_slice %arg5[%dma_wait3A_829] : memref<2600000xf32, #tpu.memory_space<hbm>> -> memref<2600000xf32, #tpu.memory_space<hbm>>
      tpu.wait_indirect_dma semaphore(%arg16 : memref<!tpu.dma_semaphore, #tpu.memory_space<semaphore_mem>>) src(%dma_wait3A_830 : memref<2600000xf32, #tpu.memory_space<hbm>>) dst(%dma_wait3A_825 : memref<128xf32, #tpu.memory_space<vmem>>)
      %dma_wait3A_831 = arith.constant 896 : i32
      %dma_wait3A_832 = tpu.memref_slice %arg12[%dma_wait3A_831] : memref<3328xf32, #tpu.memory_space<vmem>> -> memref<128xf32, #tpu.memory_space<vmem>>
      %dma_wait3A_833 = arith.constant 0 : i32
      %dma_wait3A_834 = tpu.memref_slice %arg9[%add3A_379, %dma_wait3A_833] : memref<104x128xi32, #tpu.memory_space<vmem>> -> memref<1x128xi32, #tpu.memory_space<vmem>>
      %dma_wait3A_835 = tpu.memref_squeeze %dma_wait3A_834 : memref<1x128xi32, #tpu.memory_space<vmem>> -> memref<128xi32, #tpu.memory_space<vmem>>
      %dma_wait3A_836 = arith.constant 0 : i32
      %dma_wait3A_837 = tpu.memref_slice %arg5[%dma_wait3A_836] : memref<2600000xf32, #tpu.memory_space<hbm>> -> memref<2600000xf32, #tpu.memory_space<hbm>>
      tpu.wait_indirect_dma semaphore(%arg16 : memref<!tpu.dma_semaphore, #tpu.memory_space<semaphore_mem>>) src(%dma_wait3A_837 : memref<2600000xf32, #tpu.memory_space<hbm>>) dst(%dma_wait3A_832 : memref<128xf32, #tpu.memory_space<vmem>>)
      %dma_wait3A_838 = arith.constant 1024 : i32
      %dma_wait3A_839 = tpu.memref_slice %arg12[%dma_wait3A_838] : memref<3328xf32, #tpu.memory_space<vmem>> -> memref<128xf32, #tpu.memory_space<vmem>>
      %dma_wait3A_840 = arith.constant 0 : i32
      %dma_wait3A_841 = tpu.memref_slice %arg9[%add3A_388, %dma_wait3A_840] : memref<104x128xi32, #tpu.memory_space<vmem>> -> memref<1x128xi32, #tpu.memory_space<vmem>>
      %dma_wait3A_842 = tpu.memref_squeeze %dma_wait3A_841 : memref<1x128xi32, #tpu.memory_space<vmem>> -> memref<128xi32, #tpu.memory_space<vmem>>
      %dma_wait3A_843 = arith.constant 0 : i32
      %dma_wait3A_844 = tpu.memref_slice %arg5[%dma_wait3A_843] : memref<2600000xf32, #tpu.memory_space<hbm>> -> memref<2600000xf32, #tpu.memory_space<hbm>>
      tpu.wait_indirect_dma semaphore(%arg16 : memref<!tpu.dma_semaphore, #tpu.memory_space<semaphore_mem>>) src(%dma_wait3A_844 : memref<2600000xf32, #tpu.memory_space<hbm>>) dst(%dma_wait3A_839 : memref<128xf32, #tpu.memory_space<vmem>>)
      %dma_wait3A_845 = arith.constant 1152 : i32
      %dma_wait3A_846 = tpu.memref_slice %arg12[%dma_wait3A_845] : memref<3328xf32, #tpu.memory_space<vmem>> -> memref<128xf32, #tpu.memory_space<vmem>>
      %dma_wait3A_847 = arith.constant 0 : i32
      %dma_wait3A_848 = tpu.memref_slice %arg9[%add3A_397, %dma_wait3A_847] : memref<104x128xi32, #tpu.memory_space<vmem>> -> memref<1x128xi32, #tpu.memory_space<vmem>>
      %dma_wait3A_849 = tpu.memref_squeeze %dma_wait3A_848 : memref<1x128xi32, #tpu.memory_space<vmem>> -> memref<128xi32, #tpu.memory_space<vmem>>
      %dma_wait3A_850 = arith.constant 0 : i32
      %dma_wait3A_851 = tpu.memref_slice %arg5[%dma_wait3A_850] : memref<2600000xf32, #tpu.memory_space<hbm>> -> memref<2600000xf32, #tpu.memory_space<hbm>>
      tpu.wait_indirect_dma semaphore(%arg16 : memref<!tpu.dma_semaphore, #tpu.memory_space<semaphore_mem>>) src(%dma_wait3A_851 : memref<2600000xf32, #tpu.memory_space<hbm>>) dst(%dma_wait3A_846 : memref<128xf32, #tpu.memory_space<vmem>>)
      %dma_wait3A_852 = arith.constant 1280 : i32
      %dma_wait3A_853 = tpu.memref_slice %arg12[%dma_wait3A_852] : memref<3328xf32, #tpu.memory_space<vmem>> -> memref<128xf32, #tpu.memory_space<vmem>>
      %dma_wait3A_854 = arith.constant 0 : i32
      %dma_wait3A_855 = tpu.memref_slice %arg9[%add3A_406, %dma_wait3A_854] : memref<104x128xi32, #tpu.memory_space<vmem>> -> memref<1x128xi32, #tpu.memory_space<vmem>>
      %dma_wait3A_856 = tpu.memref_squeeze %dma_wait3A_855 : memref<1x128xi32, #tpu.memory_space<vmem>> -> memref<128xi32, #tpu.memory_space<vmem>>
      %dma_wait3A_857 = arith.constant 0 : i32
      %dma_wait3A_858 = tpu.memref_slice %arg5[%dma_wait3A_857] : memref<2600000xf32, #tpu.memory_space<hbm>> -> memref<2600000xf32, #tpu.memory_space<hbm>>
      tpu.wait_indirect_dma semaphore(%arg16 : memref<!tpu.dma_semaphore, #tpu.memory_space<semaphore_mem>>) src(%dma_wait3A_858 : memref<2600000xf32, #tpu.memory_space<hbm>>) dst(%dma_wait3A_853 : memref<128xf32, #tpu.memory_space<vmem>>)
      %dma_wait3A_859 = arith.constant 1408 : i32
      %dma_wait3A_860 = tpu.memref_slice %arg12[%dma_wait3A_859] : memref<3328xf32, #tpu.memory_space<vmem>> -> memref<128xf32, #tpu.memory_space<vmem>>
      %dma_wait3A_861 = arith.constant 0 : i32
      %dma_wait3A_862 = tpu.memref_slice %arg9[%add3A_415, %dma_wait3A_861] : memref<104x128xi32, #tpu.memory_space<vmem>> -> memref<1x128xi32, #tpu.memory_space<vmem>>
      %dma_wait3A_863 = tpu.memref_squeeze %dma_wait3A_862 : memref<1x128xi32, #tpu.memory_space<vmem>> -> memref<128xi32, #tpu.memory_space<vmem>>
      %dma_wait3A_864 = arith.constant 0 : i32
      %dma_wait3A_865 = tpu.memref_slice %arg5[%dma_wait3A_864] : memref<2600000xf32, #tpu.memory_space<hbm>> -> memref<2600000xf32, #tpu.memory_space<hbm>>
      tpu.wait_indirect_dma semaphore(%arg16 : memref<!tpu.dma_semaphore, #tpu.memory_space<semaphore_mem>>) src(%dma_wait3A_865 : memref<2600000xf32, #tpu.memory_space<hbm>>) dst(%dma_wait3A_860 : memref<128xf32, #tpu.memory_space<vmem>>)
      %dma_wait3A_866 = arith.constant 1536 : i32
      %dma_wait3A_867 = tpu.memref_slice %arg12[%dma_wait3A_866] : memref<3328xf32, #tpu.memory_space<vmem>> -> memref<128xf32, #tpu.memory_space<vmem>>
      %dma_wait3A_868 = arith.constant 0 : i32
      %dma_wait3A_869 = tpu.memref_slice %arg9[%add3A_424, %dma_wait3A_868] : memref<104x128xi32, #tpu.memory_space<vmem>> -> memref<1x128xi32, #tpu.memory_space<vmem>>
      %dma_wait3A_870 = tpu.memref_squeeze %dma_wait3A_869 : memref<1x128xi32, #tpu.memory_space<vmem>> -> memref<128xi32, #tpu.memory_space<vmem>>
      %dma_wait3A_871 = arith.constant 0 : i32
      %dma_wait3A_872 = tpu.memref_slice %arg5[%dma_wait3A_871] : memref<2600000xf32, #tpu.memory_space<hbm>> -> memref<2600000xf32, #tpu.memory_space<hbm>>
      tpu.wait_indirect_dma semaphore(%arg16 : memref<!tpu.dma_semaphore, #tpu.memory_space<semaphore_mem>>) src(%dma_wait3A_872 : memref<2600000xf32, #tpu.memory_space<hbm>>) dst(%dma_wait3A_867 : memref<128xf32, #tpu.memory_space<vmem>>)
      %dma_wait3A_873 = arith.constant 1664 : i32
      %dma_wait3A_874 = tpu.memref_slice %arg12[%dma_wait3A_873] : memref<3328xf32, #tpu.memory_space<vmem>> -> memref<128xf32, #tpu.memory_space<vmem>>
      %dma_wait3A_875 = arith.constant 0 : i32
      %dma_wait3A_876 = tpu.memref_slice %arg9[%add3A_433, %dma_wait3A_875] : memref<104x128xi32, #tpu.memory_space<vmem>> -> memref<1x128xi32, #tpu.memory_space<vmem>>
      %dma_wait3A_877 = tpu.memref_squeeze %dma_wait3A_876 : memref<1x128xi32, #tpu.memory_space<vmem>> -> memref<128xi32, #tpu.memory_space<vmem>>
      %dma_wait3A_878 = arith.constant 0 : i32
      %dma_wait3A_879 = tpu.memref_slice %arg5[%dma_wait3A_878] : memref<2600000xf32, #tpu.memory_space<hbm>> -> memref<2600000xf32, #tpu.memory_space<hbm>>
      tpu.wait_indirect_dma semaphore(%arg16 : memref<!tpu.dma_semaphore, #tpu.memory_space<semaphore_mem>>) src(%dma_wait3A_879 : memref<2600000xf32, #tpu.memory_space<hbm>>) dst(%dma_wait3A_874 : memref<128xf32, #tpu.memory_space<vmem>>)
      %dma_wait3A_880 = arith.constant 1792 : i32
      %dma_wait3A_881 = tpu.memref_slice %arg12[%dma_wait3A_880] : memref<3328xf32, #tpu.memory_space<vmem>> -> memref<128xf32, #tpu.memory_space<vmem>>
      %dma_wait3A_882 = arith.constant 0 : i32
      %dma_wait3A_883 = tpu.memref_slice %arg9[%add3A_442, %dma_wait3A_882] : memref<104x128xi32, #tpu.memory_space<vmem>> -> memref<1x128xi32, #tpu.memory_space<vmem>>
      %dma_wait3A_884 = tpu.memref_squeeze %dma_wait3A_883 : memref<1x128xi32, #tpu.memory_space<vmem>> -> memref<128xi32, #tpu.memory_space<vmem>>
      %dma_wait3A_885 = arith.constant 0 : i32
      %dma_wait3A_886 = tpu.memref_slice %arg5[%dma_wait3A_885] : memref<2600000xf32, #tpu.memory_space<hbm>> -> memref<2600000xf32, #tpu.memory_space<hbm>>
      tpu.wait_indirect_dma semaphore(%arg16 : memref<!tpu.dma_semaphore, #tpu.memory_space<semaphore_mem>>) src(%dma_wait3A_886 : memref<2600000xf32, #tpu.memory_space<hbm>>) dst(%dma_wait3A_881 : memref<128xf32, #tpu.memory_space<vmem>>)
      %dma_wait3A_887 = arith.constant 1920 : i32
      %dma_wait3A_888 = tpu.memref_slice %arg12[%dma_wait3A_887] : memref<3328xf32, #tpu.memory_space<vmem>> -> memref<128xf32, #tpu.memory_space<vmem>>
      %dma_wait3A_889 = arith.constant 0 : i32
      %dma_wait3A_890 = tpu.memref_slice %arg9[%add3A_451, %dma_wait3A_889] : memref<104x128xi32, #tpu.memory_space<vmem>> -> memref<1x128xi32, #tpu.memory_space<vmem>>
      %dma_wait3A_891 = tpu.memref_squeeze %dma_wait3A_890 : memref<1x128xi32, #tpu.memory_space<vmem>> -> memref<128xi32, #tpu.memory_space<vmem>>
      %dma_wait3A_892 = arith.constant 0 : i32
      %dma_wait3A_893 = tpu.memref_slice %arg5[%dma_wait3A_892] : memref<2600000xf32, #tpu.memory_space<hbm>> -> memref<2600000xf32, #tpu.memory_space<hbm>>
      tpu.wait_indirect_dma semaphore(%arg16 : memref<!tpu.dma_semaphore, #tpu.memory_space<semaphore_mem>>) src(%dma_wait3A_893 : memref<2600000xf32, #tpu.memory_space<hbm>>) dst(%dma_wait3A_888 : memref<128xf32, #tpu.memory_space<vmem>>)
      %dma_wait3A_894 = arith.constant 2048 : i32
      %dma_wait3A_895 = tpu.memref_slice %arg12[%dma_wait3A_894] : memref<3328xf32, #tpu.memory_space<vmem>> -> memref<128xf32, #tpu.memory_space<vmem>>
      %dma_wait3A_896 = arith.constant 0 : i32
      %dma_wait3A_897 = tpu.memref_slice %arg9[%add3A_460, %dma_wait3A_896] : memref<104x128xi32, #tpu.memory_space<vmem>> -> memref<1x128xi32, #tpu.memory_space<vmem>>
      %dma_wait3A_898 = tpu.memref_squeeze %dma_wait3A_897 : memref<1x128xi32, #tpu.memory_space<vmem>> -> memref<128xi32, #tpu.memory_space<vmem>>
      %dma_wait3A_899 = arith.constant 0 : i32
      %dma_wait3A_900 = tpu.memref_slice %arg5[%dma_wait3A_899] : memref<2600000xf32, #tpu.memory_space<hbm>> -> memref<2600000xf32, #tpu.memory_space<hbm>>
      tpu.wait_indirect_dma semaphore(%arg16 : memref<!tpu.dma_semaphore, #tpu.memory_space<semaphore_mem>>) src(%dma_wait3A_900 : memref<2600000xf32, #tpu.memory_space<hbm>>) dst(%dma_wait3A_895 : memref<128xf32, #tpu.memory_space<vmem>>)
      %dma_wait3A_901 = arith.constant 2176 : i32
      %dma_wait3A_902 = tpu.memref_slice %arg12[%dma_wait3A_901] : memref<3328xf32, #tpu.memory_space<vmem>> -> memref<128xf32, #tpu.memory_space<vmem>>
      %dma_wait3A_903 = arith.constant 0 : i32
      %dma_wait3A_904 = tpu.memref_slice %arg9[%add3A_469, %dma_wait3A_903] : memref<104x128xi32, #tpu.memory_space<vmem>> -> memref<1x128xi32, #tpu.memory_space<vmem>>
      %dma_wait3A_905 = tpu.memref_squeeze %dma_wait3A_904 : memref<1x128xi32, #tpu.memory_space<vmem>> -> memref<128xi32, #tpu.memory_space<vmem>>
      %dma_wait3A_906 = arith.constant 0 : i32
      %dma_wait3A_907 = tpu.memref_slice %arg5[%dma_wait3A_906] : memref<2600000xf32, #tpu.memory_space<hbm>> -> memref<2600000xf32, #tpu.memory_space<hbm>>
      tpu.wait_indirect_dma semaphore(%arg16 : memref<!tpu.dma_semaphore, #tpu.memory_space<semaphore_mem>>) src(%dma_wait3A_907 : memref<2600000xf32, #tpu.memory_space<hbm>>) dst(%dma_wait3A_902 : memref<128xf32, #tpu.memory_space<vmem>>)
      %dma_wait3A_908 = arith.constant 2304 : i32
      %dma_wait3A_909 = tpu.memref_slice %arg12[%dma_wait3A_908] : memref<3328xf32, #tpu.memory_space<vmem>> -> memref<128xf32, #tpu.memory_space<vmem>>
      %dma_wait3A_910 = arith.constant 0 : i32
      %dma_wait3A_911 = tpu.memref_slice %arg9[%add3A_478, %dma_wait3A_910] : memref<104x128xi32, #tpu.memory_space<vmem>> -> memref<1x128xi32, #tpu.memory_space<vmem>>
      %dma_wait3A_912 = tpu.memref_squeeze %dma_wait3A_911 : memref<1x128xi32, #tpu.memory_space<vmem>> -> memref<128xi32, #tpu.memory_space<vmem>>
      %dma_wait3A_913 = arith.constant 0 : i32
      %dma_wait3A_914 = tpu.memref_slice %arg5[%dma_wait3A_913] : memref<2600000xf32, #tpu.memory_space<hbm>> -> memref<2600000xf32, #tpu.memory_space<hbm>>
      tpu.wait_indirect_dma semaphore(%arg16 : memref<!tpu.dma_semaphore, #tpu.memory_space<semaphore_mem>>) src(%dma_wait3A_914 : memref<2600000xf32, #tpu.memory_space<hbm>>) dst(%dma_wait3A_909 : memref<128xf32, #tpu.memory_space<vmem>>)
      %dma_wait3A_915 = arith.constant 2432 : i32
      %dma_wait3A_916 = tpu.memref_slice %arg12[%dma_wait3A_915] : memref<3328xf32, #tpu.memory_space<vmem>> -> memref<128xf32, #tpu.memory_space<vmem>>
      %dma_wait3A_917 = arith.constant 0 : i32
      %dma_wait3A_918 = tpu.memref_slice %arg9[%add3A_487, %dma_wait3A_917] : memref<104x128xi32, #tpu.memory_space<vmem>> -> memref<1x128xi32, #tpu.memory_space<vmem>>
      %dma_wait3A_919 = tpu.memref_squeeze %dma_wait3A_918 : memref<1x128xi32, #tpu.memory_space<vmem>> -> memref<128xi32, #tpu.memory_space<vmem>>
      %dma_wait3A_920 = arith.constant 0 : i32
      %dma_wait3A_921 = tpu.memref_slice %arg5[%dma_wait3A_920] : memref<2600000xf32, #tpu.memory_space<hbm>> -> memref<2600000xf32, #tpu.memory_space<hbm>>
      tpu.wait_indirect_dma semaphore(%arg16 : memref<!tpu.dma_semaphore, #tpu.memory_space<semaphore_mem>>) src(%dma_wait3A_921 : memref<2600000xf32, #tpu.memory_space<hbm>>) dst(%dma_wait3A_916 : memref<128xf32, #tpu.memory_space<vmem>>)
      %dma_wait3A_922 = arith.constant 2560 : i32
      %dma_wait3A_923 = tpu.memref_slice %arg12[%dma_wait3A_922] : memref<3328xf32, #tpu.memory_space<vmem>> -> memref<128xf32, #tpu.memory_space<vmem>>
      %dma_wait3A_924 = arith.constant 0 : i32
      %dma_wait3A_925 = tpu.memref_slice %arg9[%add3A_496, %dma_wait3A_924] : memref<104x128xi32, #tpu.memory_space<vmem>> -> memref<1x128xi32, #tpu.memory_space<vmem>>
      %dma_wait3A_926 = tpu.memref_squeeze %dma_wait3A_925 : memref<1x128xi32, #tpu.memory_space<vmem>> -> memref<128xi32, #tpu.memory_space<vmem>>
      %dma_wait3A_927 = arith.constant 0 : i32
      %dma_wait3A_928 = tpu.memref_slice %arg5[%dma_wait3A_927] : memref<2600000xf32, #tpu.memory_space<hbm>> -> memref<2600000xf32, #tpu.memory_space<hbm>>
      tpu.wait_indirect_dma semaphore(%arg16 : memref<!tpu.dma_semaphore, #tpu.memory_space<semaphore_mem>>) src(%dma_wait3A_928 : memref<2600000xf32, #tpu.memory_space<hbm>>) dst(%dma_wait3A_923 : memref<128xf32, #tpu.memory_space<vmem>>)
      %dma_wait3A_929 = arith.constant 2688 : i32
      %dma_wait3A_930 = tpu.memref_slice %arg12[%dma_wait3A_929] : memref<3328xf32, #tpu.memory_space<vmem>> -> memref<128xf32, #tpu.memory_space<vmem>>
      %dma_wait3A_931 = arith.constant 0 : i32
      %dma_wait3A_932 = tpu.memref_slice %arg9[%add3A_505, %dma_wait3A_931] : memref<104x128xi32, #tpu.memory_space<vmem>> -> memref<1x128xi32, #tpu.memory_space<vmem>>
      %dma_wait3A_933 = tpu.memref_squeeze %dma_wait3A_932 : memref<1x128xi32, #tpu.memory_space<vmem>> -> memref<128xi32, #tpu.memory_space<vmem>>
      %dma_wait3A_934 = arith.constant 0 : i32
      %dma_wait3A_935 = tpu.memref_slice %arg5[%dma_wait3A_934] : memref<2600000xf32, #tpu.memory_space<hbm>> -> memref<2600000xf32, #tpu.memory_space<hbm>>
      tpu.wait_indirect_dma semaphore(%arg16 : memref<!tpu.dma_semaphore, #tpu.memory_space<semaphore_mem>>) src(%dma_wait3A_935 : memref<2600000xf32, #tpu.memory_space<hbm>>) dst(%dma_wait3A_930 : memref<128xf32, #tpu.memory_space<vmem>>)
      %dma_wait3A_936 = arith.constant 2816 : i32
      %dma_wait3A_937 = tpu.memref_slice %arg12[%dma_wait3A_936] : memref<3328xf32, #tpu.memory_space<vmem>> -> memref<128xf32, #tpu.memory_space<vmem>>
      %dma_wait3A_938 = arith.constant 0 : i32
      %dma_wait3A_939 = tpu.memref_slice %arg9[%add3A_514, %dma_wait3A_938] : memref<104x128xi32, #tpu.memory_space<vmem>> -> memref<1x128xi32, #tpu.memory_space<vmem>>
      %dma_wait3A_940 = tpu.memref_squeeze %dma_wait3A_939 : memref<1x128xi32, #tpu.memory_space<vmem>> -> memref<128xi32, #tpu.memory_space<vmem>>
      %dma_wait3A_941 = arith.constant 0 : i32
      %dma_wait3A_942 = tpu.memref_slice %arg5[%dma_wait3A_941] : memref<2600000xf32, #tpu.memory_space<hbm>> -> memref<2600000xf32, #tpu.memory_space<hbm>>
      tpu.wait_indirect_dma semaphore(%arg16 : memref<!tpu.dma_semaphore, #tpu.memory_space<semaphore_mem>>) src(%dma_wait3A_942 : memref<2600000xf32, #tpu.memory_space<hbm>>) dst(%dma_wait3A_937 : memref<128xf32, #tpu.memory_space<vmem>>)
      %dma_wait3A_943 = arith.constant 2944 : i32
      %dma_wait3A_944 = tpu.memref_slice %arg12[%dma_wait3A_943] : memref<3328xf32, #tpu.memory_space<vmem>> -> memref<128xf32, #tpu.memory_space<vmem>>
      %dma_wait3A_945 = arith.constant 0 : i32
      %dma_wait3A_946 = tpu.memref_slice %arg9[%add3A_523, %dma_wait3A_945] : memref<104x128xi32, #tpu.memory_space<vmem>> -> memref<1x128xi32, #tpu.memory_space<vmem>>
      %dma_wait3A_947 = tpu.memref_squeeze %dma_wait3A_946 : memref<1x128xi32, #tpu.memory_space<vmem>> -> memref<128xi32, #tpu.memory_space<vmem>>
      %dma_wait3A_948 = arith.constant 0 : i32
      %dma_wait3A_949 = tpu.memref_slice %arg5[%dma_wait3A_948] : memref<2600000xf32, #tpu.memory_space<hbm>> -> memref<2600000xf32, #tpu.memory_space<hbm>>
      tpu.wait_indirect_dma semaphore(%arg16 : memref<!tpu.dma_semaphore, #tpu.memory_space<semaphore_mem>>) src(%dma_wait3A_949 : memref<2600000xf32, #tpu.memory_space<hbm>>) dst(%dma_wait3A_944 : memref<128xf32, #tpu.memory_space<vmem>>)
      %dma_wait3A_950 = arith.constant 3072 : i32
      %dma_wait3A_951 = tpu.memref_slice %arg12[%dma_wait3A_950] : memref<3328xf32, #tpu.memory_space<vmem>> -> memref<128xf32, #tpu.memory_space<vmem>>
      %dma_wait3A_952 = arith.constant 0 : i32
      %dma_wait3A_953 = tpu.memref_slice %arg9[%add3A_532, %dma_wait3A_952] : memref<104x128xi32, #tpu.memory_space<vmem>> -> memref<1x128xi32, #tpu.memory_space<vmem>>
      %dma_wait3A_954 = tpu.memref_squeeze %dma_wait3A_953 : memref<1x128xi32, #tpu.memory_space<vmem>> -> memref<128xi32, #tpu.memory_space<vmem>>
      %dma_wait3A_955 = arith.constant 0 : i32
      %dma_wait3A_956 = tpu.memref_slice %arg5[%dma_wait3A_955] : memref<2600000xf32, #tpu.memory_space<hbm>> -> memref<2600000xf32, #tpu.memory_space<hbm>>
      tpu.wait_indirect_dma semaphore(%arg16 : memref<!tpu.dma_semaphore, #tpu.memory_space<semaphore_mem>>) src(%dma_wait3A_956 : memref<2600000xf32, #tpu.memory_space<hbm>>) dst(%dma_wait3A_951 : memref<128xf32, #tpu.memory_space<vmem>>)
      %dma_wait3A_957 = arith.constant 3200 : i32
      %dma_wait3A_958 = tpu.memref_slice %arg12[%dma_wait3A_957] : memref<3328xf32, #tpu.memory_space<vmem>> -> memref<128xf32, #tpu.memory_space<vmem>>
      %dma_wait3A_959 = arith.constant 0 : i32
      %dma_wait3A_960 = tpu.memref_slice %arg9[%add3A_541, %dma_wait3A_959] : memref<104x128xi32, #tpu.memory_space<vmem>> -> memref<1x128xi32, #tpu.memory_space<vmem>>
      %dma_wait3A_961 = tpu.memref_squeeze %dma_wait3A_960 : memref<1x128xi32, #tpu.memory_space<vmem>> -> memref<128xi32, #tpu.memory_space<vmem>>
      %dma_wait3A_962 = arith.constant 0 : i32
      %dma_wait3A_963 = tpu.memref_slice %arg5[%dma_wait3A_962] : memref<2600000xf32, #tpu.memory_space<hbm>> -> memref<2600000xf32, #tpu.memory_space<hbm>>
      tpu.wait_indirect_dma semaphore(%arg16 : memref<!tpu.dma_semaphore, #tpu.memory_space<semaphore_mem>>) src(%dma_wait3A_963 : memref<2600000xf32, #tpu.memory_space<hbm>>) dst(%dma_wait3A_958 : memref<128xf32, #tpu.memory_space<vmem>>)
      %scan3A_964 = arith.constant 0 : i32
      %scan3A_965 = arith.constant 128 : i32
      %scan3A_966 = arith.addi %scan3A_964, %scan3A_965 : i32
      %scan3A_967 = arith.constant 1 : i32
      scf.for %scan3A_974 = %scan3A_964 to %scan3A_966 step %scan3A_967  : i32 {
        %mul3A_975 = arith.constant 1 : i32
        %mul3A_976 = arith.muli %scan3A_974, %mul3A_975 : i32
        %add3A_977 = arith.constant 0 : i32
        %add3A_978 = arith.addi %add3A_977, %mul3A_976 : i32
        %broadcast_in_dim3A_979 = arith.constant 0.000000e+00 : f32
        %broadcast_in_dim3A_980 = vector.broadcast %broadcast_in_dim3A_979 : f32 to vector<16xf32>
        %broadcast_in_dim3A_981 = arith.constant 0.000000e+00 : f32
        %broadcast_in_dim3A_982 = vector.broadcast %broadcast_in_dim3A_981 : f32 to vector<16xf32>
        %add3A_983 = arith.constant 0 : i32
        %add3A_984 = arith.addi %add3A_983, %add3A_978 : i32
        %get3A_985 = arith.index_cast %add3A_984 : i32 to index
        %get3A_986 = arith.constant 0 : index
        %get3A_987 = tpu.vector_load %arg11[%get3A_985, %get3A_986] {strides = array<i32>} : memref<3328x16xf32, #tpu.memory_space<vmem>>, vector<16xf32>,
        %add3A_988 = arith.addf %broadcast_in_dim3A_980, %get3A_987 : vector<16xf32>
        %mul3A_989 = arith.mulf %get3A_987, %get3A_987 : vector<16xf32>
        %add3A_990 = arith.addf %broadcast_in_dim3A_982, %mul3A_989 : vector<16xf32>
        %add3A_991 = arith.constant 128 : i32
        %add3A_992 = arith.addi %add3A_991, %add3A_978 : i32
        %get3A_993 = arith.index_cast %add3A_992 : i32 to index
        %get3A_994 = arith.constant 0 : index
        %get3A_995 = tpu.vector_load %arg11[%get3A_993, %get3A_994] {strides = array<i32>} : memref<3328x16xf32, #tpu.memory_space<vmem>>, vector<16xf32>,
        %add3A_996 = arith.addf %add3A_988, %get3A_995 : vector<16xf32>
        %mul3A_997 = arith.mulf %get3A_995, %get3A_995 : vector<16xf32>
        %add3A_998 = arith.addf %add3A_990, %mul3A_997 : vector<16xf32>
        %add3A_999 = arith.constant 256 : i32
        %add3A_1000 = arith.addi %add3A_999, %add3A_978 : i32
        %get3A_1001 = arith.index_cast %add3A_1000 : i32 to index
        %get3A_1002 = arith.constant 0 : index
        %get3A_1003 = tpu.vector_load %arg11[%get3A_1001, %get3A_1002] {strides = array<i32>} : memref<3328x16xf32, #tpu.memory_space<vmem>>, vector<16xf32>,
        %add3A_1004 = arith.addf %add3A_996, %get3A_1003 : vector<16xf32>
        %mul3A_1005 = arith.mulf %get3A_1003, %get3A_1003 : vector<16xf32>
        %add3A_1006 = arith.addf %add3A_998, %mul3A_1005 : vector<16xf32>
        %add3A_1007 = arith.constant 384 : i32
        %add3A_1008 = arith.addi %add3A_1007, %add3A_978 : i32
        %get3A_1009 = arith.index_cast %add3A_1008 : i32 to index
        %get3A_1010 = arith.constant 0 : index
        %get3A_1011 = tpu.vector_load %arg11[%get3A_1009, %get3A_1010] {strides = array<i32>} : memref<3328x16xf32, #tpu.memory_space<vmem>>, vector<16xf32>,
        %add3A_1012 = arith.addf %add3A_1004, %get3A_1011 : vector<16xf32>
        %mul3A_1013 = arith.mulf %get3A_1011, %get3A_1011 : vector<16xf32>
        %add3A_1014 = arith.addf %add3A_1006, %mul3A_1013 : vector<16xf32>
        %add3A_1015 = arith.constant 512 : i32
        %add3A_1016 = arith.addi %add3A_1015, %add3A_978 : i32
        %get3A_1017 = arith.index_cast %add3A_1016 : i32 to index
        %get3A_1018 = arith.constant 0 : index
        %get3A_1019 = tpu.vector_load %arg11[%get3A_1017, %get3A_1018] {strides = array<i32>} : memref<3328x16xf32, #tpu.memory_space<vmem>>, vector<16xf32>,
        %add3A_1020 = arith.addf %add3A_1012, %get3A_1019 : vector<16xf32>
        %mul3A_1021 = arith.mulf %get3A_1019, %get3A_1019 : vector<16xf32>
        %add3A_1022 = arith.addf %add3A_1014, %mul3A_1021 : vector<16xf32>
        %add3A_1023 = arith.constant 640 : i32
        %add3A_1024 = arith.addi %add3A_1023, %add3A_978 : i32
        %get3A_1025 = arith.index_cast %add3A_1024 : i32 to index
        %get3A_1026 = arith.constant 0 : index
        %get3A_1027 = tpu.vector_load %arg11[%get3A_1025, %get3A_1026] {strides = array<i32>} : memref<3328x16xf32, #tpu.memory_space<vmem>>, vector<16xf32>,
        %add3A_1028 = arith.addf %add3A_1020, %get3A_1027 : vector<16xf32>
        %mul3A_1029 = arith.mulf %get3A_1027, %get3A_1027 : vector<16xf32>
        %add3A_1030 = arith.addf %add3A_1022, %mul3A_1029 : vector<16xf32>
        %add3A_1031 = arith.constant 768 : i32
        %add3A_1032 = arith.addi %add3A_1031, %add3A_978 : i32
        %get3A_1033 = arith.index_cast %add3A_1032 : i32 to index
        %get3A_1034 = arith.constant 0 : index
        %get3A_1035 = tpu.vector_load %arg11[%get3A_1033, %get3A_1034] {strides = array<i32>} : memref<3328x16xf32, #tpu.memory_space<vmem>>, vector<16xf32>,
        %add3A_1036 = arith.addf %add3A_1028, %get3A_1035 : vector<16xf32>
        %mul3A_1037 = arith.mulf %get3A_1035, %get3A_1035 : vector<16xf32>
        %add3A_1038 = arith.addf %add3A_1030, %mul3A_1037 : vector<16xf32>
        %add3A_1039 = arith.constant 896 : i32
        %add3A_1040 = arith.addi %add3A_1039, %add3A_978 : i32
        %get3A_1041 = arith.index_cast %add3A_1040 : i32 to index
        %get3A_1042 = arith.constant 0 : index
        %get3A_1043 = tpu.vector_load %arg11[%get3A_1041, %get3A_1042] {strides = array<i32>} : memref<3328x16xf32, #tpu.memory_space<vmem>>, vector<16xf32>,
        %add3A_1044 = arith.addf %add3A_1036, %get3A_1043 : vector<16xf32>
        %mul3A_1045 = arith.mulf %get3A_1043, %get3A_1043 : vector<16xf32>
        %add3A_1046 = arith.addf %add3A_1038, %mul3A_1045 : vector<16xf32>
        %add3A_1047 = arith.constant 1024 : i32
        %add3A_1048 = arith.addi %add3A_1047, %add3A_978 : i32
        %get3A_1049 = arith.index_cast %add3A_1048 : i32 to index
        %get3A_1050 = arith.constant 0 : index
        %get3A_1051 = tpu.vector_load %arg11[%get3A_1049, %get3A_1050] {strides = array<i32>} : memref<3328x16xf32, #tpu.memory_space<vmem>>, vector<16xf32>,
        %add3A_1052 = arith.addf %add3A_1044, %get3A_1051 : vector<16xf32>
        %mul3A_1053 = arith.mulf %get3A_1051, %get3A_1051 : vector<16xf32>
        %add3A_1054 = arith.addf %add3A_1046, %mul3A_1053 : vector<16xf32>
        %add3A_1055 = arith.constant 1152 : i32
        %add3A_1056 = arith.addi %add3A_1055, %add3A_978 : i32
        %get3A_1057 = arith.index_cast %add3A_1056 : i32 to index
        %get3A_1058 = arith.constant 0 : index
        %get3A_1059 = tpu.vector_load %arg11[%get3A_1057, %get3A_1058] {strides = array<i32>} : memref<3328x16xf32, #tpu.memory_space<vmem>>, vector<16xf32>,
        %add3A_1060 = arith.addf %add3A_1052, %get3A_1059 : vector<16xf32>
        %mul3A_1061 = arith.mulf %get3A_1059, %get3A_1059 : vector<16xf32>
        %add3A_1062 = arith.addf %add3A_1054, %mul3A_1061 : vector<16xf32>
        %add3A_1063 = arith.constant 1280 : i32
        %add3A_1064 = arith.addi %add3A_1063, %add3A_978 : i32
        %get3A_1065 = arith.index_cast %add3A_1064 : i32 to index
        %get3A_1066 = arith.constant 0 : index
        %get3A_1067 = tpu.vector_load %arg11[%get3A_1065, %get3A_1066] {strides = array<i32>} : memref<3328x16xf32, #tpu.memory_space<vmem>>, vector<16xf32>,
        %add3A_1068 = arith.addf %add3A_1060, %get3A_1067 : vector<16xf32>
        %mul3A_1069 = arith.mulf %get3A_1067, %get3A_1067 : vector<16xf32>
        %add3A_1070 = arith.addf %add3A_1062, %mul3A_1069 : vector<16xf32>
        %add3A_1071 = arith.constant 1408 : i32
        %add3A_1072 = arith.addi %add3A_1071, %add3A_978 : i32
        %get3A_1073 = arith.index_cast %add3A_1072 : i32 to index
        %get3A_1074 = arith.constant 0 : index
        %get3A_1075 = tpu.vector_load %arg11[%get3A_1073, %get3A_1074] {strides = array<i32>} : memref<3328x16xf32, #tpu.memory_space<vmem>>, vector<16xf32>,
        %add3A_1076 = arith.addf %add3A_1068, %get3A_1075 : vector<16xf32>
        %mul3A_1077 = arith.mulf %get3A_1075, %get3A_1075 : vector<16xf32>
        %add3A_1078 = arith.addf %add3A_1070, %mul3A_1077 : vector<16xf32>
        %add3A_1079 = arith.constant 1536 : i32
        %add3A_1080 = arith.addi %add3A_1079, %add3A_978 : i32
        %get3A_1081 = arith.index_cast %add3A_1080 : i32 to index
        %get3A_1082 = arith.constant 0 : index
        %get3A_1083 = tpu.vector_load %arg11[%get3A_1081, %get3A_1082] {strides = array<i32>} : memref<3328x16xf32, #tpu.memory_space<vmem>>, vector<16xf32>,
        %add3A_1084 = arith.addf %add3A_1076, %get3A_1083 : vector<16xf32>
        %mul3A_1085 = arith.mulf %get3A_1083, %get3A_1083 : vector<16xf32>
        %add3A_1086 = arith.addf %add3A_1078, %mul3A_1085 : vector<16xf32>
        %add3A_1087 = arith.constant 1664 : i32
        %add3A_1088 = arith.addi %add3A_1087, %add3A_978 : i32
        %get3A_1089 = arith.index_cast %add3A_1088 : i32 to index
        %get3A_1090 = arith.constant 0 : index
        %get3A_1091 = tpu.vector_load %arg11[%get3A_1089, %get3A_1090] {strides = array<i32>} : memref<3328x16xf32, #tpu.memory_space<vmem>>, vector<16xf32>,
        %add3A_1092 = arith.addf %add3A_1084, %get3A_1091 : vector<16xf32>
        %mul3A_1093 = arith.mulf %get3A_1091, %get3A_1091 : vector<16xf32>
        %add3A_1094 = arith.addf %add3A_1086, %mul3A_1093 : vector<16xf32>
        %add3A_1095 = arith.constant 1792 : i32
        %add3A_1096 = arith.addi %add3A_1095, %add3A_978 : i32
        %get3A_1097 = arith.index_cast %add3A_1096 : i32 to index
        %get3A_1098 = arith.constant 0 : index
        %get3A_1099 = tpu.vector_load %arg11[%get3A_1097, %get3A_1098] {strides = array<i32>} : memref<3328x16xf32, #tpu.memory_space<vmem>>, vector<16xf32>,
        %add3A_1100 = arith.addf %add3A_1092, %get3A_1099 : vector<16xf32>
        %mul3A_1101 = arith.mulf %get3A_1099, %get3A_1099 : vector<16xf32>
        %add3A_1102 = arith.addf %add3A_1094, %mul3A_1101 : vector<16xf32>
        %add3A_1103 = arith.constant 1920 : i32
        %add3A_1104 = arith.addi %add3A_1103, %add3A_978 : i32
        %get3A_1105 = arith.index_cast %add3A_1104 : i32 to index
        %get3A_1106 = arith.constant 0 : index
        %get3A_1107 = tpu.vector_load %arg11[%get3A_1105, %get3A_1106] {strides = array<i32>} : memref<3328x16xf32, #tpu.memory_space<vmem>>, vector<16xf32>,
        %add3A_1108 = arith.addf %add3A_1100, %get3A_1107 : vector<16xf32>
        %mul3A_1109 = arith.mulf %get3A_1107, %get3A_1107 : vector<16xf32>
        %add3A_1110 = arith.addf %add3A_1102, %mul3A_1109 : vector<16xf32>
        %add3A_1111 = arith.constant 2048 : i32
        %add3A_1112 = arith.addi %add3A_1111, %add3A_978 : i32
        %get3A_1113 = arith.index_cast %add3A_1112 : i32 to index
        %get3A_1114 = arith.constant 0 : index
        %get3A_1115 = tpu.vector_load %arg11[%get3A_1113, %get3A_1114] {strides = array<i32>} : memref<3328x16xf32, #tpu.memory_space<vmem>>, vector<16xf32>,
        %add3A_1116 = arith.addf %add3A_1108, %get3A_1115 : vector<16xf32>
        %mul3A_1117 = arith.mulf %get3A_1115, %get3A_1115 : vector<16xf32>
        %add3A_1118 = arith.addf %add3A_1110, %mul3A_1117 : vector<16xf32>
        %add3A_1119 = arith.constant 2176 : i32
        %add3A_1120 = arith.addi %add3A_1119, %add3A_978 : i32
        %get3A_1121 = arith.index_cast %add3A_1120 : i32 to index
        %get3A_1122 = arith.constant 0 : index
        %get3A_1123 = tpu.vector_load %arg11[%get3A_1121, %get3A_1122] {strides = array<i32>} : memref<3328x16xf32, #tpu.memory_space<vmem>>, vector<16xf32>,
        %add3A_1124 = arith.addf %add3A_1116, %get3A_1123 : vector<16xf32>
        %mul3A_1125 = arith.mulf %get3A_1123, %get3A_1123 : vector<16xf32>
        %add3A_1126 = arith.addf %add3A_1118, %mul3A_1125 : vector<16xf32>
        %add3A_1127 = arith.constant 2304 : i32
        %add3A_1128 = arith.addi %add3A_1127, %add3A_978 : i32
        %get3A_1129 = arith.index_cast %add3A_1128 : i32 to index
        %get3A_1130 = arith.constant 0 : index
        %get3A_1131 = tpu.vector_load %arg11[%get3A_1129, %get3A_1130] {strides = array<i32>} : memref<3328x16xf32, #tpu.memory_space<vmem>>, vector<16xf32>,
        %add3A_1132 = arith.addf %add3A_1124, %get3A_1131 : vector<16xf32>
        %mul3A_1133 = arith.mulf %get3A_1131, %get3A_1131 : vector<16xf32>
        %add3A_1134 = arith.addf %add3A_1126, %mul3A_1133 : vector<16xf32>
        %add3A_1135 = arith.constant 2432 : i32
        %add3A_1136 = arith.addi %add3A_1135, %add3A_978 : i32
        %get3A_1137 = arith.index_cast %add3A_1136 : i32 to index
        %get3A_1138 = arith.constant 0 : index
        %get3A_1139 = tpu.vector_load %arg11[%get3A_1137, %get3A_1138] {strides = array<i32>} : memref<3328x16xf32, #tpu.memory_space<vmem>>, vector<16xf32>,
        %add3A_1140 = arith.addf %add3A_1132, %get3A_1139 : vector<16xf32>
        %mul3A_1141 = arith.mulf %get3A_1139, %get3A_1139 : vector<16xf32>
        %add3A_1142 = arith.addf %add3A_1134, %mul3A_1141 : vector<16xf32>
        %add3A_1143 = arith.constant 2560 : i32
        %add3A_1144 = arith.addi %add3A_1143, %add3A_978 : i32
        %get3A_1145 = arith.index_cast %add3A_1144 : i32 to index
        %get3A_1146 = arith.constant 0 : index
        %get3A_1147 = tpu.vector_load %arg11[%get3A_1145, %get3A_1146] {strides = array<i32>} : memref<3328x16xf32, #tpu.memory_space<vmem>>, vector<16xf32>,
        %add3A_1148 = arith.addf %add3A_1140, %get3A_1147 : vector<16xf32>
        %mul3A_1149 = arith.mulf %get3A_1147, %get3A_1147 : vector<16xf32>
        %add3A_1150 = arith.addf %add3A_1142, %mul3A_1149 : vector<16xf32>
        %add3A_1151 = arith.constant 2688 : i32
        %add3A_1152 = arith.addi %add3A_1151, %add3A_978 : i32
        %get3A_1153 = arith.index_cast %add3A_1152 : i32 to index
        %get3A_1154 = arith.constant 0 : index
        %get3A_1155 = tpu.vector_load %arg11[%get3A_1153, %get3A_1154] {strides = array<i32>} : memref<3328x16xf32, #tpu.memory_space<vmem>>, vector<16xf32>,
        %add3A_1156 = arith.addf %add3A_1148, %get3A_1155 : vector<16xf32>
        %mul3A_1157 = arith.mulf %get3A_1155, %get3A_1155 : vector<16xf32>
        %add3A_1158 = arith.addf %add3A_1150, %mul3A_1157 : vector<16xf32>
        %add3A_1159 = arith.constant 2816 : i32
        %add3A_1160 = arith.addi %add3A_1159, %add3A_978 : i32
        %get3A_1161 = arith.index_cast %add3A_1160 : i32 to index
        %get3A_1162 = arith.constant 0 : index
        %get3A_1163 = tpu.vector_load %arg11[%get3A_1161, %get3A_1162] {strides = array<i32>} : memref<3328x16xf32, #tpu.memory_space<vmem>>, vector<16xf32>,
        %add3A_1164 = arith.addf %add3A_1156, %get3A_1163 : vector<16xf32>
        %mul3A_1165 = arith.mulf %get3A_1163, %get3A_1163 : vector<16xf32>
        %add3A_1166 = arith.addf %add3A_1158, %mul3A_1165 : vector<16xf32>
        %add3A_1167 = arith.constant 2944 : i32
        %add3A_1168 = arith.addi %add3A_1167, %add3A_978 : i32
        %get3A_1169 = arith.index_cast %add3A_1168 : i32 to index
        %get3A_1170 = arith.constant 0 : index
        %get3A_1171 = tpu.vector_load %arg11[%get3A_1169, %get3A_1170] {strides = array<i32>} : memref<3328x16xf32, #tpu.memory_space<vmem>>, vector<16xf32>,
        %add3A_1172 = arith.addf %add3A_1164, %get3A_1171 : vector<16xf32>
        %mul3A_1173 = arith.mulf %get3A_1171, %get3A_1171 : vector<16xf32>
        %add3A_1174 = arith.addf %add3A_1166, %mul3A_1173 : vector<16xf32>
        %add3A_1175 = arith.constant 3072 : i32
        %add3A_1176 = arith.addi %add3A_1175, %add3A_978 : i32
        %get3A_1177 = arith.index_cast %add3A_1176 : i32 to index
        %get3A_1178 = arith.constant 0 : index
        %get3A_1179 = tpu.vector_load %arg11[%get3A_1177, %get3A_1178] {strides = array<i32>} : memref<3328x16xf32, #tpu.memory_space<vmem>>, vector<16xf32>,
        %add3A_1180 = arith.addf %add3A_1172, %get3A_1179 : vector<16xf32>
        %mul3A_1181 = arith.mulf %get3A_1179, %get3A_1179 : vector<16xf32>
        %add3A_1182 = arith.addf %add3A_1174, %mul3A_1181 : vector<16xf32>
        %add3A_1183 = arith.constant 3200 : i32
        %add3A_1184 = arith.addi %add3A_1183, %add3A_978 : i32
        %get3A_1185 = arith.index_cast %add3A_1184 : i32 to index
        %get3A_1186 = arith.constant 0 : index
        %get3A_1187 = tpu.vector_load %arg11[%get3A_1185, %get3A_1186] {strides = array<i32>} : memref<3328x16xf32, #tpu.memory_space<vmem>>, vector<16xf32>,
        %add3A_1188 = arith.addf %add3A_1180, %get3A_1187 : vector<16xf32>
        %mul3A_1189 = arith.mulf %get3A_1187, %get3A_1187 : vector<16xf32>
        %add3A_1190 = arith.addf %add3A_1182, %mul3A_1189 : vector<16xf32>
        %mul3A_1191 = arith.mulf %add3A_1188, %add3A_1188 : vector<16xf32>
        %sub3A = arith.subf %mul3A_1191, %add3A_1190 : vector<16xf32>
        %mul3A_1192 = arith.constant 5.000000e-01 : f32
        %mul3A_1193 = vector.broadcast %mul3A_1192 : f32 to vector<16xf32>
        %mul3A_1194 = arith.mulf %mul3A_1193, %sub3A : vector<16xf32>
        %mul3A_1195 = arith.constant 128 : i32
        %mul3A_1196 = arith.muli %add3A_29, %mul3A_1195 : i32
        %add3A_1197 = arith.addi %mul3A_1196, %add3A_978 : i32
        %broadcast_in_dim3A_1198 = vector.broadcast %add3A_1197 : i32 to vector<16xi32>
        tpu.vector_store_idx %arg15[%broadcast_in_dim3A_1198], %mul3A_1194 {add = true} : memref<512xf32, #tpu.memory_space<vmem>>[vector<16xi32>], vector<16xf32>,
      }
      %scan3A_968 = arith.constant 128 : i32
      %scan3A_969 = arith.constant 0 : i32
      %scan3A_970 = arith.constant 8 : i32
      %scan3A_971 = arith.addi %scan3A_969, %scan3A_970 : i32
      %scan3A_972 = arith.constant 1 : i32
      scf.for %scan3A_974 = %scan3A_969 to %scan3A_971 step %scan3A_972  : i32 {
        %mul3A_975 = arith.constant 1 : i32
        %mul3A_976 = arith.muli %scan3A_974, %mul3A_975 : i32
        %add3A_977 = arith.constant 0 : i32
        %add3A_978 = arith.addi %add3A_977, %mul3A_976 : i32
        %broadcast_in_dim3A_979 = arith.constant 0.000000e+00 : f32
        %broadcast_in_dim3A_980 = vector.broadcast %broadcast_in_dim3A_979 : f32 to vector<16xf32>
        %mul3A_981 = arith.constant 16 : i32
        %mul3A_982 = arith.muli %add3A_978, %mul3A_981 : i32
        %add3A_983 = arith.constant 0 : i32
        %add3A_984 = arith.addi %add3A_983, %mul3A_982 : i32
        %get3A_985 = arith.index_cast %add3A_984 : i32 to index
        %get3A_986 = tpu.vector_load %arg12[%get3A_985] {strides = array<i32>} : memref<3328xf32, #tpu.memory_space<vmem>>, vector<16xf32>,
        %add3A_987 = arith.addf %broadcast_in_dim3A_980, %get3A_986 : vector<16xf32>
        %mul3A_988 = arith.constant 16 : i32
        %mul3A_989 = arith.muli %add3A_978, %mul3A_988 : i32
        %add3A_990 = arith.constant 128 : i32
        %add3A_991 = arith.addi %add3A_990, %mul3A_989 : i32
        %get3A_992 = arith.index_cast %add3A_991 : i32 to index
        %get3A_993 = tpu.vector_load %arg12[%get3A_992] {strides = array<i32>} : memref<3328xf32, #tpu.memory_space<vmem>>, vector<16xf32>,
        %add3A_994 = arith.addf %add3A_987, %get3A_993 : vector<16xf32>
        %mul3A_995 = arith.constant 16 : i32
        %mul3A_996 = arith.muli %add3A_978, %mul3A_995 : i32
        %add3A_997 = arith.constant 256 : i32
        %add3A_998 = arith.addi %add3A_997, %mul3A_996 : i32
        %get3A_999 = arith.index_cast %add3A_998 : i32 to index
        %get3A_1000 = tpu.vector_load %arg12[%get3A_999] {strides = array<i32>} : memref<3328xf32, #tpu.memory_space<vmem>>, vector<16xf32>,
        %add3A_1001 = arith.addf %add3A_994, %get3A_1000 : vector<16xf32>
        %mul3A_1002 = arith.constant 16 : i32
        %mul3A_1003 = arith.muli %add3A_978, %mul3A_1002 : i32
        %add3A_1004 = arith.constant 384 : i32
        %add3A_1005 = arith.addi %add3A_1004, %mul3A_1003 : i32
        %get3A_1006 = arith.index_cast %add3A_1005 : i32 to index
        %get3A_1007 = tpu.vector_load %arg12[%get3A_1006] {strides = array<i32>} : memref<3328xf32, #tpu.memory_space<vmem>>, vector<16xf32>,
        %add3A_1008 = arith.addf %add3A_1001, %get3A_1007 : vector<16xf32>
        %mul3A_1009 = arith.constant 16 : i32
        %mul3A_1010 = arith.muli %add3A_978, %mul3A_1009 : i32
        %add3A_1011 = arith.constant 512 : i32
        %add3A_1012 = arith.addi %add3A_1011, %mul3A_1010 : i32
        %get3A_1013 = arith.index_cast %add3A_1012 : i32 to index
        %get3A_1014 = tpu.vector_load %arg12[%get3A_1013] {strides = array<i32>} : memref<3328xf32, #tpu.memory_space<vmem>>, vector<16xf32>,
        %add3A_1015 = arith.addf %add3A_1008, %get3A_1014 : vector<16xf32>
        %mul3A_1016 = arith.constant 16 : i32
        %mul3A_1017 = arith.muli %add3A_978, %mul3A_1016 : i32
        %add3A_1018 = arith.constant 640 : i32
        %add3A_1019 = arith.addi %add3A_1018, %mul3A_1017 : i32
        %get3A_1020 = arith.index_cast %add3A_1019 : i32 to index
        %get3A_1021 = tpu.vector_load %arg12[%get3A_1020] {strides = array<i32>} : memref<3328xf32, #tpu.memory_space<vmem>>, vector<16xf32>,
        %add3A_1022 = arith.addf %add3A_1015, %get3A_1021 : vector<16xf32>
        %mul3A_1023 = arith.constant 16 : i32
        %mul3A_1024 = arith.muli %add3A_978, %mul3A_1023 : i32
        %add3A_1025 = arith.constant 768 : i32
        %add3A_1026 = arith.addi %add3A_1025, %mul3A_1024 : i32
        %get3A_1027 = arith.index_cast %add3A_1026 : i32 to index
        %get3A_1028 = tpu.vector_load %arg12[%get3A_1027] {strides = array<i32>} : memref<3328xf32, #tpu.memory_space<vmem>>, vector<16xf32>,
        %add3A_1029 = arith.addf %add3A_1022, %get3A_1028 : vector<16xf32>
        %mul3A_1030 = arith.constant 16 : i32
        %mul3A_1031 = arith.muli %add3A_978, %mul3A_1030 : i32
        %add3A_1032 = arith.constant 896 : i32
        %add3A_1033 = arith.addi %add3A_1032, %mul3A_1031 : i32
        %get3A_1034 = arith.index_cast %add3A_1033 : i32 to index
        %get3A_1035 = tpu.vector_load %arg12[%get3A_1034] {strides = array<i32>} : memref<3328xf32, #tpu.memory_space<vmem>>, vector<16xf32>,
        %add3A_1036 = arith.addf %add3A_1029, %get3A_1035 : vector<16xf32>
        %mul3A_1037 = arith.constant 16 : i32
        %mul3A_1038 = arith.muli %add3A_978, %mul3A_1037 : i32
        %add3A_1039 = arith.constant 1024 : i32
        %add3A_1040 = arith.addi %add3A_1039, %mul3A_1038 : i32
        %get3A_1041 = arith.index_cast %add3A_1040 : i32 to index
        %get3A_1042 = tpu.vector_load %arg12[%get3A_1041] {strides = array<i32>} : memref<3328xf32, #tpu.memory_space<vmem>>, vector<16xf32>,
        %add3A_1043 = arith.addf %add3A_1036, %get3A_1042 : vector<16xf32>
        %mul3A_1044 = arith.constant 16 : i32
        %mul3A_1045 = arith.muli %add3A_978, %mul3A_1044 : i32
        %add3A_1046 = arith.constant 1152 : i32
        %add3A_1047 = arith.addi %add3A_1046, %mul3A_1045 : i32
        %get3A_1048 = arith.index_cast %add3A_1047 : i32 to index
        %get3A_1049 = tpu.vector_load %arg12[%get3A_1048] {strides = array<i32>} : memref<3328xf32, #tpu.memory_space<vmem>>, vector<16xf32>,
        %add3A_1050 = arith.addf %add3A_1043, %get3A_1049 : vector<16xf32>
        %mul3A_1051 = arith.constant 16 : i32
        %mul3A_1052 = arith.muli %add3A_978, %mul3A_1051 : i32
        %add3A_1053 = arith.constant 1280 : i32
        %add3A_1054 = arith.addi %add3A_1053, %mul3A_1052 : i32
        %get3A_1055 = arith.index_cast %add3A_1054 : i32 to index
        %get3A_1056 = tpu.vector_load %arg12[%get3A_1055] {strides = array<i32>} : memref<3328xf32, #tpu.memory_space<vmem>>, vector<16xf32>,
        %add3A_1057 = arith.addf %add3A_1050, %get3A_1056 : vector<16xf32>
        %mul3A_1058 = arith.constant 16 : i32
        %mul3A_1059 = arith.muli %add3A_978, %mul3A_1058 : i32
        %add3A_1060 = arith.constant 1408 : i32
        %add3A_1061 = arith.addi %add3A_1060, %mul3A_1059 : i32
        %get3A_1062 = arith.index_cast %add3A_1061 : i32 to index
        %get3A_1063 = tpu.vector_load %arg12[%get3A_1062] {strides = array<i32>} : memref<3328xf32, #tpu.memory_space<vmem>>, vector<16xf32>,
        %add3A_1064 = arith.addf %add3A_1057, %get3A_1063 : vector<16xf32>
        %mul3A_1065 = arith.constant 16 : i32
        %mul3A_1066 = arith.muli %add3A_978, %mul3A_1065 : i32
        %add3A_1067 = arith.constant 1536 : i32
        %add3A_1068 = arith.addi %add3A_1067, %mul3A_1066 : i32
        %get3A_1069 = arith.index_cast %add3A_1068 : i32 to index
        %get3A_1070 = tpu.vector_load %arg12[%get3A_1069] {strides = array<i32>} : memref<3328xf32, #tpu.memory_space<vmem>>, vector<16xf32>,
        %add3A_1071 = arith.addf %add3A_1064, %get3A_1070 : vector<16xf32>
        %mul3A_1072 = arith.constant 16 : i32
        %mul3A_1073 = arith.muli %add3A_978, %mul3A_1072 : i32
        %add3A_1074 = arith.constant 1664 : i32
        %add3A_1075 = arith.addi %add3A_1074, %mul3A_1073 : i32
        %get3A_1076 = arith.index_cast %add3A_1075 : i32 to index
        %get3A_1077 = tpu.vector_load %arg12[%get3A_1076] {strides = array<i32>} : memref<3328xf32, #tpu.memory_space<vmem>>, vector<16xf32>,
        %add3A_1078 = arith.addf %add3A_1071, %get3A_1077 : vector<16xf32>
        %mul3A_1079 = arith.constant 16 : i32
        %mul3A_1080 = arith.muli %add3A_978, %mul3A_1079 : i32
        %add3A_1081 = arith.constant 1792 : i32
        %add3A_1082 = arith.addi %add3A_1081, %mul3A_1080 : i32
        %get3A_1083 = arith.index_cast %add3A_1082 : i32 to index
        %get3A_1084 = tpu.vector_load %arg12[%get3A_1083] {strides = array<i32>} : memref<3328xf32, #tpu.memory_space<vmem>>, vector<16xf32>,
        %add3A_1085 = arith.addf %add3A_1078, %get3A_1084 : vector<16xf32>
        %mul3A_1086 = arith.constant 16 : i32
        %mul3A_1087 = arith.muli %add3A_978, %mul3A_1086 : i32
        %add3A_1088 = arith.constant 1920 : i32
        %add3A_1089 = arith.addi %add3A_1088, %mul3A_1087 : i32
        %get3A_1090 = arith.index_cast %add3A_1089 : i32 to index
        %get3A_1091 = tpu.vector_load %arg12[%get3A_1090] {strides = array<i32>} : memref<3328xf32, #tpu.memory_space<vmem>>, vector<16xf32>,
        %add3A_1092 = arith.addf %add3A_1085, %get3A_1091 : vector<16xf32>
        %mul3A_1093 = arith.constant 16 : i32
        %mul3A_1094 = arith.muli %add3A_978, %mul3A_1093 : i32
        %add3A_1095 = arith.constant 2048 : i32
        %add3A_1096 = arith.addi %add3A_1095, %mul3A_1094 : i32
        %get3A_1097 = arith.index_cast %add3A_1096 : i32 to index
        %get3A_1098 = tpu.vector_load %arg12[%get3A_1097] {strides = array<i32>} : memref<3328xf32, #tpu.memory_space<vmem>>, vector<16xf32>,
        %add3A_1099 = arith.addf %add3A_1092, %get3A_1098 : vector<16xf32>
        %mul3A_1100 = arith.constant 16 : i32
        %mul3A_1101 = arith.muli %add3A_978, %mul3A_1100 : i32
        %add3A_1102 = arith.constant 2176 : i32
        %add3A_1103 = arith.addi %add3A_1102, %mul3A_1101 : i32
        %get3A_1104 = arith.index_cast %add3A_1103 : i32 to index
        %get3A_1105 = tpu.vector_load %arg12[%get3A_1104] {strides = array<i32>} : memref<3328xf32, #tpu.memory_space<vmem>>, vector<16xf32>,
        %add3A_1106 = arith.addf %add3A_1099, %get3A_1105 : vector<16xf32>
        %mul3A_1107 = arith.constant 16 : i32
        %mul3A_1108 = arith.muli %add3A_978, %mul3A_1107 : i32
        %add3A_1109 = arith.constant 2304 : i32
        %add3A_1110 = arith.addi %add3A_1109, %mul3A_1108 : i32
        %get3A_1111 = arith.index_cast %add3A_1110 : i32 to index
        %get3A_1112 = tpu.vector_load %arg12[%get3A_1111] {strides = array<i32>} : memref<3328xf32, #tpu.memory_space<vmem>>, vector<16xf32>,
        %add3A_1113 = arith.addf %add3A_1106, %get3A_1112 : vector<16xf32>
        %mul3A_1114 = arith.constant 16 : i32
        %mul3A_1115 = arith.muli %add3A_978, %mul3A_1114 : i32
        %add3A_1116 = arith.constant 2432 : i32
        %add3A_1117 = arith.addi %add3A_1116, %mul3A_1115 : i32
        %get3A_1118 = arith.index_cast %add3A_1117 : i32 to index
        %get3A_1119 = tpu.vector_load %arg12[%get3A_1118] {strides = array<i32>} : memref<3328xf32, #tpu.memory_space<vmem>>, vector<16xf32>,
        %add3A_1120 = arith.addf %add3A_1113, %get3A_1119 : vector<16xf32>
        %mul3A_1121 = arith.constant 16 : i32
        %mul3A_1122 = arith.muli %add3A_978, %mul3A_1121 : i32
        %add3A_1123 = arith.constant 2560 : i32
        %add3A_1124 = arith.addi %add3A_1123, %mul3A_1122 : i32
        %get3A_1125 = arith.index_cast %add3A_1124 : i32 to index
        %get3A_1126 = tpu.vector_load %arg12[%get3A_1125] {strides = array<i32>} : memref<3328xf32, #tpu.memory_space<vmem>>, vector<16xf32>,
        %add3A_1127 = arith.addf %add3A_1120, %get3A_1126 : vector<16xf32>
        %mul3A_1128 = arith.constant 16 : i32
        %mul3A_1129 = arith.muli %add3A_978, %mul3A_1128 : i32
        %add3A_1130 = arith.constant 2688 : i32
        %add3A_1131 = arith.addi %add3A_1130, %mul3A_1129 : i32
        %get3A_1132 = arith.index_cast %add3A_1131 : i32 to index
        %get3A_1133 = tpu.vector_load %arg12[%get3A_1132] {strides = array<i32>} : memref<3328xf32, #tpu.memory_space<vmem>>, vector<16xf32>,
        %add3A_1134 = arith.addf %add3A_1127, %get3A_1133 : vector<16xf32>
        %mul3A_1135 = arith.constant 16 : i32
        %mul3A_1136 = arith.muli %add3A_978, %mul3A_1135 : i32
        %add3A_1137 = arith.constant 2816 : i32
        %add3A_1138 = arith.addi %add3A_1137, %mul3A_1136 : i32
        %get3A_1139 = arith.index_cast %add3A_1138 : i32 to index
        %get3A_1140 = tpu.vector_load %arg12[%get3A_1139] {strides = array<i32>} : memref<3328xf32, #tpu.memory_space<vmem>>, vector<16xf32>,
        %add3A_1141 = arith.addf %add3A_1134, %get3A_1140 : vector<16xf32>
        %mul3A_1142 = arith.constant 16 : i32
        %mul3A_1143 = arith.muli %add3A_978, %mul3A_1142 : i32
        %add3A_1144 = arith.constant 2944 : i32
        %add3A_1145 = arith.addi %add3A_1144, %mul3A_1143 : i32
        %get3A_1146 = arith.index_cast %add3A_1145 : i32 to index
        %get3A_1147 = tpu.vector_load %arg12[%get3A_1146] {strides = array<i32>} : memref<3328xf32, #tpu.memory_space<vmem>>, vector<16xf32>,
        %add3A_1148 = arith.addf %add3A_1141, %get3A_1147 : vector<16xf32>
        %mul3A_1149 = arith.constant 16 : i32
        %mul3A_1150 = arith.muli %add3A_978, %mul3A_1149 : i32
        %add3A_1151 = arith.constant 3072 : i32
        %add3A_1152 = arith.addi %add3A_1151, %mul3A_1150 : i32
        %get3A_1153 = arith.index_cast %add3A_1152 : i32 to index
        %get3A_1154 = tpu.vector_load %arg12[%get3A_1153] {strides = array<i32>} : memref<3328xf32, #tpu.memory_space<vmem>>, vector<16xf32>,
        %add3A_1155 = arith.addf %add3A_1148, %get3A_1154 : vector<16xf32>
        %mul3A_1156 = arith.constant 16 : i32
        %mul3A_1157 = arith.muli %add3A_978, %mul3A_1156 : i32
        %add3A_1158 = arith.constant 3200 : i32
        %add3A_1159 = arith.addi %add3A_1158, %mul3A_1157 : i32
        %get3A_1160 = arith.index_cast %add3A_1159 : i32 to index
        %get3A_1161 = tpu.vector_load %arg12[%get3A_1160] {strides = array<i32>} : memref<3328xf32, #tpu.memory_space<vmem>>, vector<16xf32>,
        %add3A_1162 = arith.addf %add3A_1155, %get3A_1161 : vector<16xf32>
        %add3A_1163 = arith.constant 0 : i32
        %add3A_1164 = arith.addi %add3A_1163, %add3A_29 : i32
        %mul3A_1165 = arith.constant 128 : i32
        %mul3A_1166 = arith.muli %add3A_1164, %mul3A_1165 : i32
        %mul3A_1167 = arith.constant 16 : i32
        %mul3A_1168 = arith.muli %add3A_978, %mul3A_1167 : i32
        %add3A_1169 = arith.addi %mul3A_1166, %mul3A_1168 : i32
        %get3A_1170 = arith.index_cast %add3A_1169 : i32 to index
        %get3A_1171 = tpu.vector_load %arg10[%get3A_1170] {strides = array<i32>} : memref<13312xi32, #tpu.memory_space<vmem>>, vector<16xi32>,
        %gather3A = tpu.vector_load_idx %arg13[%get3A_1171] : memref<26000xf32, #tpu.memory_space<vmem>>[vector<16xi32>], vector<16xf32>,
        %add3A_1172 = arith.addf %add3A_1162, %gather3A : vector<16xf32>
        %add3A_1173 = arith.constant 4 : i32
        %add3A_1174 = arith.addi %add3A_1173, %add3A_29 : i32
        %mul3A_1175 = arith.constant 128 : i32
        %mul3A_1176 = arith.muli %add3A_1174, %mul3A_1175 : i32
        %mul3A_1177 = arith.constant 16 : i32
        %mul3A_1178 = arith.muli %add3A_978, %mul3A_1177 : i32
        %add3A_1179 = arith.addi %mul3A_1176, %mul3A_1178 : i32
        %get3A_1180 = arith.index_cast %add3A_1179 : i32 to index
        %get3A_1181 = tpu.vector_load %arg10[%get3A_1180] {strides = array<i32>} : memref<13312xi32, #tpu.memory_space<vmem>>, vector<16xi32>,
        %gather3A_1182 = tpu.vector_load_idx %arg13[%get3A_1181] : memref<26000xf32, #tpu.memory_space<vmem>>[vector<16xi32>], vector<16xf32>,
        %add3A_1183 = arith.addf %add3A_1172, %gather3A_1182 : vector<16xf32>
        %add3A_1184 = arith.constant 8 : i32
        %add3A_1185 = arith.addi %add3A_1184, %add3A_29 : i32
        %mul3A_1186 = arith.constant 128 : i32
        %mul3A_1187 = arith.muli %add3A_1185, %mul3A_1186 : i32
        %mul3A_1188 = arith.constant 16 : i32
        %mul3A_1189 = arith.muli %add3A_978, %mul3A_1188 : i32
        %add3A_1190 = arith.addi %mul3A_1187, %mul3A_1189 : i32
        %get3A_1191 = arith.index_cast %add3A_1190 : i32 to index
        %get3A_1192 = tpu.vector_load %arg10[%get3A_1191] {strides = array<i32>} : memref<13312xi32, #tpu.memory_space<vmem>>, vector<16xi32>,
        %gather3A_1193 = tpu.vector_load_idx %arg13[%get3A_1192] : memref<26000xf32, #tpu.memory_space<vmem>>[vector<16xi32>], vector<16xf32>,
        %add3A_1194 = arith.addf %add3A_1183, %gather3A_1193 : vector<16xf32>
        %add3A_1195 = arith.constant 12 : i32
        %add3A_1196 = arith.addi %add3A_1195, %add3A_29 : i32
        %mul3A_1197 = arith.constant 128 : i32
        %mul3A_1198 = arith.muli %add3A_1196, %mul3A_1197 : i32
        %mul3A_1199 = arith.constant 16 : i32
        %mul3A_1200 = arith.muli %add3A_978, %mul3A_1199 : i32
        %add3A_1201 = arith.addi %mul3A_1198, %mul3A_1200 : i32
        %get3A_1202 = arith.index_cast %add3A_1201 : i32 to index
        %get3A_1203 = tpu.vector_load %arg10[%get3A_1202] {strides = array<i32>} : memref<13312xi32, #tpu.memory_space<vmem>>, vector<16xi32>,
        %gather3A_1204 = tpu.vector_load_idx %arg13[%get3A_1203] : memref<26000xf32, #tpu.memory_space<vmem>>[vector<16xi32>], vector<16xf32>,
        %add3A_1205 = arith.addf %add3A_1194, %gather3A_1204 : vector<16xf32>
        %add3A_1206 = arith.constant 16 : i32
        %add3A_1207 = arith.addi %add3A_1206, %add3A_29 : i32
        %mul3A_1208 = arith.constant 128 : i32
        %mul3A_1209 = arith.muli %add3A_1207, %mul3A_1208 : i32
        %mul3A_1210 = arith.constant 16 : i32
        %mul3A_1211 = arith.muli %add3A_978, %mul3A_1210 : i32
        %add3A_1212 = arith.addi %mul3A_1209, %mul3A_1211 : i32
        %get3A_1213 = arith.index_cast %add3A_1212 : i32 to index
        %get3A_1214 = tpu.vector_load %arg10[%get3A_1213] {strides = array<i32>} : memref<13312xi32, #tpu.memory_space<vmem>>, vector<16xi32>,
        %gather3A_1215 = tpu.vector_load_idx %arg13[%get3A_1214] : memref<26000xf32, #tpu.memory_space<vmem>>[vector<16xi32>], vector<16xf32>,
        %add3A_1216 = arith.addf %add3A_1205, %gather3A_1215 : vector<16xf32>
        %add3A_1217 = arith.constant 20 : i32
        %add3A_1218 = arith.addi %add3A_1217, %add3A_29 : i32
        %mul3A_1219 = arith.constant 128 : i32
        %mul3A_1220 = arith.muli %add3A_1218, %mul3A_1219 : i32
        %mul3A_1221 = arith.constant 16 : i32
        %mul3A_1222 = arith.muli %add3A_978, %mul3A_1221 : i32
        %add3A_1223 = arith.addi %mul3A_1220, %mul3A_1222 : i32
        %get3A_1224 = arith.index_cast %add3A_1223 : i32 to index
        %get3A_1225 = tpu.vector_load %arg10[%get3A_1224] {strides = array<i32>} : memref<13312xi32, #tpu.memory_space<vmem>>, vector<16xi32>,
        %gather3A_1226 = tpu.vector_load_idx %arg13[%get3A_1225] : memref<26000xf32, #tpu.memory_space<vmem>>[vector<16xi32>], vector<16xf32>,
        %add3A_1227 = arith.addf %add3A_1216, %gather3A_1226 : vector<16xf32>
        %add3A_1228 = arith.constant 24 : i32
        %add3A_1229 = arith.addi %add3A_1228, %add3A_29 : i32
        %mul3A_1230 = arith.constant 128 : i32
        %mul3A_1231 = arith.muli %add3A_1229, %mul3A_1230 : i32
        %mul3A_1232 = arith.constant 16 : i32
        %mul3A_1233 = arith.muli %add3A_978, %mul3A_1232 : i32
        %add3A_1234 = arith.addi %mul3A_1231, %mul3A_1233 : i32
        %get3A_1235 = arith.index_cast %add3A_1234 : i32 to index
        %get3A_1236 = tpu.vector_load %arg10[%get3A_1235] {strides = array<i32>} : memref<13312xi32, #tpu.memory_space<vmem>>, vector<16xi32>,
        %gather3A_1237 = tpu.vector_load_idx %arg13[%get3A_1236] : memref<26000xf32, #tpu.memory_space<vmem>>[vector<16xi32>], vector<16xf32>,
        %add3A_1238 = arith.addf %add3A_1227, %gather3A_1237 : vector<16xf32>
        %add3A_1239 = arith.constant 28 : i32
        %add3A_1240 = arith.addi %add3A_1239, %add3A_29 : i32
        %mul3A_1241 = arith.constant 128 : i32
        %mul3A_1242 = arith.muli %add3A_1240, %mul3A_1241 : i32
        %mul3A_1243 = arith.constant 16 : i32
        %mul3A_1244 = arith.muli %add3A_978, %mul3A_1243 : i32
        %add3A_1245 = arith.addi %mul3A_1242, %mul3A_1244 : i32
        %get3A_1246 = arith.index_cast %add3A_1245 : i32 to index
        %get3A_1247 = tpu.vector_load %arg10[%get3A_1246] {strides = array<i32>} : memref<13312xi32, #tpu.memory_space<vmem>>, vector<16xi32>,
        %gather3A_1248 = tpu.vector_load_idx %arg13[%get3A_1247] : memref<26000xf32, #tpu.memory_space<vmem>>[vector<16xi32>], vector<16xf32>,
        %add3A_1249 = arith.addf %add3A_1238, %gather3A_1248 : vector<16xf32>
        %add3A_1250 = arith.constant 32 : i32
        %add3A_1251 = arith.addi %add3A_1250, %add3A_29 : i32
        %mul3A_1252 = arith.constant 128 : i32
        %mul3A_1253 = arith.muli %add3A_1251, %mul3A_1252 : i32
        %mul3A_1254 = arith.constant 16 : i32
        %mul3A_1255 = arith.muli %add3A_978, %mul3A_1254 : i32
        %add3A_1256 = arith.addi %mul3A_1253, %mul3A_1255 : i32
        %get3A_1257 = arith.index_cast %add3A_1256 : i32 to index
        %get3A_1258 = tpu.vector_load %arg10[%get3A_1257] {strides = array<i32>} : memref<13312xi32, #tpu.memory_space<vmem>>, vector<16xi32>,
        %gather3A_1259 = tpu.vector_load_idx %arg13[%get3A_1258] : memref<26000xf32, #tpu.memory_space<vmem>>[vector<16xi32>], vector<16xf32>,
        %add3A_1260 = arith.addf %add3A_1249, %gather3A_1259 : vector<16xf32>
        %add3A_1261 = arith.constant 36 : i32
        %add3A_1262 = arith.addi %add3A_1261, %add3A_29 : i32
        %mul3A_1263 = arith.constant 128 : i32
        %mul3A_1264 = arith.muli %add3A_1262, %mul3A_1263 : i32
        %mul3A_1265 = arith.constant 16 : i32
        %mul3A_1266 = arith.muli %add3A_978, %mul3A_1265 : i32
        %add3A_1267 = arith.addi %mul3A_1264, %mul3A_1266 : i32
        %get3A_1268 = arith.index_cast %add3A_1267 : i32 to index
        %get3A_1269 = tpu.vector_load %arg10[%get3A_1268] {strides = array<i32>} : memref<13312xi32, #tpu.memory_space<vmem>>, vector<16xi32>,
        %gather3A_1270 = tpu.vector_load_idx %arg13[%get3A_1269] : memref<26000xf32, #tpu.memory_space<vmem>>[vector<16xi32>], vector<16xf32>,
        %add3A_1271 = arith.addf %add3A_1260, %gather3A_1270 : vector<16xf32>
        %add3A_1272 = arith.constant 40 : i32
        %add3A_1273 = arith.addi %add3A_1272, %add3A_29 : i32
        %mul3A_1274 = arith.constant 128 : i32
        %mul3A_1275 = arith.muli %add3A_1273, %mul3A_1274 : i32
        %mul3A_1276 = arith.constant 16 : i32
        %mul3A_1277 = arith.muli %add3A_978, %mul3A_1276 : i32
        %add3A_1278 = arith.addi %mul3A_1275, %mul3A_1277 : i32
        %get3A_1279 = arith.index_cast %add3A_1278 : i32 to index
        %get3A_1280 = tpu.vector_load %arg10[%get3A_1279] {strides = array<i32>} : memref<13312xi32, #tpu.memory_space<vmem>>, vector<16xi32>,
        %gather3A_1281 = tpu.vector_load_idx %arg13[%get3A_1280] : memref<26000xf32, #tpu.memory_space<vmem>>[vector<16xi32>], vector<16xf32>,
        %add3A_1282 = arith.addf %add3A_1271, %gather3A_1281 : vector<16xf32>
        %add3A_1283 = arith.constant 44 : i32
        %add3A_1284 = arith.addi %add3A_1283, %add3A_29 : i32
        %mul3A_1285 = arith.constant 128 : i32
        %mul3A_1286 = arith.muli %add3A_1284, %mul3A_1285 : i32
        %mul3A_1287 = arith.constant 16 : i32
        %mul3A_1288 = arith.muli %add3A_978, %mul3A_1287 : i32
        %add3A_1289 = arith.addi %mul3A_1286, %mul3A_1288 : i32
        %get3A_1290 = arith.index_cast %add3A_1289 : i32 to index
        %get3A_1291 = tpu.vector_load %arg10[%get3A_1290] {strides = array<i32>} : memref<13312xi32, #tpu.memory_space<vmem>>, vector<16xi32>,
        %gather3A_1292 = tpu.vector_load_idx %arg13[%get3A_1291] : memref<26000xf32, #tpu.memory_space<vmem>>[vector<16xi32>], vector<16xf32>,
        %add3A_1293 = arith.addf %add3A_1282, %gather3A_1292 : vector<16xf32>
        %add3A_1294 = arith.constant 48 : i32
        %add3A_1295 = arith.addi %add3A_1294, %add3A_29 : i32
        %mul3A_1296 = arith.constant 128 : i32
        %mul3A_1297 = arith.muli %add3A_1295, %mul3A_1296 : i32
        %mul3A_1298 = arith.constant 16 : i32
        %mul3A_1299 = arith.muli %add3A_978, %mul3A_1298 : i32
        %add3A_1300 = arith.addi %mul3A_1297, %mul3A_1299 : i32
        %get3A_1301 = arith.index_cast %add3A_1300 : i32 to index
        %get3A_1302 = tpu.vector_load %arg10[%get3A_1301] {strides = array<i32>} : memref<13312xi32, #tpu.memory_space<vmem>>, vector<16xi32>,
        %gather3A_1303 = tpu.vector_load_idx %arg13[%get3A_1302] : memref<26000xf32, #tpu.memory_space<vmem>>[vector<16xi32>], vector<16xf32>,
        %add3A_1304 = arith.addf %add3A_1293, %gather3A_1303 : vector<16xf32>
        %add3A_1305 = arith.constant 52 : i32
        %add3A_1306 = arith.addi %add3A_1305, %add3A_29 : i32
        %mul3A_1307 = arith.constant 128 : i32
        %mul3A_1308 = arith.muli %add3A_1306, %mul3A_1307 : i32
        %mul3A_1309 = arith.constant 16 : i32
        %mul3A_1310 = arith.muli %add3A_978, %mul3A_1309 : i32
        %add3A_1311 = arith.addi %mul3A_1308, %mul3A_1310 : i32
        %get3A_1312 = arith.index_cast %add3A_1311 : i32 to index
        %get3A_1313 = tpu.vector_load %arg10[%get3A_1312] {strides = array<i32>} : memref<13312xi32, #tpu.memory_space<vmem>>, vector<16xi32>,
        %gather3A_1314 = tpu.vector_load_idx %arg13[%get3A_1313] : memref<26000xf32, #tpu.memory_space<vmem>>[vector<16xi32>], vector<16xf32>,
        %add3A_1315 = arith.addf %add3A_1304, %gather3A_1314 : vector<16xf32>
        %add3A_1316 = arith.constant 56 : i32
        %add3A_1317 = arith.addi %add3A_1316, %add3A_29 : i32
        %mul3A_1318 = arith.constant 128 : i32
        %mul3A_1319 = arith.muli %add3A_1317, %mul3A_1318 : i32
        %mul3A_1320 = arith.constant 16 : i32
        %mul3A_1321 = arith.muli %add3A_978, %mul3A_1320 : i32
        %add3A_1322 = arith.addi %mul3A_1319, %mul3A_1321 : i32
        %get3A_1323 = arith.index_cast %add3A_1322 : i32 to index
        %get3A_1324 = tpu.vector_load %arg10[%get3A_1323] {strides = array<i32>} : memref<13312xi32, #tpu.memory_space<vmem>>, vector<16xi32>,
        %gather3A_1325 = tpu.vector_load_idx %arg13[%get3A_1324] : memref<26000xf32, #tpu.memory_space<vmem>>[vector<16xi32>], vector<16xf32>,
        %add3A_1326 = arith.addf %add3A_1315, %gather3A_1325 : vector<16xf32>
        %add3A_1327 = arith.constant 60 : i32
        %add3A_1328 = arith.addi %add3A_1327, %add3A_29 : i32
        %mul3A_1329 = arith.constant 128 : i32
        %mul3A_1330 = arith.muli %add3A_1328, %mul3A_1329 : i32
        %mul3A_1331 = arith.constant 16 : i32
        %mul3A_1332 = arith.muli %add3A_978, %mul3A_1331 : i32
        %add3A_1333 = arith.addi %mul3A_1330, %mul3A_1332 : i32
        %get3A_1334 = arith.index_cast %add3A_1333 : i32 to index
        %get3A_1335 = tpu.vector_load %arg10[%get3A_1334] {strides = array<i32>} : memref<13312xi32, #tpu.memory_space<vmem>>, vector<16xi32>,
        %gather3A_1336 = tpu.vector_load_idx %arg13[%get3A_1335] : memref<26000xf32, #tpu.memory_space<vmem>>[vector<16xi32>], vector<16xf32>,
        %add3A_1337 = arith.addf %add3A_1326, %gather3A_1336 : vector<16xf32>
        %add3A_1338 = arith.constant 64 : i32
        %add3A_1339 = arith.addi %add3A_1338, %add3A_29 : i32
        %mul3A_1340 = arith.constant 128 : i32
        %mul3A_1341 = arith.muli %add3A_1339, %mul3A_1340 : i32
        %mul3A_1342 = arith.constant 16 : i32
        %mul3A_1343 = arith.muli %add3A_978, %mul3A_1342 : i32
        %add3A_1344 = arith.addi %mul3A_1341, %mul3A_1343 : i32
        %get3A_1345 = arith.index_cast %add3A_1344 : i32 to index
        %get3A_1346 = tpu.vector_load %arg10[%get3A_1345] {strides = array<i32>} : memref<13312xi32, #tpu.memory_space<vmem>>, vector<16xi32>,
        %gather3A_1347 = tpu.vector_load_idx %arg13[%get3A_1346] : memref<26000xf32, #tpu.memory_space<vmem>>[vector<16xi32>], vector<16xf32>,
        %add3A_1348 = arith.addf %add3A_1337, %gather3A_1347 : vector<16xf32>
        %add3A_1349 = arith.constant 68 : i32
        %add3A_1350 = arith.addi %add3A_1349, %add3A_29 : i32
        %mul3A_1351 = arith.constant 128 : i32
        %mul3A_1352 = arith.muli %add3A_1350, %mul3A_1351 : i32
        %mul3A_1353 = arith.constant 16 : i32
        %mul3A_1354 = arith.muli %add3A_978, %mul3A_1353 : i32
        %add3A_1355 = arith.addi %mul3A_1352, %mul3A_1354 : i32
        %get3A_1356 = arith.index_cast %add3A_1355 : i32 to index
        %get3A_1357 = tpu.vector_load %arg10[%get3A_1356] {strides = array<i32>} : memref<13312xi32, #tpu.memory_space<vmem>>, vector<16xi32>,
        %gather3A_1358 = tpu.vector_load_idx %arg13[%get3A_1357] : memref<26000xf32, #tpu.memory_space<vmem>>[vector<16xi32>], vector<16xf32>,
        %add3A_1359 = arith.addf %add3A_1348, %gather3A_1358 : vector<16xf32>
        %add3A_1360 = arith.constant 72 : i32
        %add3A_1361 = arith.addi %add3A_1360, %add3A_29 : i32
        %mul3A_1362 = arith.constant 128 : i32
        %mul3A_1363 = arith.muli %add3A_1361, %mul3A_1362 : i32
        %mul3A_1364 = arith.constant 16 : i32
        %mul3A_1365 = arith.muli %add3A_978, %mul3A_1364 : i32
        %add3A_1366 = arith.addi %mul3A_1363, %mul3A_1365 : i32
        %get3A_1367 = arith.index_cast %add3A_1366 : i32 to index
        %get3A_1368 = tpu.vector_load %arg10[%get3A_1367] {strides = array<i32>} : memref<13312xi32, #tpu.memory_space<vmem>>, vector<16xi32>,
        %gather3A_1369 = tpu.vector_load_idx %arg13[%get3A_1368] : memref<26000xf32, #tpu.memory_space<vmem>>[vector<16xi32>], vector<16xf32>,
        %add3A_1370 = arith.addf %add3A_1359, %gather3A_1369 : vector<16xf32>
        %add3A_1371 = arith.constant 76 : i32
        %add3A_1372 = arith.addi %add3A_1371, %add3A_29 : i32
        %mul3A_1373 = arith.constant 128 : i32
        %mul3A_1374 = arith.muli %add3A_1372, %mul3A_1373 : i32
        %mul3A_1375 = arith.constant 16 : i32
        %mul3A_1376 = arith.muli %add3A_978, %mul3A_1375 : i32
        %add3A_1377 = arith.addi %mul3A_1374, %mul3A_1376 : i32
        %get3A_1378 = arith.index_cast %add3A_1377 : i32 to index
        %get3A_1379 = tpu.vector_load %arg10[%get3A_1378] {strides = array<i32>} : memref<13312xi32, #tpu.memory_space<vmem>>, vector<16xi32>,
        %gather3A_1380 = tpu.vector_load_idx %arg13[%get3A_1379] : memref<26000xf32, #tpu.memory_space<vmem>>[vector<16xi32>], vector<16xf32>,
        %add3A_1381 = arith.addf %add3A_1370, %gather3A_1380 : vector<16xf32>
        %add3A_1382 = arith.constant 80 : i32
        %add3A_1383 = arith.addi %add3A_1382, %add3A_29 : i32
        %mul3A_1384 = arith.constant 128 : i32
        %mul3A_1385 = arith.muli %add3A_1383, %mul3A_1384 : i32
        %mul3A_1386 = arith.constant 16 : i32
        %mul3A_1387 = arith.muli %add3A_978, %mul3A_1386 : i32
        %add3A_1388 = arith.addi %mul3A_1385, %mul3A_1387 : i32
        %get3A_1389 = arith.index_cast %add3A_1388 : i32 to index
        %get3A_1390 = tpu.vector_load %arg10[%get3A_1389] {strides = array<i32>} : memref<13312xi32, #tpu.memory_space<vmem>>, vector<16xi32>,
        %gather3A_1391 = tpu.vector_load_idx %arg13[%get3A_1390] : memref<26000xf32, #tpu.memory_space<vmem>>[vector<16xi32>], vector<16xf32>,
        %add3A_1392 = arith.addf %add3A_1381, %gather3A_1391 : vector<16xf32>
        %add3A_1393 = arith.constant 84 : i32
        %add3A_1394 = arith.addi %add3A_1393, %add3A_29 : i32
        %mul3A_1395 = arith.constant 128 : i32
        %mul3A_1396 = arith.muli %add3A_1394, %mul3A_1395 : i32
        %mul3A_1397 = arith.constant 16 : i32
        %mul3A_1398 = arith.muli %add3A_978, %mul3A_1397 : i32
        %add3A_1399 = arith.addi %mul3A_1396, %mul3A_1398 : i32
        %get3A_1400 = arith.index_cast %add3A_1399 : i32 to index
        %get3A_1401 = tpu.vector_load %arg10[%get3A_1400] {strides = array<i32>} : memref<13312xi32, #tpu.memory_space<vmem>>, vector<16xi32>,
        %gather3A_1402 = tpu.vector_load_idx %arg13[%get3A_1401] : memref<26000xf32, #tpu.memory_space<vmem>>[vector<16xi32>], vector<16xf32>,
        %add3A_1403 = arith.addf %add3A_1392, %gather3A_1402 : vector<16xf32>
        %add3A_1404 = arith.constant 88 : i32
        %add3A_1405 = arith.addi %add3A_1404, %add3A_29 : i32
        %mul3A_1406 = arith.constant 128 : i32
        %mul3A_1407 = arith.muli %add3A_1405, %mul3A_1406 : i32
        %mul3A_1408 = arith.constant 16 : i32
        %mul3A_1409 = arith.muli %add3A_978, %mul3A_1408 : i32
        %add3A_1410 = arith.addi %mul3A_1407, %mul3A_1409 : i32
        %get3A_1411 = arith.index_cast %add3A_1410 : i32 to index
        %get3A_1412 = tpu.vector_load %arg10[%get3A_1411] {strides = array<i32>} : memref<13312xi32, #tpu.memory_space<vmem>>, vector<16xi32>,
        %gather3A_1413 = tpu.vector_load_idx %arg13[%get3A_1412] : memref<26000xf32, #tpu.memory_space<vmem>>[vector<16xi32>], vector<16xf32>,
        %add3A_1414 = arith.addf %add3A_1403, %gather3A_1413 : vector<16xf32>
        %add3A_1415 = arith.constant 92 : i32
        %add3A_1416 = arith.addi %add3A_1415, %add3A_29 : i32
        %mul3A_1417 = arith.constant 128 : i32
        %mul3A_1418 = arith.muli %add3A_1416, %mul3A_1417 : i32
        %mul3A_1419 = arith.constant 16 : i32
        %mul3A_1420 = arith.muli %add3A_978, %mul3A_1419 : i32
        %add3A_1421 = arith.addi %mul3A_1418, %mul3A_1420 : i32
        %get3A_1422 = arith.index_cast %add3A_1421 : i32 to index
        %get3A_1423 = tpu.vector_load %arg10[%get3A_1422] {strides = array<i32>} : memref<13312xi32, #tpu.memory_space<vmem>>, vector<16xi32>,
        %gather3A_1424 = tpu.vector_load_idx %arg13[%get3A_1423] : memref<26000xf32, #tpu.memory_space<vmem>>[vector<16xi32>], vector<16xf32>,
        %add3A_1425 = arith.addf %add3A_1414, %gather3A_1424 : vector<16xf32>
        %add3A_1426 = arith.constant 96 : i32
        %add3A_1427 = arith.addi %add3A_1426, %add3A_29 : i32
        %mul3A_1428 = arith.constant 128 : i32
        %mul3A_1429 = arith.muli %add3A_1427, %mul3A_1428 : i32
        %mul3A_1430 = arith.constant 16 : i32
        %mul3A_1431 = arith.muli %add3A_978, %mul3A_1430 : i32
        %add3A_1432 = arith.addi %mul3A_1429, %mul3A_1431 : i32
        %get3A_1433 = arith.index_cast %add3A_1432 : i32 to index
        %get3A_1434 = tpu.vector_load %arg10[%get3A_1433] {strides = array<i32>} : memref<13312xi32, #tpu.memory_space<vmem>>, vector<16xi32>,
        %gather3A_1435 = tpu.vector_load_idx %arg13[%get3A_1434] : memref<26000xf32, #tpu.memory_space<vmem>>[vector<16xi32>], vector<16xf32>,
        %add3A_1436 = arith.addf %add3A_1425, %gather3A_1435 : vector<16xf32>
        %add3A_1437 = arith.constant 100 : i32
        %add3A_1438 = arith.addi %add3A_1437, %add3A_29 : i32
        %mul3A_1439 = arith.constant 128 : i32
        %mul3A_1440 = arith.muli %add3A_1438, %mul3A_1439 : i32
        %mul3A_1441 = arith.constant 16 : i32
        %mul3A_1442 = arith.muli %add3A_978, %mul3A_1441 : i32
        %add3A_1443 = arith.addi %mul3A_1440, %mul3A_1442 : i32
        %get3A_1444 = arith.index_cast %add3A_1443 : i32 to index
        %get3A_1445 = tpu.vector_load %arg10[%get3A_1444] {strides = array<i32>} : memref<13312xi32, #tpu.memory_space<vmem>>, vector<16xi32>,
        %gather3A_1446 = tpu.vector_load_idx %arg13[%get3A_1445] : memref<26000xf32, #tpu.memory_space<vmem>>[vector<16xi32>], vector<16xf32>,
        %add3A_1447 = arith.addf %add3A_1436, %gather3A_1446 : vector<16xf32>
        %mul3A_1448 = arith.constant 128 : i32
        %mul3A_1449 = arith.muli %add3A_29, %mul3A_1448 : i32
        %mul3A_1450 = arith.constant 16 : i32
        %mul3A_1451 = arith.muli %add3A_978, %mul3A_1450 : i32
        %add3A_1452 = arith.addi %mul3A_1449, %mul3A_1451 : i32
        %get3A_1453 = arith.index_cast %add3A_1452 : i32 to index
        %get3A_1454 = tpu.vector_load %arg15[%get3A_1453] {strides = array<i32>} : memref<512xf32, #tpu.memory_space<vmem>>, vector<16xf32>,
        %add3A_1455 = arith.addf %get3A_1454, %add3A_1447 : vector<16xf32>
        %swap3A = arith.index_cast %add3A_1452 : i32 to index
        %swap3A_1456 = tpu.vector_load %arg15[%swap3A] {strides = array<i32>} : memref<512xf32, #tpu.memory_space<vmem>>, vector<16xf32>,
        tpu.vector_store %arg15[%swap3A], %add3A_1455 {strides = array<i32>} : memref<512xf32, #tpu.memory_space<vmem>>, vector<16xf32>,
      }
      %scan3A_973 = arith.constant 8 : i32
    }
    %scan3A_16 = arith.constant 4 : i32
    %get3A = arith.constant 0 : index
    %get3A_17 = tpu.vector_load %arg14[%get3A] {strides = array<i32>} : memref<16xf32, #tpu.memory_space<vmem>>, vector<16xf32>,
    %scan3A_18 = arith.constant 0 : i32
    %scan3A_19 = arith.constant 32 : i32
    %scan3A_20 = arith.addi %scan3A_18, %scan3A_19 : i32
    %scan3A_21 = arith.constant 1 : i32
    scf.for %scan3A_25 = %scan3A_18 to %scan3A_20 step %scan3A_21  : i32 {
      %mul3A_26 = arith.constant 1 : i32
      %mul3A_27 = arith.muli %scan3A_25, %mul3A_26 : i32
      %add3A_28 = arith.constant 0 : i32
      %add3A_29 = arith.addi %add3A_28, %mul3A_27 : i32
      %mul3A_30 = arith.constant 16 : i32
      %mul3A_31 = arith.muli %add3A_29, %mul3A_30 : i32
      %get3A_32 = arith.index_cast %mul3A_31 : i32 to index
      %get3A_33 = tpu.vector_load %arg15[%get3A_32] {strides = array<i32>} : memref<512xf32, #tpu.memory_space<vmem>>, vector<16xf32>,
      %add3A_34 = arith.addf %get3A_33, %get3A_17 : vector<16xf32>
      %neg3A = arith.constant 0.000000e+00 : f32
      %neg3A_35 = vector.broadcast %neg3A : f32 to vector<16xf32>
      %neg3A_36 = arith.subf %neg3A_35, %add3A_34 : vector<16xf32>
      %exp3A = math.exp %neg3A_36 : vector<16xf32>
      %add3A_37 = arith.constant 1.000000e+00 : f32
      %add3A_38 = vector.broadcast %add3A_37 : f32 to vector<16xf32>
      %add3A_39 = arith.addf %add3A_38, %exp3A : vector<16xf32>
      %div3A = arith.constant 1.000000e+00 : f32
      %div3A_40 = vector.broadcast %div3A : f32 to vector<16xf32>
      %div3A_41 = arith.divf %div3A_40, %add3A_39 : vector<16xf32>
      %mul3A_42 = arith.constant 16 : i32
      %mul3A_43 = arith.muli %add3A_29, %mul3A_42 : i32
      %swap3A = arith.index_cast %mul3A_43 : i32 to index
      %swap3A_44 = tpu.vector_load %arg15[%swap3A] {strides = array<i32>} : memref<512xf32, #tpu.memory_space<vmem>>, vector<16xf32>,
      tpu.vector_store %arg15[%swap3A], %div3A_41 {strides = array<i32>} : memref<512xf32, #tpu.memory_space<vmem>>, vector<16xf32>,
    }
    %scan3A_22 = arith.constant 32 : i32
    %mul3A_23 = arith.constant 512 : i32
    %mul3A_24 = arith.muli %add3A, %mul3A_23 : i32
    "tpu.region"() ({
      %run_scoped3A = tpu.sem_alloc : memref<!tpu.dma_semaphore, #tpu.memory_space<semaphore_mem>>
      %dma_start3A = tpu.memref_slice %arg8[%mul3A_24] : memref<16384xf32, #tpu.memory_space<hbm>> -> memref<512xf32, #tpu.memory_space<hbm>>
      %dma_start3A_25 = tpu.memref_slice %arg8[%mul3A_24] : memref<16384xf32, #tpu.memory_space<hbm>> -> memref<512xf32, #tpu.memory_space<hbm>>
      tpu.enqueue_dma source(%arg15 : memref<512xf32, #tpu.memory_space<vmem>>) target(%dma_start3A_25 : memref<512xf32, #tpu.memory_space<hbm>>) target_semaphore(%run_scoped3A : memref<!tpu.dma_semaphore, #tpu.memory_space<semaphore_mem>>)
      %dma_wait3A = tpu.memref_slice %arg8[%mul3A_24] : memref<16384xf32, #tpu.memory_space<hbm>> -> memref<512xf32, #tpu.memory_space<hbm>>
      %dma_wait3A_26 = tpu.memref_slice %arg8[%mul3A_24] : memref<16384xf32, #tpu.memory_space<hbm>> -> memref<512xf32, #tpu.memory_space<hbm>>
      tpu.wait_dma2 semaphore(%run_scoped3A : memref<!tpu.dma_semaphore, #tpu.memory_space<semaphore_mem>>) src(%arg15 : memref<512xf32, #tpu.memory_space<vmem>>) dst(%dma_wait3A_26 : memref<512xf32, #tpu.memory_space<hbm>>)
      tpu.yield
    }) : () -> ()
    return
  }
}

</mosaic_0001>

<sc_bundles>
// kernel: _fm_model.3.cloned.1.call-start
scs
__scs_entry_jumppad:
0x0: {  	(pc) =	sbr.rel $0x88, $3  }
0x1: {  	(tag) =	ssettag $0x0;
	lr =	simm.s32 $0x1  }
0x2: {  	[smem:$0x3F9B] =	sst lr;
	_ =	strace $0xD0000000  }
0x3: {  	_ = 	snop  }
0x4: {  	_ = 	snop  }
0x5: {  	_ = 	snop  }
0x6: {  	_ = 	snop  }
0x7: {  	_ = 	snop  }
__scs_overlays_trampoline_lowered:
0x8: {  	[smem:$0x3FAA] =	sst s0  }
0x9: {  	[smem:$0x3FAB] =	sst s1  }
0xa: {  	[smem:$0x3FAC] =	sst s2  }
0xb: {  	[smem:$0x3FAD] =	sst s3  }
0xc: {  	[smem:$0x3FAE] =	sst s4  }
0xd: {  	[smem:$0x3FAF] =	sst s5  }
0xe: {  	[smem:$0x3FB0] =	sst s6  }
0xf: {  	[smem:$0x3FB1] =	sst s7  }
0x10: {  	[smem:$0x3FB2] =	sst s8  }
0x11: {  	[smem:$0x3FB3] =	sst s9;
	s0 =	simm.s32 @!p0 $0x0  }
0x12: {  	s1 =	sld [smem:$0x3F99];
	s0 =	simm.s32 @p0 $0x1  }
0x13: {  	[smem:$0x3FB4] =	sst s0;
	s0 =	simm.s32 @!p1 $0x0  }
0x14: {  	s2 =	sld [smem:$0x3F98];
	s0 =	simm.s32 @p1 $0x1  }
0x15: {  	[smem:$0x3FB5] =	sst s0;
	s0 =	simm.s32 @!p2 $0x0  }
0x16: {  	s3 =	sld [smem:$0x3FDB];
	s0 =	simm.s32 @p2 $0x1  }
0x17: {  	s4 =	simm.s32 $0x1BF5;
	[smem:$0x3FB7] =	sst s0  }
0x18: {  	s0 =	sld [smem:$0x3F9A];
	_ =	swait.ge [sflag:s4], $0x0  }
0x19: {  	s7 =	sld [smem:$0x3F9B]  }
0x1a: {  	s8 =	sadd.s32 $0xFFFFE003, lr  }
0x1b: {  	s9 =	sadd.s32 $0xFFFFFEF7, lr;
	s5 =	simm.s32 $0xFFFFFFFF;
	p2 =	slt.u32 s8, $0xFFFFF086  }
0x1c: {  	p1 =	slt.u32 s9, $0xF7A;
	s5 =	simm.s32 @!p2 $0x0  }
0x1d: {  	s5 =	simm.s32 @p1 $0x1;
	p0 =	seq.s32 s7, s2  }
0x1e: {  	s7 =	smul.u32 @!p0 $0xF7A, s2;
	p2 =	seq.s32 @!p0 s5, $0x0  }
0x1f: {  	s9 =	smul.u32 $0xF7A, s1;
	s8 =	simm.s32 @!p0 $0x1BF5;
	p2 =	por !p2, p0  }
0x20: {  	[sflag:s8] =	ssyncset.s32 @!p0 $0xFFFFF086;
	s6 =	sadd.s32 @!p0 s3, s7;
	s7 =	simm.s32 @!p0 $0x108  }
0x21: {  	s3 =	sadd.s32 s3, s9;
	s6 =	sadd.s32 @!p0 $0x88, s6;
	s7 =	simm.s32 @p2 $0x1082  }
0x22: {  	[simem:s7], [sflag:s8] =	dma.local @!p0 [hbm:s6], $0xF7A  }
0x23: {  	s9 =	sor.u32 $0xD0000000, s2;
	s6 =	simm.s32 $0x108;
	_ =	swait.ge @!p0 [sflag:s8], $0x0  }
0x24: {  	s3 =	sadd.s32 $0x88, s3;
	s6 =	simm.s32 @!p1 $0x1082;
	[sflag:s4] =	ssyncset.s32 $0xFFFFF086  }
0x25: {  	[simem:s6], [sflag:s4] =	dma.local [hbm:s3], $0xF7A  }
0x26: {  	[smem:$0x3F9B] =	sst s1;
	(tag) =	ssettag s2;
	_ =	strace s9  }
0x27: {  	s1 =	sld [smem:$0x3FAB]  }
0x28: {  	s2 =	sld [smem:$0x3FAC]  }
0x29: {  	s4 =	sld [smem:$0x3FAE]  }
0x2a: {  	p0 =	seq.s32 s5, $0x0;
	s5 =	sld [smem:$0x3FAF]  }
0x2b: {  	s6 =	sld [smem:$0x3FB0]  }
0x2c: {  	s7 =	sld [smem:$0x3FB1]  }
0x2d: {  	s3 =	simm.s32 $0x108;
	s8 =	sld [smem:$0x3FB2]  }
0x2e: {  	s3 =	simm.s32 @!p0 $0x1082;
	s9 =	sld [smem:$0x3FB3]  }
0x2f: {  	lr =	sadd.s32 s0, s3;
	s0 =	sld [smem:$0x3FAA]  }
0x30: {  	s3 =	sld [smem:$0x3FAD]  }
0x31: {  	[smem:$0x3FB6] =	sst s10  }
0x32: {  	s10 =	sld [smem:$0x3FB4];
	_ =	sdelay $0x3  }
0x33: {  	p0 =	seq.s32 s10, $0x1;
	s10 =	sld [smem:$0x3FB6];
	_ =	sdelay $0x3  }
0x34: {  	[smem:$0x3FB6] =	sst s10  }
0x35: {  	s10 =	sld [smem:$0x3FB5];
	_ =	sdelay $0x3  }
0x36: {  	p1 =	seq.s32 s10, $0x1;
	s10 =	sld [smem:$0x3FB6];
	_ =	sdelay $0x3  }
0x37: {  	[smem:$0x3FB6] =	sst s10  }
0x38: {  	s10 =	sld [smem:$0x3FB7]  }
0x39: {  	_ = 	snop;
	(pc) =	sbr.ind lr, $3  }
0x3a: {  	_ = 	snop  }
0x3b: {  	_ = 	snop  }
0x3c: {  	p2 =	seq.s32 s10, $0x1;
	s10 =	sld [smem:$0x3FB6]  }
0x3d: {  	_ =	shalt  }
0x3e: {  	_ =	shalt  }
0x3f: {  	_ =	shalt  }
0x40: {  	_ =	shalt  }
0x41: {  	_ =	shalt  }
0x42: {  	_ =	shalt  }
0x43: {  	_ =	shalt  }
0x44: {  	_ =	shalt  }
0x45: {  	_ =	shalt  }
0x46: {  	_ =	shalt  }
0x47: {  	_ =	shalt  }
0x48: {  	_ =	shalt  }
0x49: {  	_ =	shalt  }
0x4a: {  	_ =	shalt  }
0x4b: {  	_ =	shalt  }
0x4c: {  	_ =	shalt  }
0x4d: {  	_ =	shalt  }
0x4e: {  	_ =	shalt  }
0x4f: {  	_ =	shalt  }
0x50: {  	_ =	shalt  }
0x51: {  	_ =	shalt  }
0x52: {  	_ =	shalt  }
0x53: {  	_ =	shalt  }
0x54: {  	_ =	shalt  }
0x55: {  	_ =	shalt  }
0x56: {  	_ =	shalt  }
0x57: {  	_ =	shalt  }
0x58: {  	_ =	shalt  }
0x59: {  	_ =	shalt  }
0x5a: {  	_ =	shalt  }
0x5b: {  	_ =	shalt  }
0x5c: {  	_ =	shalt  }
0x5d: {  	_ =	shalt  }
0x5e: {  	_ =	shalt  }
0x5f: {  	_ =	shalt  }
0x60: {  	_ =	shalt  }
0x61: {  	_ =	shalt  }
0x62: {  	_ =	shalt  }
0x63: {  	_ =	shalt  }
0x64: {  	_ =	shalt  }
0x65: {  	_ =	shalt  }
0x66: {  	_ =	shalt  }
0x67: {  	_ =	shalt  }
0x68: {  	_ =	shalt  }
0x69: {  	_ =	shalt  }
0x6a: {  	_ =	shalt  }
0x6b: {  	_ =	shalt  }
0x6c: {  	_ =	shalt  }
0x6d: {  	_ =	shalt  }
0x6e: {  	_ =	shalt  }
0x6f: {  	_ =	shalt  }
0x70: {  	_ =	shalt  }
0x71: {  	_ =	shalt  }
0x72: {  	_ =	shalt  }
0x73: {  	_ =	shalt  }
0x74: {  	_ =	shalt  }
0x75: {  	_ =	shalt  }
0x76: {  	_ =	shalt  }
0x77: {  	_ =	shalt  }
0x78: {  	_ =	shalt  }
0x79: {  	_ =	shalt  }
0x7a: {  	_ =	shalt  }
0x7b: {  	_ =	shalt  }
0x7c: {  	_ =	shalt  }
0x7d: {  	_ =	shalt  }
0x7e: {  	_ =	shalt  }
0x7f: {  	_ =	shalt  }
0x80: {  	_ =	shalt  }
0x81: {  	_ =	shalt  }
0x82: {  	_ =	shalt  }
0x83: {  	_ =	shalt  }
0x84: {  	_ =	shalt  }
0x85: {  	_ =	shalt  }
0x86: {  	_ =	shalt  }
0x87: {  	_ =	shalt  }
.Lfunc_end0:
.L_simem_size_0:
called_computation_lowered:
.L_overlay_start_0:
0x88: {  	s2 =	sld [smem:$0x3FD9]  }
0x89: {  	s3 =	sld [smem:$0x3FFE];
	_ =	sdelay $0x1  }
0x8a: {  	s1 =	srdreg.scid  }
0x8b: {  	s0 =	sand.u32 $0x1, s1  }
0x8c: {  	s17 =	sshll.u32 s0, $0xA;
	s2 =	sadd.s32 s3, s2  }
0x8d: {  	s2 =	sadd.s32 s2, s17  }
0x8e: {  	[smem:$0x3FC2] =	sst s2  }
0x8f: {  	_ = 	snop  }
0x90: {  	s2 =	sld [smem:$0x3FC9]  }
0x91: {  	s18 =	sld [smem:$0x3FC8]  }
0x92: {  	s4 =	sld [smem:$0x3FC6]  }
0x93: {  	s5 =	sld [smem:$0x3FC5]  }
0x94: {  	s6 =	sld [smem:$0x3FC4]  }
0x95: {  	s7 =	sld [smem:$0x3FD0];
	(tm) =	ssettm $0x1  }
0x96: {  	s8 =	sld [smem:$0x3FFB];
	_ =	sdelay $0x3  }
0x97: {  	_ =	strace s8  }
0x98: {  	s8 =	sld [smem:$0x3FFC];
	_ =	sdelay $0x3  }
0x99: {  	_ =	strace s8  }
0x9a: {  	s8 =	sld [smem:$0x3FFD];
	_ =	sdelay $0x3  }
0x9b: {  	_ =	strace s8  }
0x9c: {  	_ =	strace $0x8FFFFFFF  }
0x9d: {  	s19 =	sld [smem:$0x3FDB];
	_ =	sdelay $0x1  }
0x9e: {  	s9 =	simm.s32 $_scs_section_size  }
0x9f: {  	s10 =	simm.s32 $_size__tile_overlayer_lowered;
	s11 =	simm.s32 $_tile_overlayer_lowered  }
0xa0: {  	s22 =	simm.s32 $0x1BFF;
	s21 =	sshll.u32 s11, $0x1;
	s8 =	sadd.s32 s9, s19  }
0xa1: {  	s12 =	simm.s32 $0x0;
	s20 =	sshll.u32 s10, $0x1;
	s10 =	sadd.s32 s21, s8  }
0xa2: {  	[timem:s12], [sflag:s22] =	dma.local [hbm:s10], s20  }
0xa3: {  	_ =	swait.ge [sflag:s22], s20  }
0xa4: {  	s9 =	ssub.s32 $0x0, s20;
	[sflag:s22] =	ssyncset.done $0x0  }
0xa5: {  	[sflag:s22] =	ssyncadd.s32 s9;
	_ =	sdelay $0x1  }
0xa6: {  	s23 =	simm.s32 $0x1B8B  }
0xa7: {  	_ =	swait.ge [sflag:s23], $0x1  }
0xa8: {  	[sflag:s23] =	ssyncset.done $0x0  }
0xa9: {  	s25 =	simm.s32 $0x1B8E;
	s24 =	sld [smem:$0x3FFE];
	[sflag:s23] =	ssyncadd.s32 $0xFFFFFFFF  }
0xaa: {  	s26 =	simm.s32 $execute0_lowered;
	[smem:$0x3FD2] =	sst s25  }
0xab: {  	s10 =	sshll.u32 s26, $0x1;
	_ =	strace $0x80000046;
	[dreg:$0x1] =	wrdreg $0xFFFFFFFF  }
0xac: {  	s28 =	simm.s32 $_size_execute0_lowered;
	s8 =	sadd.s32 s8, s10;
	[dreg:$0x0] =	wrdreg $0x0  }
0xad: {  	s10 =	sshll.u32 s28, $0x1;
	[dreg:$0x2] =	wrdreg s8  }
0xae: {  	[dreg:$0x3] =	wrdreg s10  }
0xaf: {  	[dreg:$0x4] =	wrdreg $0xC0  }
0xb0: {  	_ =	task [dreg:s12], $0x5FFFF  }
0xb1: {  	[dreg:$0x1] =	wrdreg $0xFFFFFFFF  }
0xb2: {  	[dreg:$0x0] =	wrdreg $0x60  }
0xb3: {  	[dreg:$0x2] =	wrdreg s2  }
0xb4: {  	[dreg:$0x3] =	wrdreg s18  }
0xb5: {  	[dreg:$0x4] =	wrdreg s24  }
0xb6: {  	[dreg:$0x5] =	wrdreg s4  }
0xb7: {  	[dreg:$0x6] =	wrdreg s5  }
0xb8: {  	[dreg:$0x7] =	wrdreg s6  }
0xb9: {  	[dreg:$0x8] =	wrdreg s7  }
0xba: {  	[dreg:$0x9] =	wrdreg $0x9  }
0xbb: {  	_ =	task.clear_ibuf [dreg:s12], $0xAFFFF;
	_ =	strace $0x90000046  }
0xbc: {  	s29 =	simm.s32 $0x9;
	_ =	strace $0x80000048  }
0xbd: {  	_ =	swait.ge [sflag:s29], $0x1  }
0xbe: {  	[sflag:s29] =	ssyncadd.s32 $0xFFFFFFFF  }
0xbf: {  	_ =	strace $0x90000048  }
0xc0: {  	_ =	sfence  }
0xc1: {  	s30 =	sld [smem:$0x0];
	_ =	sdelay $0x2  }
0xc2: {  	s31 =	sshll.u32 s1, $0xD;
	s1 =	sshrl.u32 s1, $0x2  }
0xc3: {  	s3 =	sand.u32 $0x4000, s31;
	s1 =	sadd.s32 s1, s30  }
0xc4: {  	s0 =	sor.u32 s3, s0;
	s1 =	sshll.u32 s1, $0x11  }
0xc5: {  	s0 =	sor.u32 s1, s0  }
0xc6: {  	s0 =	sadd.s32 $0x8F2B, s0  }
0xc7: {  	[sflag:s0] =	ssyncadd.remote.s32 $0x1  }
0xc8: {  	_ =	sfence.sel $0xFFFF  }
0xc9: {  	[dreg:$0x0] =	wrdreg $0xFFFFFFFF;
	(pc) =	sbr.abs _section_cstart, $3  }
0xca: {  	[dreg:$0x1] =	wrdreg $0xFFFFFFFF  }
0xcb: {  	_ =	task.clear_ibuf [dreg:s12], $0x2FFFF;
	_ =	strace $0x9FFFFFFF  }
0xcc: {  	(tm) =	ssettm $0x7FFFFFFF  }
0xcd: {  	_ =	shalt  }
tec
execute0_lowered:
.L_overlay_start_1:
0x0: {  	(tag) =	ssettag $0x1  }
0x1: {  	s1 =	rddreg [dreg:$0x0]  }
0x2: {  	s2 =	rddreg [dreg:$0x1]  }
0x3: {  	s3 =	rddreg [dreg:$0x2]  }
0x4: {  	s4 =	srdreg.scid;
	s5 =	rddreg [dreg:$0x6]  }
0x5: {  	s0 =	stileid.u32;
	s9 =	simm.s32 $0x0;
	s4 =	sand.u32 $0x1, s4  }
0x6: {  	[smem:$0x7FF] =	sst s9;
	s24 =	sadd.s32 $0x27AC800, s3;
	s6 =	sshll.u32 s4, $0x4  }
0x7: {  	s4 =	ssub.s32 $0x2, s4;
	_ =	strace $0x80000047;
	s7 =	sor.u32 s0, s6  }
0x8: {  	[dreg:$0x8] =	wrdreg s24;
	s25 =	sshrl.u32 s4, $0x1;
	s28 =	sshll.u32 s7, $0x6  }
0x9: {  	s8 =	smul.u32 $0x680, s7;
	s3 =	ssub.s32 s4, s25;
	s30 =	sadd.s32 s5, s28  }
0xa: {  	s13 =	simm.s32 $0x14500;
	s31 =	smax.u32 s3, $0x1;
	[dreg:$0xb] =	wrdreg s30  }
0xb: {  	s12 =	simm.s32 $0x1AAA0;
	s26 =	sadd.s32 s1, s8;
	[dreg:$0xc] =	wrdreg s31  }
0xc: {  	s5 =	simm.s32 $0x1;
	s29 =	sadd.s32 s2, s8;
	[dreg:$0x9] =	wrdreg s26  }
0xd: {  	v0 =	vimm.f32 $0.0e+00;
	s2 =	simm.s32 $0x2;
	s1 =	simm.s32 $0x0;
	[dreg:$0xa] =	wrdreg s29  }
.LBB2_1:
0xe: {  	[dreg:$0xd] =	wrdreg s1  }
0xf: {  	s0 =	rddreg [dreg:$0x5];
	s26 =	simm.s32 $0x1AA90  }
0x10: {  	[tilespmem:s26], [sflag:$0x2] =	stream.linear.gather [hbm4b:s0+s9], $0x10, $0x38;
	[tilespmem:$0x1ACA0] =	vst v63  }
0x11: {  	_ =	swait.ge [sflag:s2], $0x10  }
0x12: {  	[sflag:s2] =	ssyncset.done $0x0  }
0x13: {  	[sflag:s2] =	ssyncadd.s32 $0xFFFFFFF0  }
0x14: {  	s28 =	rddreg [dreg:$0x4]  }
0x15: {  	[tilespmem:s13], [sflag:$0x2] =	stream.linear.gather [hbm4b:s28+s9], $0x6590, $0x38;
	[tilespmem:$0x1ACA0] =	vst v63  }
0x16: {  	_ =	swait.ge [sflag:s2], $0x6590  }
0x17: {  	[sflag:s2] =	ssyncset.done $0x0  }
0x18: {  	s29 =	rddreg [dreg:$0x9];
	[sflag:s2] =	ssyncadd.s32 $0xFFFF9A70  }
0x19: {  	[tilespmem:s9], [sflag:$0x2] =	stream.linear.gather [hbm4b:s29+s9], $0x3400, $0x38;
	[tilespmem:$0x1ACA0] =	vst v63  }
0x1a: {  	_ =	swait.ge [sflag:s2], $0x3400  }
0x1b: {  	[sflag:s2] =	ssyncset.done $0x0  }
0x1c: {  	s31 =	simm.s32 $0x3400;
	s30 =	rddreg [dreg:$0xa];
	[sflag:s2] =	ssyncadd.s32 $0xFFFFCC00  }
0x1d: {  	[tilespmem:s31], [sflag:$0x2] =	stream.linear.gather [hbm4b:s30+s9], $0x3400, $0x38;
	[tilespmem:$0x1ACA0] =	vst v63  }
0x1e: {  	_ =	swait.ge [sflag:s2], $0x3400  }
0x1f: {  	[sflag:s2] =	ssyncset.done $0x0  }
0x20: {  	[sflag:s2] =	ssyncadd.s32 $0xFFFFCC00  }
0x21: {  	[tilespmem:$0x1AAA0] =	vst v0  }
0x22: {  	[tilespmem:$0x1AAB0] =	vst v0  }
0x23: {  	[tilespmem:$0x1AAC0] =	vst v0  }
0x24: {  	[tilespmem:$0x1AAD0] =	vst v0  }
0x25: {  	[tilespmem:$0x1AAE0] =	vst v0  }
0x26: {  	[tilespmem:$0x1AAF0] =	vst v0  }
0x27: {  	[tilespmem:$0x1AB00] =	vst v0  }
0x28: {  	[tilespmem:$0x1AB10] =	vst v0  }
0x29: {  	[tilespmem:$0x1AB20] =	vst v0  }
0x2a: {  	[tilespmem:$0x1AB30] =	vst v0  }
0x2b: {  	[tilespmem:$0x1AB40] =	vst v0  }
0x2c: {  	[tilespmem:$0x1AB50] =	vst v0  }
0x2d: {  	[tilespmem:$0x1AB60] =	vst v0  }
0x2e: {  	[tilespmem:$0x1AB70] =	vst v0  }
0x2f: {  	[tilespmem:$0x1AB80] =	vst v0  }
0x30: {  	[tilespmem:$0x1AB90] =	vst v0  }
0x31: {  	[tilespmem:$0x1ABA0] =	vst v0  }
0x32: {  	[tilespmem:$0x1ABB0] =	vst v0  }
0x33: {  	[tilespmem:$0x1ABC0] =	vst v0  }
0x34: {  	[tilespmem:$0x1ABD0] =	vst v0  }
0x35: {  	[tilespmem:$0x1ABE0] =	vst v0  }
0x36: {  	[tilespmem:$0x1ABF0] =	vst v0  }
0x37: {  	[tilespmem:$0x1AC00] =	vst v0  }
0x38: {  	[tilespmem:$0x1AC10] =	vst v0  }
0x39: {  	[tilespmem:$0x1AC20] =	vst v0  }
0x3a: {  	[tilespmem:$0x1AC30] =	vst v0  }
0x3b: {  	[tilespmem:$0x1AC40] =	vst v0  }
0x3c: {  	[tilespmem:$0x1AC50] =	vst v0  }
0x3d: {  	[tilespmem:$0x1AC60] =	vst v0  }
0x3e: {  	[tilespmem:$0x1AC70] =	vst v0  }
0x3f: {  	s16 =	simm.s32 $0x4E00;
	[tilespmem:$0x1AC80] =	vst v0  }
0x40: {  	s17 =	simm.s32 $0x1AAA0;
	s1 =	simm.s32 $0x0;
	s2 =	simm.s32 $0x0;
	[tilespmem:$0x1AC90] =	vst v0  }
.LBB2_2:
0x41: {  	s18 =	sshll.u32 s2, $0x7  }
0x42: {  	s20 =	rddreg [dreg:$0x8];
	s0 =	simm.s32 $0x80;
	s19 =	simm.s32 $0x6800  }
0x43: {  	[tilespmem:s19], [sflag:$0x1] =	stream.indirect.gather [hbm4b:s20+s0], $0x10, s18, s0, $0xb8;
	[tilespmem:$0x1ACA0] =	vst v63  }
0x44: {  	[dreg:$0xf] =	wrdreg s2;
	s21 =	simm.s32 $0x7000;
	s2 =	sor.u32 $0x200, s18  }
0x45: {  	[tilespmem:s21], [sflag:$0x1] =	stream.indirect.gather [hbm4b:s20+s0], $0x10, s2, s0, $0xb8;
	[tilespmem:$0x1ACA0] =	vst v63  }
0x46: {  	s23 =	simm.s32 $0x7800;
	s22 =	sor.u32 $0x400, s18  }
0x47: {  	[tilespmem:s23], [sflag:$0x1] =	stream.indirect.gather [hbm4b:s20+s0], $0x10, s22, s0, $0xb8;
	[tilespmem:$0x1ACA0] =	vst v63  }
0x48: {  	s25 =	simm.s32 $0x8000;
	s24 =	sor.u32 $0x600, s18  }
0x49: {  	[tilespmem:s25], [sflag:$0x1] =	stream.indirect.gather [hbm4b:s20+s0], $0x10, s24, s0, $0xb8;
	[tilespmem:$0x1ACA0] =	vst v63  }
0x4a: {  	s26 =	simm.s32 $0x8800;
	[dreg:$0x12] =	wrdreg s24;
	s24 =	sor.u32 $0x800, s18  }
0x4b: {  	[tilespmem:s26], [sflag:$0x1] =	stream.indirect.gather [hbm4b:s20+s0], $0x10, s24, s0, $0xb8;
	[tilespmem:$0x1ACA0] =	vst v63  }
0x4c: {  	s28 =	simm.s32 $0x9000;
	s25 =	sor.u32 $0xA00, s18  }
0x4d: {  	[tilespmem:s28], [sflag:$0x1] =	stream.indirect.gather [hbm4b:s20+s0], $0x10, s25, s0, $0xb8;
	[tilespmem:$0x1ACA0] =	vst v63  }
0x4e: {  	s29 =	simm.s32 $0x9800;
	s26 =	sor.u32 $0xC00, s18  }
0x4f: {  	[tilespmem:s29], [sflag:$0x1] =	stream.indirect.gather [hbm4b:s20+s0], $0x10, s26, s0, $0xb8;
	[tilespmem:$0x1ACA0] =	vst v63  }
0x50: {  	s30 =	simm.s32 $0xA000;
	s28 =	sor.u32 $0xE00, s18  }
0x51: {  	[tilespmem:s30], [sflag:$0x1] =	stream.indirect.gather [hbm4b:s20+s0], $0x10, s28, s0, $0xb8;
	[tilespmem:$0x1ACA0] =	vst v63  }
0x52: {  	s31 =	simm.s32 $0xA800;
	s29 =	sor.u32 $0x1000, s18  }
0x53: {  	[tilespmem:s31], [sflag:$0x1] =	stream.indirect.gather [hbm4b:s20+s0], $0x10, s29, s0, $0xb8;
	[tilespmem:$0x1ACA0] =	vst v63  }
0x54: {  	[dreg:$0x10] =	wrdreg s2;
	s2 =	simm.s32 $0xB000;
	s30 =	sor.u32 $0x1200, s18  }
0x55: {  	[tilespmem:s2], [sflag:$0x1] =	stream.indirect.gather [hbm4b:s20+s0], $0x10, s30, s0, $0xb8;
	[tilespmem:$0x1ACA0] =	vst v63  }
0x56: {  	s3 =	simm.s32 $0xB800;
	s31 =	sor.u32 $0x1400, s18  }
0x57: {  	[tilespmem:s3], [sflag:$0x1] =	stream.indirect.gather [hbm4b:s20+s0], $0x10, s31, s0, $0xb8;
	[tilespmem:$0x1ACA0] =	vst v63  }
0x58: {  	s4 =	simm.s32 $0xC000;
	s21 =	sor.u32 $0x1600, s18  }
0x59: {  	[tilespmem:s4], [sflag:$0x1] =	stream.indirect.gather [hbm4b:s20+s0], $0x10, s21, s0, $0xb8;
	[tilespmem:$0x1ACA0] =	vst v63  }
0x5a: {  	s6 =	simm.s32 $0xC800;
	s3 =	sor.u32 $0x1800, s18  }
0x5b: {  	[tilespmem:s6], [sflag:$0x1] =	stream.indirect.gather [hbm4b:s20+s0], $0x10, s3, s0, $0xb8;
	[tilespmem:$0x1ACA0] =	vst v63  }
0x5c: {  	s7 =	simm.s32 $0xD000;
	s2 =	sor.u32 $0x1A00, s18  }
0x5d: {  	[tilespmem:s7], [sflag:$0x1] =	stream.indirect.gather [hbm4b:s20+s0], $0x10, s2, s0, $0xb8;
	[tilespmem:$0x1ACA0] =	vst v63  }
0x5e: {  	s8 =	simm.s32 $0xD800;
	s4 =	sor.u32 $0x1C00, s18  }
0x5f: {  	[tilespmem:s8], [sflag:$0x1] =	stream.indirect.gather [hbm4b:s20+s0], $0x10, s4, s0, $0xb8;
	[tilespmem:$0x1ACA0] =	vst v63  }
0x60: {  	s9 =	simm.s32 $0xE000;
	s11 =	sor.u32 $0x1E00, s18  }
0x61: {  	[tilespmem:s9], [sflag:$0x1] =	stream.indirect.gather [hbm4b:s20+s0], $0x10, s11, s0, $0xb8;
	[tilespmem:$0x1ACA0] =	vst v63  }
0x62: {  	s10 =	simm.s32 $0xE800;
	s14 =	sor.u32 $0x2000, s18  }
0x63: {  	[tilespmem:s10], [sflag:$0x1] =	stream.indirect.gather [hbm4b:s20+s0], $0x10, s14, s0, $0xb8;
	[tilespmem:$0x1ACA0] =	vst v63  }
0x64: {  	s15 =	simm.s32 $0xF000;
	s7 =	sor.u32 $0x2200, s18  }
0x65: {  	[tilespmem:s15], [sflag:$0x1] =	stream.indirect.gather [hbm4b:s20+s0], $0x10, s7, s0, $0xb8;
	[tilespmem:$0x1ACA0] =	vst v63  }
0x66: {  	s19 =	simm.s32 $0xF800;
	s8 =	sor.u32 $0x2400, s18  }
0x67: {  	[tilespmem:s19], [sflag:$0x1] =	stream.indirect.gather [hbm4b:s20+s0], $0x10, s8, s0, $0xb8;
	[tilespmem:$0x1ACA0] =	vst v63  }
0x68: {  	[dreg:$0x11] =	wrdreg s22;
	s22 =	simm.s32 $0x10000;
	s9 =	sor.u32 $0x2600, s18  }
0x69: {  	[tilespmem:s22], [sflag:$0x1] =	stream.indirect.gather [hbm4b:s20+s0], $0x10, s9, s0, $0xb8;
	[tilespmem:$0x1ACA0] =	vst v63  }
0x6a: {  	s23 =	simm.s32 $0x10800;
	s10 =	sor.u32 $0x2800, s18  }
0x6b: {  	[tilespmem:s23], [sflag:$0x1] =	stream.indirect.gather [hbm4b:s20+s0], $0x10, s10, s0, $0xb8;
	[tilespmem:$0x1ACA0] =	vst v63  }
0x6c: {  	s6 =	simm.s32 $0x11000;
	s19 =	sor.u32 $0x2A00, s18  }
0x6d: {  	[tilespmem:s6], [sflag:$0x1] =	stream.indirect.gather [hbm4b:s20+s0], $0x10, s19, s0, $0xb8;
	[tilespmem:$0x1ACA0] =	vst v63  }
0x6e: {  	s15 =	simm.s32 $0x11800;
	s22 =	sor.u32 $0x2C00, s18  }
0x6f: {  	[tilespmem:s15], [sflag:$0x1] =	stream.indirect.gather [hbm4b:s20+s0], $0x10, s22, s0, $0xb8;
	[tilespmem:$0x1ACA0] =	vst v63  }
0x70: {  	[dreg:$0xe] =	wrdreg s1;
	s1 =	sor.u32 $0x2E00, s18;
	s6 =	simm.s32 $0x12000  }
0x71: {  	[tilespmem:s6], [sflag:$0x1] =	stream.indirect.gather [hbm4b:s20+s0], $0x10, s1, s0, $0xb8;
	[tilespmem:$0x1ACA0] =	vst v63  }
0x72: {  	s15 =	simm.s32 $0x12800;
	s6 =	sor.u32 $0x3000, s18  }
0x73: {  	[tilespmem:s15], [sflag:$0x1] =	stream.indirect.gather [hbm4b:s20+s0], $0x10, s6, s0, $0xb8;
	[tilespmem:$0x1ACA0] =	vst v63  }
0x74: {  	s23 =	simm.s32 $0x13000;
	s15 =	sor.u32 $0x3200, s18  }
0x75: {  	[tilespmem:s23], [sflag:$0x1] =	stream.indirect.gather [hbm4b:s20+s0], $0x10, s15, s0, $0xb8;
	[tilespmem:$0x1ACA0] =	vst v63  }
0x76: {  	s20 =	rddreg [dreg:$0x3];
	s23 =	simm.s32 $0x13800  }
0x77: {  	[tilespmem:s23], [sflag:$0x1] =	stream.indirect.gather [hbm4b:s20+s0], $0x1, s18, s0, $0xb8;
	[tilespmem:$0x1ACA0] =	vst v63  }
0x78: {  	s18 =	simm.s32 $0x13880;
	s23 =	rddreg [dreg:$0x10]  }
0x79: {  	[tilespmem:s18], [sflag:$0x1] =	stream.indirect.gather [hbm4b:s20+s0], $0x1, s23, s0, $0xb8;
	[tilespmem:$0x1ACA0] =	vst v63  }
0x7a: {  	s18 =	simm.s32 $0x13900;
	s23 =	rddreg [dreg:$0x11]  }
0x7b: {  	[tilespmem:s18], [sflag:$0x1] =	stream.indirect.gather [hbm4b:s20+s0], $0x1, s23, s0, $0xb8;
	[tilespmem:$0x1ACA0] =	vst v63  }
0x7c: {  	s18 =	simm.s32 $0x13980;
	s23 =	rddreg [dreg:$0x12]  }
0x7d: {  	[tilespmem:s18], [sflag:$0x1] =	stream.indirect.gather [hbm4b:s20+s0], $0x1, s23, s0, $0xb8;
	[tilespmem:$0x1ACA0] =	vst v63  }
0x7e: {  	s23 =	simm.s32 $0x13A00  }
0x7f: {  	[tilespmem:s23], [sflag:$0x1] =	stream.indirect.gather [hbm4b:s20+s0], $0x1, s24, s0, $0xb8;
	[tilespmem:$0x1ACA0] =	vst v63  }
0x80: {  	s24 =	simm.s32 $0x13A80  }
0x81: {  	[tilespmem:s24], [sflag:$0x1] =	stream.indirect.gather [hbm4b:s20+s0], $0x1, s25, s0, $0xb8;
	[tilespmem:$0x1ACA0] =	vst v63  }
0x82: {  	s23 =	simm.s32 $0x13B00  }
0x83: {  	[tilespmem:s23], [sflag:$0x1] =	stream.indirect.gather [hbm4b:s20+s0], $0x1, s26, s0, $0xb8;
	[tilespmem:$0x1ACA0] =	vst v63  }
0x84: {  	s24 =	simm.s32 $0x13B80  }
0x85: {  	[tilespmem:s24], [sflag:$0x1] =	stream.indirect.gather [hbm4b:s20+s0], $0x1, s28, s0, $0xb8;
	[tilespmem:$0x1ACA0] =	vst v63  }
0x86: {  	s25 =	simm.s32 $0x13C00  }
0x87: {  	[tilespmem:s25], [sflag:$0x1] =	stream.indirect.gather [hbm4b:s20+s0], $0x1, s29, s0, $0xb8;
	[tilespmem:$0x1ACA0] =	vst v63  }
0x88: {  	s26 =	simm.s32 $0x13C80  }
0x89: {  	[tilespmem:s26], [sflag:$0x1] =	stream.indirect.gather [hbm4b:s20+s0], $0x1, s30, s0, $0xb8;
	[tilespmem:$0x1ACA0] =	vst v63  }
0x8a: {  	s28 =	simm.s32 $0x13D00  }
0x8b: {  	[tilespmem:s28], [sflag:$0x1] =	stream.indirect.gather [hbm4b:s20+s0], $0x1, s31, s0, $0xb8;
	[tilespmem:$0x1ACA0] =	vst v63  }
0x8c: {  	s29 =	simm.s32 $0x13D80  }
0x8d: {  	[tilespmem:s29], [sflag:$0x1] =	stream.indirect.gather [hbm4b:s20+s0], $0x1, s21, s0, $0xb8;
	[tilespmem:$0x1ACA0] =	vst v63  }
0x8e: {  	s30 =	simm.s32 $0x13E00  }
0x8f: {  	[tilespmem:s30], [sflag:$0x1] =	stream.indirect.gather [hbm4b:s20+s0], $0x1, s3, s0, $0xb8;
	[tilespmem:$0x1ACA0] =	vst v63  }
0x90: {  	s31 =	simm.s32 $0x13E80  }
0x91: {  	[tilespmem:s31], [sflag:$0x1] =	stream.indirect.gather [hbm4b:s20+s0], $0x1, s2, s0, $0xb8;
	[tilespmem:$0x1ACA0] =	vst v63  }
0x92: {  	s3 =	simm.s32 $0x13F00  }
0x93: {  	[tilespmem:s3], [sflag:$0x1] =	stream.indirect.gather [hbm4b:s20+s0], $0x1, s4, s0, $0xb8;
	[tilespmem:$0x1ACA0] =	vst v63  }
0x94: {  	s4 =	simm.s32 $0x13F80  }
0x95: {  	[tilespmem:s4], [sflag:$0x1] =	stream.indirect.gather [hbm4b:s20+s0], $0x1, s11, s0, $0xb8;
	[tilespmem:$0x1ACA0] =	vst v63  }
0x96: {  	s18 =	simm.s32 $0x14000  }
0x97: {  	[tilespmem:s18], [sflag:$0x1] =	stream.indirect.gather [hbm4b:s20+s0], $0x1, s14, s0, $0xb8;
	[tilespmem:$0x1ACA0] =	vst v63  }
0x98: {  	s21 =	simm.s32 $0x14080  }
0x99: {  	[tilespmem:s21], [sflag:$0x1] =	stream.indirect.gather [hbm4b:s20+s0], $0x1, s7, s0, $0xb8;
	[tilespmem:$0x1ACA0] =	vst v63  }
0x9a: {  	s23 =	simm.s32 $0x14100  }
0x9b: {  	[tilespmem:s23], [sflag:$0x1] =	stream.indirect.gather [hbm4b:s20+s0], $0x1, s8, s0, $0xb8;
	[tilespmem:$0x1ACA0] =	vst v63  }
0x9c: {  	s24 =	simm.s32 $0x14180  }
0x9d: {  	[tilespmem:s24], [sflag:$0x1] =	stream.indirect.gather [hbm4b:s20+s0], $0x1, s9, s0, $0xb8;
	[tilespmem:$0x1ACA0] =	vst v63  }
0x9e: {  	s25 =	simm.s32 $0x14200  }
0x9f: {  	[tilespmem:s25], [sflag:$0x1] =	stream.indirect.gather [hbm4b:s20+s0], $0x1, s10, s0, $0xb8;
	[tilespmem:$0x1ACA0] =	vst v63  }
0xa0: {  	s26 =	simm.s32 $0x14280  }
0xa1: {  	[tilespmem:s26], [sflag:$0x1] =	stream.indirect.gather [hbm4b:s20+s0], $0x1, s19, s0, $0xb8;
	[tilespmem:$0x1ACA0] =	vst v63  }
0xa2: {  	s28 =	simm.s32 $0x14300  }
0xa3: {  	[tilespmem:s28], [sflag:$0x1] =	stream.indirect.gather [hbm4b:s20+s0], $0x1, s22, s0, $0xb8;
	[tilespmem:$0x1ACA0] =	vst v63  }
0xa4: {  	s29 =	simm.s32 $0x14380  }
0xa5: {  	[tilespmem:s29], [sflag:$0x1] =	stream.indirect.gather [hbm4b:s20+s0], $0x1, s1, s0, $0xb8;
	[tilespmem:$0x1ACA0] =	vst v63  }
0xa6: {  	s30 =	simm.s32 $0x14400  }
0xa7: {  	[tilespmem:s30], [sflag:$0x1] =	stream.indirect.gather [hbm4b:s20+s0], $0x1, s6, s0, $0xb8;
	[tilespmem:$0x1ACA0] =	vst v63  }
0xa8: {  	s31 =	simm.s32 $0x14480  }
0xa9: {  	[tilespmem:s31], [sflag:$0x1] =	stream.indirect.gather [hbm4b:s20+s0], $0x1, s15, s0, $0xb8;
	[tilespmem:$0x1ACA0] =	vst v63  }
0xaa: {  	s1 =	rddreg [dreg:$0xe];
	_ =	swait.ge [sflag:s5], $0x800  }
0xab: {  	[sflag:s5] =	ssyncset.done $0x0  }
0xac: {  	[sflag:s5] =	ssyncadd.s32 $0xFFFFF800  }
0xad: {  	_ =	swait.ge [sflag:s5], $0x800  }
0xae: {  	[sflag:s5] =	ssyncset.done $0x0  }
0xaf: {  	[sflag:s5] =	ssyncadd.s32 $0xFFFFF800  }
0xb0: {  	_ =	swait.ge [sflag:s5], $0x800  }
0xb1: {  	[sflag:s5] =	ssyncset.done $0x0  }
0xb2: {  	[sflag:s5] =	ssyncadd.s32 $0xFFFFF800  }
0xb3: {  	_ =	swait.ge [sflag:s5], $0x800  }
0xb4: {  	[sflag:s5] =	ssyncset.done $0x0  }
0xb5: {  	[sflag:s5] =	ssyncadd.s32 $0xFFFFF800  }
0xb6: {  	_ =	swait.ge [sflag:s5], $0x800  }
0xb7: {  	[sflag:s5] =	ssyncset.done $0x0  }
0xb8: {  	[sflag:s5] =	ssyncadd.s32 $0xFFFFF800  }
0xb9: {  	_ =	swait.ge [sflag:s5], $0x800  }
0xba: {  	[sflag:s5] =	ssyncset.done $0x0  }
0xbb: {  	[sflag:s5] =	ssyncadd.s32 $0xFFFFF800  }
0xbc: {  	_ =	swait.ge [sflag:s5], $0x800  }
0xbd: {  	[sflag:s5] =	ssyncset.done $0x0  }
0xbe: {  	[sflag:s5] =	ssyncadd.s32 $0xFFFFF800  }
0xbf: {  	_ =	swait.ge [sflag:s5], $0x800  }
0xc0: {  	[sflag:s5] =	ssyncset.done $0x0  }
0xc1: {  	[sflag:s5] =	ssyncadd.s32 $0xFFFFF800  }
0xc2: {  	_ =	swait.ge [sflag:s5], $0x800  }
0xc3: {  	[sflag:s5] =	ssyncset.done $0x0  }
0xc4: {  	[sflag:s5] =	ssyncadd.s32 $0xFFFFF800  }
0xc5: {  	_ =	swait.ge [sflag:s5], $0x800  }
0xc6: {  	[sflag:s5] =	ssyncset.done $0x0  }
0xc7: {  	[sflag:s5] =	ssyncadd.s32 $0xFFFFF800  }
0xc8: {  	_ =	swait.ge [sflag:s5], $0x800  }
0xc9: {  	[sflag:s5] =	ssyncset.done $0x0  }
0xca: {  	[sflag:s5] =	ssyncadd.s32 $0xFFFFF800  }
0xcb: {  	_ =	swait.ge [sflag:s5], $0x800  }
0xcc: {  	[sflag:s5] =	ssyncset.done $0x0  }
0xcd: {  	[sflag:s5] =	ssyncadd.s32 $0xFFFFF800  }
0xce: {  	_ =	swait.ge [sflag:s5], $0x800  }
0xcf: {  	[sflag:s5] =	ssyncset.done $0x0  }
0xd0: {  	[sflag:s5] =	ssyncadd.s32 $0xFFFFF800  }
0xd1: {  	_ =	swait.ge [sflag:s5], $0x800  }
0xd2: {  	[sflag:s5] =	ssyncset.done $0x0  }
0xd3: {  	[sflag:s5] =	ssyncadd.s32 $0xFFFFF800  }
0xd4: {  	_ =	swait.ge [sflag:s5], $0x800  }
0xd5: {  	[sflag:s5] =	ssyncset.done $0x0  }
0xd6: {  	[sflag:s5] =	ssyncadd.s32 $0xFFFFF800  }
0xd7: {  	_ =	swait.ge [sflag:s5], $0x800  }
0xd8: {  	[sflag:s5] =	ssyncset.done $0x0  }
0xd9: {  	[sflag:s5] =	ssyncadd.s32 $0xFFFFF800  }
0xda: {  	_ =	swait.ge [sflag:s5], $0x800  }
0xdb: {  	[sflag:s5] =	ssyncset.done $0x0  }
0xdc: {  	[sflag:s5] =	ssyncadd.s32 $0xFFFFF800  }
0xdd: {  	_ =	swait.ge [sflag:s5], $0x800  }
0xde: {  	[sflag:s5] =	ssyncset.done $0x0  }
0xdf: {  	[sflag:s5] =	ssyncadd.s32 $0xFFFFF800  }
0xe0: {  	_ =	swait.ge [sflag:s5], $0x800  }
0xe1: {  	[sflag:s5] =	ssyncset.done $0x0  }
0xe2: {  	[sflag:s5] =	ssyncadd.s32 $0xFFFFF800  }
0xe3: {  	_ =	swait.ge [sflag:s5], $0x800  }
0xe4: {  	[sflag:s5] =	ssyncset.done $0x0  }
0xe5: {  	[sflag:s5] =	ssyncadd.s32 $0xFFFFF800  }
0xe6: {  	_ =	swait.ge [sflag:s5], $0x800  }
0xe7: {  	[sflag:s5] =	ssyncset.done $0x0  }
0xe8: {  	[sflag:s5] =	ssyncadd.s32 $0xFFFFF800  }
0xe9: {  	_ =	swait.ge [sflag:s5], $0x800  }
0xea: {  	[sflag:s5] =	ssyncset.done $0x0  }
0xeb: {  	[sflag:s5] =	ssyncadd.s32 $0xFFFFF800  }
0xec: {  	_ =	swait.ge [sflag:s5], $0x800  }
0xed: {  	[sflag:s5] =	ssyncset.done $0x0  }
0xee: {  	[sflag:s5] =	ssyncadd.s32 $0xFFFFF800  }
0xef: {  	_ =	swait.ge [sflag:s5], $0x800  }
0xf0: {  	[sflag:s5] =	ssyncset.done $0x0  }
0xf1: {  	[sflag:s5] =	ssyncadd.s32 $0xFFFFF800  }
0xf2: {  	_ =	swait.ge [sflag:s5], $0x800  }
0xf3: {  	[sflag:s5] =	ssyncset.done $0x0  }
0xf4: {  	[sflag:s5] =	ssyncadd.s32 $0xFFFFF800  }
0xf5: {  	_ =	swait.ge [sflag:s5], $0x800  }
0xf6: {  	[sflag:s5] =	ssyncset.done $0x0  }
0xf7: {  	[sflag:s5] =	ssyncadd.s32 $0xFFFFF800  }
0xf8: {  	_ =	swait.ge [sflag:s5], $0x80  }
0xf9: {  	[sflag:s5] =	ssyncset.done $0x0  }
0xfa: {  	[sflag:s5] =	ssyncadd.s32 $0xFFFFFF80  }
0xfb: {  	_ =	swait.ge [sflag:s5], $0x80  }
0xfc: {  	[sflag:s5] =	ssyncset.done $0x0  }
0xfd: {  	[sflag:s5] =	ssyncadd.s32 $0xFFFFFF80  }
0xfe: {  	_ =	swait.ge [sflag:s5], $0x80  }
0xff: {  	[sflag:s5] =	ssyncset.done $0x0  }
0x100: {  	[sflag:s5] =	ssyncadd.s32 $0xFFFFFF80  }
0x101: {  	_ =	swait.ge [sflag:s5], $0x80  }
0x102: {  	[sflag:s5] =	ssyncset.done $0x0  }
0x103: {  	[sflag:s5] =	ssyncadd.s32 $0xFFFFFF80  }
0x104: {  	_ =	swait.ge [sflag:s5], $0x80  }
0x105: {  	[sflag:s5] =	ssyncset.done $0x0  }
0x106: {  	[sflag:s5] =	ssyncadd.s32 $0xFFFFFF80  }
0x107: {  	_ =	swait.ge [sflag:s5], $0x80  }
0x108: {  	[sflag:s5] =	ssyncset.done $0x0  }
0x109: {  	[sflag:s5] =	ssyncadd.s32 $0xFFFFFF80  }
0x10a: {  	_ =	swait.ge [sflag:s5], $0x80  }
0x10b: {  	[sflag:s5] =	ssyncset.done $0x0  }
0x10c: {  	[sflag:s5] =	ssyncadd.s32 $0xFFFFFF80  }
0x10d: {  	_ =	swait.ge [sflag:s5], $0x80  }
0x10e: {  	[sflag:s5] =	ssyncset.done $0x0  }
0x10f: {  	[sflag:s5] =	ssyncadd.s32 $0xFFFFFF80  }
0x110: {  	_ =	swait.ge [sflag:s5], $0x80  }
0x111: {  	[sflag:s5] =	ssyncset.done $0x0  }
0x112: {  	[sflag:s5] =	ssyncadd.s32 $0xFFFFFF80  }
0x113: {  	_ =	swait.ge [sflag:s5], $0x80  }
0x114: {  	[sflag:s5] =	ssyncset.done $0x0  }
0x115: {  	[sflag:s5] =	ssyncadd.s32 $0xFFFFFF80  }
0x116: {  	_ =	swait.ge [sflag:s5], $0x80  }
0x117: {  	[sflag:s5] =	ssyncset.done $0x0  }
0x118: {  	[sflag:s5] =	ssyncadd.s32 $0xFFFFFF80  }
0x119: {  	_ =	swait.ge [sflag:s5], $0x80  }
0x11a: {  	[sflag:s5] =	ssyncset.done $0x0  }
0x11b: {  	[sflag:s5] =	ssyncadd.s32 $0xFFFFFF80  }
0x11c: {  	_ =	swait.ge [sflag:s5], $0x80  }
0x11d: {  	[sflag:s5] =	ssyncset.done $0x0  }
0x11e: {  	[sflag:s5] =	ssyncadd.s32 $0xFFFFFF80  }
0x11f: {  	_ =	swait.ge [sflag:s5], $0x80  }
0x120: {  	[sflag:s5] =	ssyncset.done $0x0  }
0x121: {  	[sflag:s5] =	ssyncadd.s32 $0xFFFFFF80  }
0x122: {  	_ =	swait.ge [sflag:s5], $0x80  }
0x123: {  	[sflag:s5] =	ssyncset.done $0x0  }
0x124: {  	[sflag:s5] =	ssyncadd.s32 $0xFFFFFF80  }
0x125: {  	_ =	swait.ge [sflag:s5], $0x80  }
0x126: {  	[sflag:s5] =	ssyncset.done $0x0  }
0x127: {  	[sflag:s5] =	ssyncadd.s32 $0xFFFFFF80  }
0x128: {  	_ =	swait.ge [sflag:s5], $0x80  }
0x129: {  	[sflag:s5] =	ssyncset.done $0x0  }
0x12a: {  	[sflag:s5] =	ssyncadd.s32 $0xFFFFFF80  }
0x12b: {  	_ =	swait.ge [sflag:s5], $0x80  }
0x12c: {  	[sflag:s5] =	ssyncset.done $0x0  }
0x12d: {  	[sflag:s5] =	ssyncadd.s32 $0xFFFFFF80  }
0x12e: {  	_ =	swait.ge [sflag:s5], $0x80  }
0x12f: {  	[sflag:s5] =	ssyncset.done $0x0  }
0x130: {  	[sflag:s5] =	ssyncadd.s32 $0xFFFFFF80  }
0x131: {  	_ =	swait.ge [sflag:s5], $0x80  }
0x132: {  	[sflag:s5] =	ssyncset.done $0x0  }
0x133: {  	[sflag:s5] =	ssyncadd.s32 $0xFFFFFF80  }
0x134: {  	_ =	swait.ge [sflag:s5], $0x80  }
0x135: {  	[sflag:s5] =	ssyncset.done $0x0  }
0x136: {  	[sflag:s5] =	ssyncadd.s32 $0xFFFFFF80  }
0x137: {  	_ =	swait.ge [sflag:s5], $0x80  }
0x138: {  	[sflag:s5] =	ssyncset.done $0x0  }
0x139: {  	[sflag:s5] =	ssyncadd.s32 $0xFFFFFF80  }
0x13a: {  	_ =	swait.ge [sflag:s5], $0x80  }
0x13b: {  	[sflag:s5] =	ssyncset.done $0x0  }
0x13c: {  	[sflag:s5] =	ssyncadd.s32 $0xFFFFFF80  }
0x13d: {  	_ =	swait.ge [sflag:s5], $0x80  }
0x13e: {  	[sflag:s5] =	ssyncset.done $0x0  }
0x13f: {  	[sflag:s5] =	ssyncadd.s32 $0xFFFFFF80  }
0x140: {  	_ =	swait.ge [sflag:s5], $0x80  }
0x141: {  	[sflag:s5] =	ssyncset.done $0x0  }
0x142: {  	[sflag:s5] =	ssyncadd.s32 $0xFFFFFF80  }
0x143: {  	_ =	swait.ge [sflag:s5], $0x80  }
0x144: {  	[sflag:s5] =	ssyncset.done $0x0  }
0x145: {  	s20 =	simm.s32 $0x0;
	[sflag:s5] =	ssyncadd.s32 $0xFFFFFF80  }
0x146: {  	v1 =	vld [tilespmem:s20+$0x6800];
	_ =	sdelay $0x1  }
0x147: {  	v2 =	vld [tilespmem:s20+$0x7000];
	_ =	sdelay $0x1  }
0x148: {  	v3 =	vld [tilespmem:s20+$0x7800]  }
0x149: {  	v4 =	vadd.f32 $0.0e+00, v1  }
0x14a: {  	v5 =	vld [tilespmem:s20+$0x8000]  }
0x14b: {  	v1 =	vmul.f32 v1, v1;
	v4 =	vadd.f32 v2, v4;
	v2 =	vmul.f32 v2, v2  }
0x14c: {  	v6 =	vld [tilespmem:s20+$0x8800]  }
0x14d: {  	v1 =	vadd.f32 v2, v1;
	v2 =	vadd.f32 v3, v4;
	v3 =	vmul.f32 v3, v3  }
0x14e: {  	v43 =	vld [tilespmem:s20+$0x9000]  }
0x14f: {  	v1 =	vadd.f32 v3, v1;
	v2 =	vadd.f32 v5, v2;
	v3 =	vmul.f32 v5, v5  }
0x150: {  	v44 =	vld [tilespmem:s20+$0x9800]  }
0x151: {  	v1 =	vadd.f32 v3, v1;
	v2 =	vadd.f32 v6, v2;
	v3 =	vmul.f32 v6, v6  }
0x152: {  	v45 =	vld [tilespmem:s20+$0xA000]  }
0x153: {  	v1 =	vadd.f32 v3, v1;
	v2 =	vadd.f32 v43, v2;
	v3 =	vmul.f32 v43, v43  }
0x154: {  	v46 =	vld [tilespmem:s20+$0xA800]  }
0x155: {  	v1 =	vadd.f32 v3, v1;
	v2 =	vadd.f32 v44, v2;
	v3 =	vmul.f32 v44, v44  }
0x156: {  	v47 =	vld [tilespmem:s20+$0xB000]  }
0x157: {  	v1 =	vadd.f32 v3, v1;
	v2 =	vadd.f32 v45, v2;
	v3 =	vmul.f32 v45, v45  }
0x158: {  	v48 =	vld [tilespmem:s20+$0xB800]  }
0x159: {  	v1 =	vadd.f32 v3, v1;
	v2 =	vadd.f32 v46, v2;
	v3 =	vmul.f32 v46, v46  }
0x15a: {  	v49 =	vld [tilespmem:s20+$0xC000]  }
0x15b: {  	v1 =	vadd.f32 v3, v1;
	v2 =	vadd.f32 v47, v2;
	v3 =	vmul.f32 v47, v47  }
0x15c: {  	v50 =	vld [tilespmem:s20+$0xC800]  }
0x15d: {  	v1 =	vadd.f32 v3, v1;
	v2 =	vadd.f32 v48, v2;
	v3 =	vmul.f32 v48, v48  }
0x15e: {  	v51 =	vld [tilespmem:s20+$0xD000]  }
0x15f: {  	v1 =	vadd.f32 v3, v1;
	v2 =	vadd.f32 v49, v2;
	v3 =	vmul.f32 v49, v49  }
0x160: {  	v52 =	vld [tilespmem:s20+$0xD800]  }
0x161: {  	v1 =	vadd.f32 v3, v1;
	v2 =	vadd.f32 v50, v2;
	v3 =	vmul.f32 v50, v50  }
0x162: {  	v53 =	vld [tilespmem:s20+$0xE000]  }
0x163: {  	v1 =	vadd.f32 v3, v1;
	v2 =	vadd.f32 v51, v2;
	v3 =	vmul.f32 v51, v51  }
0x164: {  	v54 =	vld [tilespmem:s20+$0xE800]  }
0x165: {  	v1 =	vadd.f32 v3, v1;
	v2 =	vadd.f32 v52, v2;
	v3 =	vmul.f32 v52, v52  }
0x166: {  	v55 =	vld [tilespmem:s20+$0xF000]  }
0x167: {  	v1 =	vadd.f32 v3, v1;
	v2 =	vadd.f32 v53, v2;
	v3 =	vmul.f32 v53, v53  }
0x168: {  	v56 =	vld [tilespmem:s20+$0xF800]  }
0x169: {  	v1 =	vadd.f32 v3, v1;
	v2 =	vadd.f32 v54, v2;
	v3 =	vmul.f32 v54, v54  }
0x16a: {  	v57 =	vld [tilespmem:s20+$0x10000]  }
0x16b: {  	v1 =	vadd.f32 v3, v1;
	v2 =	vadd.f32 v55, v2;
	v3 =	vmul.f32 v55, v55  }
0x16c: {  	v58 =	vld [tilespmem:s20+$0x10800]  }
0x16d: {  	v1 =	vadd.f32 v3, v1;
	v2 =	vadd.f32 v56, v2;
	v3 =	vmul.f32 v56, v56  }
0x16e: {  	v59 =	vld [tilespmem:s20+$0x11000]  }
0x16f: {  	v1 =	vadd.f32 v3, v1;
	v2 =	vadd.f32 v57, v2;
	v3 =	vmul.f32 v57, v57  }
0x170: {  	v60 =	vld [tilespmem:s20+$0x11800]  }
0x171: {  	v1 =	vadd.f32 v3, v1;
	v2 =	vadd.f32 v58, v2;
	v3 =	vmul.f32 v58, v58  }
0x172: {  	v61 =	vld [tilespmem:s20+$0x12000]  }
0x173: {  	v1 =	vadd.f32 v3, v1;
	v2 =	vadd.f32 v59, v2;
	v3 =	vmul.f32 v59, v59  }
0x174: {  	v62 =	vld [tilespmem:s20+$0x12800]  }
0x175: {  	v1 =	vadd.f32 v3, v1;
	v2 =	vadd.f32 v60, v2;
	v3 =	vmul.f32 v60, v60  }
0x176: {  	v63 =	vld [tilespmem:s20+$0x13000]  }
0x177: {  	v1 =	vadd.f32 v3, v1;
	v2 =	vadd.f32 v61, v2;
	v3 =	vmul.f32 v61, v61;
	_ =	sdelay $0x1  }
0x178: {  	v1 =	vadd.f32 v3, v1;
	v2 =	vadd.f32 v62, v2;
	v3 =	vmul.f32 v62, v62;
	_ =	sdelay $0x1  }
0x179: {  	v1 =	vadd.f32 v3, v1;
	v2 =	vadd.f32 v63, v2;
	v3 =	vmul.f32 v63, v63;
	_ =	sdelay $0x1  }
0x17a: {  	v1 =	vadd.f32 v3, v1;
	v2 =	vmul.f32 v2, v2  }
0x17b: {  	v3 =	vmov s1  }
0x17c: {  	v1 =	vsub.f32 v2, v1;
	_ =	sdelay $0x1  }
0x17d: {  	v1 =	vmul.f32 $5.000000000e-01, v1  }
0x17e: {  	s21 =	simm.s32 $0x40  }
0x17f: {  	s23 =	simm.s32 $0x10;
	s24 =	simm.s32 $0x80;
	s18 =	smov.u32 s1;
	[tilespmem:v3+s12+$0x0] =	vst.idx.add.f32.msk $0xffff, v1  }
.LBB2_3:
0x180: {  	p0 =	sne.s32 s24, $0x1FC0;
	v1 =	vld [tilespmem:s23+$0x6800];
	_ =	sdelay $0x1  }
0x181: {  	v2 =	vld [tilespmem:s23+$0x7000];
	_ =	sdelay $0x1  }
0x182: {  	v3 =	vld [tilespmem:s23+$0x7800]  }
0x183: {  	v4 =	vadd.f32 $0.0e+00, v1  }
0x184: {  	v5 =	vld [tilespmem:s23+$0x8000]  }
0x185: {  	v1 =	vmul.f32 v1, v1;
	v4 =	vadd.f32 v2, v4;
	v2 =	vmul.f32 v2, v2  }
0x186: {  	v6 =	vld [tilespmem:s23+$0x8800]  }
0x187: {  	v1 =	vadd.f32 v2, v1;
	v2 =	vadd.f32 v3, v4;
	v3 =	vmul.f32 v3, v3  }
0x188: {  	v4 =	vld [tilespmem:s23+$0x9000]  }
0x189: {  	v1 =	vadd.f32 v3, v1;
	v2 =	vadd.f32 v5, v2;
	v3 =	vmul.f32 v5, v5  }
0x18a: {  	v5 =	vld [tilespmem:s23+$0x9800]  }
0x18b: {  	v1 =	vadd.f32 v3, v1;
	v2 =	vadd.f32 v6, v2;
	v3 =	vmul.f32 v6, v6  }
0x18c: {  	v6 =	vld [tilespmem:s23+$0xA000]  }
0x18d: {  	v1 =	vadd.f32 v3, v1;
	v2 =	vadd.f32 v4, v2;
	v3 =	vmul.f32 v4, v4  }
0x18e: {  	v4 =	vld [tilespmem:s23+$0xA800]  }
0x18f: {  	v1 =	vadd.f32 v3, v1;
	v2 =	vadd.f32 v5, v2;
	v3 =	vmul.f32 v5, v5  }
0x190: {  	v5 =	vld [tilespmem:s23+$0xB000]  }
0x191: {  	v1 =	vadd.f32 v3, v1;
	v2 =	vadd.f32 v6, v2;
	v3 =	vmul.f32 v6, v6  }
0x192: {  	v6 =	vld [tilespmem:s23+$0xB800]  }
0x193: {  	v1 =	vadd.f32 v3, v1;
	v2 =	vadd.f32 v4, v2;
	v3 =	vmul.f32 v4, v4  }
0x194: {  	v4 =	vld [tilespmem:s23+$0xC000]  }
0x195: {  	v1 =	vadd.f32 v3, v1;
	v2 =	vadd.f32 v5, v2;
	v3 =	vmul.f32 v5, v5  }
0x196: {  	v5 =	vld [tilespmem:s23+$0xC800]  }
0x197: {  	v1 =	vadd.f32 v3, v1;
	v2 =	vadd.f32 v6, v2;
	v3 =	vmul.f32 v6, v6  }
0x198: {  	v6 =	vld [tilespmem:s23+$0xD000]  }
0x199: {  	v1 =	vadd.f32 v3, v1;
	v2 =	vadd.f32 v4, v2;
	v3 =	vmul.f32 v4, v4  }
0x19a: {  	v4 =	vld [tilespmem:s23+$0xD800]  }
0x19b: {  	v1 =	vadd.f32 v3, v1;
	v2 =	vadd.f32 v5, v2;
	v3 =	vmul.f32 v5, v5  }
0x19c: {  	v5 =	vld [tilespmem:s23+$0xE000]  }
0x19d: {  	v1 =	vadd.f32 v3, v1;
	v2 =	vadd.f32 v6, v2;
	v3 =	vmul.f32 v6, v6  }
0x19e: {  	v6 =	vld [tilespmem:s23+$0xE800]  }
0x19f: {  	v1 =	vadd.f32 v3, v1;
	v2 =	vadd.f32 v4, v2;
	v3 =	vmul.f32 v4, v4  }
0x1a0: {  	v4 =	vld [tilespmem:s23+$0xF000]  }
0x1a1: {  	v1 =	vadd.f32 v3, v1;
	v2 =	vadd.f32 v5, v2;
	v3 =	vmul.f32 v5, v5  }
0x1a2: {  	v5 =	vld [tilespmem:s23+$0xF800]  }
0x1a3: {  	v1 =	vadd.f32 v3, v1;
	v2 =	vadd.f32 v6, v2;
	v3 =	vmul.f32 v6, v6  }
0x1a4: {  	v6 =	vld [tilespmem:s23+$0x10000]  }
0x1a5: {  	v1 =	vadd.f32 v3, v1;
	v2 =	vadd.f32 v4, v2;
	v3 =	vmul.f32 v4, v4  }
0x1a6: {  	v4 =	vld [tilespmem:s23+$0x10800]  }
0x1a7: {  	v1 =	vadd.f32 v3, v1;
	v2 =	vadd.f32 v5, v2;
	v3 =	vmul.f32 v5, v5  }
0x1a8: {  	v5 =	vld [tilespmem:s23+$0x11000]  }
0x1a9: {  	v1 =	vadd.f32 v3, v1;
	v2 =	vadd.f32 v6, v2;
	v3 =	vmul.f32 v6, v6  }
0x1aa: {  	v6 =	vld [tilespmem:s23+$0x11800]  }
0x1ab: {  	v1 =	vadd.f32 v3, v1;
	v2 =	vadd.f32 v4, v2;
	v3 =	vmul.f32 v4, v4  }
0x1ac: {  	v4 =	vld [tilespmem:s23+$0x12000]  }
0x1ad: {  	v1 =	vadd.f32 v3, v1;
	v2 =	vadd.f32 v5, v2;
	v3 =	vmul.f32 v5, v5  }
0x1ae: {  	v5 =	vld [tilespmem:s23+$0x12800]  }
0x1af: {  	v1 =	vadd.f32 v3, v1;
	v2 =	vadd.f32 v6, v2;
	v3 =	vmul.f32 v6, v6  }
0x1b0: {  	v6 =	vld [tilespmem:s23+$0x13000]  }
0x1b1: {  	v1 =	vadd.f32 v3, v1;
	v2 =	vadd.f32 v4, v2;
	v3 =	vmul.f32 v4, v4;
	_ =	sdelay $0x1  }
0x1b2: {  	v1 =	vadd.f32 v3, v1;
	v2 =	vadd.f32 v5, v2;
	v3 =	vmul.f32 v5, v5;
	_ =	sdelay $0x1  }
0x1b3: {  	v1 =	vadd.f32 v3, v1;
	v2 =	vadd.f32 v6, v2;
	v3 =	vmul.f32 v6, v6;
	_ =	sdelay $0x1  }
0x1b4: {  	s18 =	sadd.s32 $0x1, s18;
	v1 =	vadd.f32 v3, v1;
	v2 =	vmul.f32 v2, v2  }
0x1b5: {  	v3 =	vmov s18  }
.Ltmp0:
0x1b6: {  	v1 =	vsub.f32 v2, v1;
	(pc) =	sbr.rel @p0 .LBB2_3-.Ltmp0, $3  }
0x1b7: {  	_ = 	snop  }
0x1b8: {  	v1 =	vmul.f32 $5.000000000e-01, v1;
	_ =	sdelay $0x1  }
0x1b9: {  	s23 =	sshra.s32 s24, $0x2;
	s24 =	sadd.s32 $0x40, s24;
	[tilespmem:v3+s12+$0x0] =	vst.idx.add.f32.msk $0xffff, v1  }
0x1ba: {  	v1 =	vld [tilespmem:s23+$0x6800];
	_ =	sdelay $0x1  }
0x1bb: {  	v2 =	vld [tilespmem:s23+$0x7000];
	_ =	sdelay $0x1  }
0x1bc: {  	v3 =	vld [tilespmem:s23+$0x7800]  }
0x1bd: {  	v4 =	vadd.f32 $0.0e+00, v1  }
0x1be: {  	v5 =	vld [tilespmem:s23+$0x8000]  }
0x1bf: {  	v1 =	vmul.f32 v1, v1;
	v4 =	vadd.f32 v2, v4;
	v2 =	vmul.f32 v2, v2  }
0x1c0: {  	v6 =	vld [tilespmem:s23+$0x8800]  }
0x1c1: {  	v1 =	vadd.f32 v2, v1;
	v2 =	vadd.f32 v3, v4;
	v3 =	vmul.f32 v3, v3  }
0x1c2: {  	v43 =	vld [tilespmem:s23+$0x9000]  }
0x1c3: {  	v1 =	vadd.f32 v3, v1;
	v2 =	vadd.f32 v5, v2;
	v3 =	vmul.f32 v5, v5  }
0x1c4: {  	v44 =	vld [tilespmem:s23+$0x9800]  }
0x1c5: {  	v1 =	vadd.f32 v3, v1;
	v2 =	vadd.f32 v6, v2;
	v3 =	vmul.f32 v6, v6  }
0x1c6: {  	v45 =	vld [tilespmem:s23+$0xA000]  }
0x1c7: {  	v1 =	vadd.f32 v3, v1;
	v2 =	vadd.f32 v43, v2;
	v3 =	vmul.f32 v43, v43  }
0x1c8: {  	v46 =	vld [tilespmem:s23+$0xA800]  }
0x1c9: {  	v1 =	vadd.f32 v3, v1;
	v2 =	vadd.f32 v44, v2;
	v3 =	vmul.f32 v44, v44  }
0x1ca: {  	v47 =	vld [tilespmem:s23+$0xB000]  }
0x1cb: {  	v1 =	vadd.f32 v3, v1;
	v2 =	vadd.f32 v45, v2;
	v3 =	vmul.f32 v45, v45  }
0x1cc: {  	v48 =	vld [tilespmem:s23+$0xB800]  }
0x1cd: {  	v1 =	vadd.f32 v3, v1;
	v2 =	vadd.f32 v46, v2;
	v3 =	vmul.f32 v46, v46  }
0x1ce: {  	v49 =	vld [tilespmem:s23+$0xC000]  }
0x1cf: {  	v1 =	vadd.f32 v3, v1;
	v2 =	vadd.f32 v47, v2;
	v3 =	vmul.f32 v47, v47  }
0x1d0: {  	v50 =	vld [tilespmem:s23+$0xC800]  }
0x1d1: {  	v1 =	vadd.f32 v3, v1;
	v2 =	vadd.f32 v48, v2;
	v3 =	vmul.f32 v48, v48  }
0x1d2: {  	v51 =	vld [tilespmem:s23+$0xD000]  }
0x1d3: {  	v1 =	vadd.f32 v3, v1;
	v2 =	vadd.f32 v49, v2;
	v3 =	vmul.f32 v49, v49  }
0x1d4: {  	v52 =	vld [tilespmem:s23+$0xD800]  }
0x1d5: {  	v1 =	vadd.f32 v3, v1;
	v2 =	vadd.f32 v50, v2;
	v3 =	vmul.f32 v50, v50  }
0x1d6: {  	v53 =	vld [tilespmem:s23+$0xE000]  }
0x1d7: {  	v1 =	vadd.f32 v3, v1;
	v2 =	vadd.f32 v51, v2;
	v3 =	vmul.f32 v51, v51  }
0x1d8: {  	v54 =	vld [tilespmem:s23+$0xE800]  }
0x1d9: {  	v1 =	vadd.f32 v3, v1;
	v2 =	vadd.f32 v52, v2;
	v3 =	vmul.f32 v52, v52  }
0x1da: {  	v55 =	vld [tilespmem:s23+$0xF000]  }
0x1db: {  	v1 =	vadd.f32 v3, v1;
	v2 =	vadd.f32 v53, v2;
	v3 =	vmul.f32 v53, v53  }
0x1dc: {  	v56 =	vld [tilespmem:s23+$0xF800]  }
0x1dd: {  	v1 =	vadd.f32 v3, v1;
	v2 =	vadd.f32 v54, v2;
	v3 =	vmul.f32 v54, v54  }
0x1de: {  	v57 =	vld [tilespmem:s23+$0x10000]  }
0x1df: {  	v1 =	vadd.f32 v3, v1;
	v2 =	vadd.f32 v55, v2;
	v3 =	vmul.f32 v55, v55  }
0x1e0: {  	v58 =	vld [tilespmem:s23+$0x10800]  }
0x1e1: {  	v1 =	vadd.f32 v3, v1;
	v2 =	vadd.f32 v56, v2;
	v3 =	vmul.f32 v56, v56  }
0x1e2: {  	v59 =	vld [tilespmem:s23+$0x11000]  }
0x1e3: {  	v1 =	vadd.f32 v3, v1;
	v2 =	vadd.f32 v57, v2;
	v3 =	vmul.f32 v57, v57  }
0x1e4: {  	v60 =	vld [tilespmem:s23+$0x11800]  }
0x1e5: {  	v1 =	vadd.f32 v3, v1;
	v2 =	vadd.f32 v58, v2;
	v3 =	vmul.f32 v58, v58  }
0x1e6: {  	v61 =	vld [tilespmem:s23+$0x12000]  }
0x1e7: {  	v1 =	vadd.f32 v3, v1;
	v2 =	vadd.f32 v59, v2;
	v3 =	vmul.f32 v59, v59  }
0x1e8: {  	v62 =	vld [tilespmem:s23+$0x12800]  }
0x1e9: {  	v1 =	vadd.f32 v3, v1;
	v2 =	vadd.f32 v60, v2;
	v3 =	vmul.f32 v60, v60  }
0x1ea: {  	v63 =	vld [tilespmem:s23+$0x13000]  }
0x1eb: {  	v1 =	vadd.f32 v3, v1;
	v2 =	vadd.f32 v61, v2;
	v3 =	vmul.f32 v61, v61;
	_ =	sdelay $0x1  }
0x1ec: {  	v1 =	vadd.f32 v3, v1;
	v2 =	vadd.f32 v62, v2;
	v3 =	vmul.f32 v62, v62;
	_ =	sdelay $0x1  }
0x1ed: {  	v1 =	vadd.f32 v3, v1;
	v2 =	vadd.f32 v63, v2;
	v3 =	vmul.f32 v63, v63;
	_ =	sdelay $0x1  }
0x1ee: {  	s0 =	sadd.s32 $0x1, s18;
	v1 =	vadd.f32 v3, v1;
	v2 =	vmul.f32 v2, v2  }
0x1ef: {  	v3 =	vmov s0  }
0x1f0: {  	v1 =	vsub.f32 v2, v1;
	_ =	sdelay $0x1  }
0x1f1: {  	v1 =	vmul.f32 $5.000000000e-01, v1;
	_ =	sdelay $0x1  }
0x1f2: {  	[tilespmem:v3+s12+$0x0] =	vst.idx.add.f32.msk $0xffff, v1  }
.LBB2_5:
0x1f3: {  	p0 =	sne.s32 s21, $0x1C0;
	v1 =	vld [tilespmem:s20+$0x13800];
	_ =	sdelay $0x1  }
0x1f4: {  	v2 =	vld [tilespmem:s20+$0x13880];
	_ =	sdelay $0x1  }
0x1f5: {  	v3 =	vld [tilespmem:s20+$0x13900]  }
0x1f6: {  	v1 =	vadd.f32 $0.0e+00, v1  }
0x1f7: {  	v4 =	vld [tilespmem:s20+$0x13980]  }
0x1f8: {  	v1 =	vadd.f32 v2, v1  }
0x1f9: {  	v2 =	vld [tilespmem:s20+$0x13A00]  }
0x1fa: {  	v1 =	vadd.f32 v3, v1  }
0x1fb: {  	v3 =	vld [tilespmem:s20+$0x13A80]  }
0x1fc: {  	v1 =	vadd.f32 v4, v1  }
0x1fd: {  	v4 =	vld [tilespmem:s20+$0x13B00]  }
0x1fe: {  	v1 =	vadd.f32 v2, v1  }
0x1ff: {  	v2 =	vld [tilespmem:s20+$0x13B80]  }
0x200: {  	v1 =	vadd.f32 v3, v1  }
0x201: {  	v3 =	vld [tilespmem:s20+$0x13C00]  }
0x202: {  	v1 =	vadd.f32 v4, v1  }
0x203: {  	v4 =	vld [tilespmem:s20+$0x13C80]  }
0x204: {  	v1 =	vadd.f32 v2, v1  }
0x205: {  	v2 =	vld [tilespmem:s20+$0x13D00]  }
0x206: {  	v1 =	vadd.f32 v3, v1  }
0x207: {  	v3 =	vld [tilespmem:s20+$0x13D80]  }
0x208: {  	v1 =	vadd.f32 v4, v1  }
0x209: {  	v4 =	vld [tilespmem:s20+$0x13E00]  }
0x20a: {  	v1 =	vadd.f32 v2, v1  }
0x20b: {  	v2 =	vld [tilespmem:s20+$0x13E80]  }
0x20c: {  	v1 =	vadd.f32 v3, v1  }
0x20d: {  	v3 =	vld [tilespmem:s20+$0x13F00]  }
0x20e: {  	v1 =	vadd.f32 v4, v1  }
0x20f: {  	v4 =	vld [tilespmem:s20+$0x13F80]  }
0x210: {  	v1 =	vadd.f32 v2, v1  }
0x211: {  	v2 =	vld [tilespmem:s20+$0x14000]  }
0x212: {  	v1 =	vadd.f32 v3, v1  }
0x213: {  	v3 =	vld [tilespmem:s20+$0x14080]  }
0x214: {  	v1 =	vadd.f32 v4, v1  }
0x215: {  	v4 =	vld [tilespmem:s20+$0x14100]  }
0x216: {  	v1 =	vadd.f32 v2, v1  }
0x217: {  	v2 =	vld [tilespmem:s20+$0x14180]  }
0x218: {  	v1 =	vadd.f32 v3, v1  }
0x219: {  	s18 =	sadd.s32 s20, s16;
	v3 =	vld [tilespmem:s20+$0x14200]  }
0x21a: {  	v1 =	vadd.f32 v4, v1;
	v4 =	vld [tilespmem:s18+$0xFFFFEE00]  }
0x21b: {  	v5 =	vld [tilespmem:s20+$0x14280]  }
0x21c: {  	v1 =	vadd.f32 v2, v1;
	v2 =	vld [tilespmem:s18+$0xFFFFE600]  }
0x21d: {  	v6 =	vld [tilespmem:s20+$0x14300]  }
0x21e: {  	v1 =	vadd.f32 v3, v1;
	v3 =	vld [tilespmem:s18+$0xFFFFE800]  }
0x21f: {  	v7 =	vld [tilespmem:s20+$0x14380]  }
0x220: {  	v1 =	vadd.f32 v5, v1;
	v5 =	vld [tilespmem:s18+$0xFFFFEA00]  }
0x221: {  	v8 =	vld [tilespmem:s20+$0x14400]  }
0x222: {  	v1 =	vadd.f32 v6, v1;
	v6 =	vld [tilespmem:s18+$0xFFFFEC00]  }
0x223: {  	v9 =	vld [tilespmem:s20+$0x14480]  }
0x224: {  	v1 =	vadd.f32 v7, v1;
	v2 =	vld.idx.msk [tilespmem:v2+s13+$0x0], $0xffff  }
0x225: {  	v7 =	vld [tilespmem:s18+$0xFFFFF000]  }
0x226: {  	v1 =	vadd.f32 v8, v1;
	v3 =	vld.idx.msk [tilespmem:v3+s13+$0x0], $0xffff  }
0x227: {  	v8 =	vld [tilespmem:s18+$0xFFFFF200]  }
0x228: {  	v1 =	vadd.f32 v9, v1;
	v5 =	vld.idx.msk [tilespmem:v5+s13+$0x0], $0xffff  }
0x229: {  	v9 =	vld [tilespmem:s18+$0xFFFFF400]  }
0x22a: {  	v1 =	vadd.f32 v2, v1;
	v2 =	vld.idx.msk [tilespmem:v6+s13+$0x0], $0xffff  }
0x22b: {  	v6 =	vld [tilespmem:s18+$0xFFFFF600]  }
0x22c: {  	v1 =	vadd.f32 v3, v1;
	v3 =	vld.idx.msk [tilespmem:v4+s13+$0x0], $0xffff  }
0x22d: {  	v4 =	vld [tilespmem:s18+$0xFFFFF800]  }
0x22e: {  	v1 =	vadd.f32 v5, v1;
	v5 =	vld.idx.msk [tilespmem:v7+s13+$0x0], $0xffff  }
0x22f: {  	v7 =	vld [tilespmem:s18+$0xFFFFFA00]  }
0x230: {  	v1 =	vadd.f32 v2, v1;
	v2 =	vld.idx.msk [tilespmem:v8+s13+$0x0], $0xffff  }
0x231: {  	v8 =	vld [tilespmem:s18+$0xFFFFFC00]  }
0x232: {  	v1 =	vadd.f32 v3, v1;
	v3 =	vld.idx.msk [tilespmem:v9+s13+$0x0], $0xffff  }
0x233: {  	v9 =	vld [tilespmem:s18+$0xFFFFFE00]  }
0x234: {  	v1 =	vadd.f32 v5, v1;
	v5 =	vld.idx.msk [tilespmem:v6+s13+$0x0], $0xffff  }
0x235: {  	v6 =	vld [tilespmem:s18+$0x0]  }
0x236: {  	v1 =	vadd.f32 v2, v1;
	v2 =	vld.idx.msk [tilespmem:v4+s13+$0x0], $0xffff  }
0x237: {  	v4 =	vld [tilespmem:s18+$0x200]  }
0x238: {  	v1 =	vadd.f32 v3, v1;
	v3 =	vld.idx.msk [tilespmem:v7+s13+$0x0], $0xffff  }
0x239: {  	v7 =	vld [tilespmem:s18+$0x400]  }
0x23a: {  	v1 =	vadd.f32 v5, v1;
	v5 =	vld.idx.msk [tilespmem:v8+s13+$0x0], $0xffff  }
0x23b: {  	v8 =	vld [tilespmem:s18+$0x600]  }
0x23c: {  	v1 =	vadd.f32 v2, v1;
	v2 =	vld.idx.msk [tilespmem:v9+s13+$0x0], $0xffff  }
0x23d: {  	v9 =	vld [tilespmem:s18+$0x800]  }
0x23e: {  	v1 =	vadd.f32 v3, v1;
	v3 =	vld.idx.msk [tilespmem:v6+s13+$0x0], $0xffff  }
0x23f: {  	v6 =	vld [tilespmem:s18+$0xA00]  }
0x240: {  	v1 =	vadd.f32 v5, v1;
	v4 =	vld.idx.msk [tilespmem:v4+s13+$0x0], $0xffff  }
0x241: {  	v5 =	vld [tilespmem:s18+$0xC00]  }
0x242: {  	v1 =	vadd.f32 v2, v1;
	v2 =	vld.idx.msk [tilespmem:v7+s13+$0x0], $0xffff  }
0x243: {  	v7 =	vld [tilespmem:s18+$0xE00]  }
0x244: {  	v1 =	vadd.f32 v3, v1;
	v3 =	vld.idx.msk [tilespmem:v8+s13+$0x0], $0xffff  }
0x245: {  	v8 =	vld [tilespmem:s18+$0x1000]  }
0x246: {  	v1 =	vadd.f32 v4, v1;
	v4 =	vld.idx.msk [tilespmem:v9+s13+$0x0], $0xffff  }
0x247: {  	v9 =	vld [tilespmem:s18+$0x1200]  }
0x248: {  	v1 =	vadd.f32 v2, v1;
	v2 =	vld.idx.msk [tilespmem:v6+s13+$0x0], $0xffff  }
0x249: {  	v6 =	vld [tilespmem:s18+$0x1400]  }
0x24a: {  	v1 =	vadd.f32 v3, v1;
	v3 =	vld.idx.msk [tilespmem:v5+s13+$0x0], $0xffff  }
0x24b: {  	v5 =	vld [tilespmem:s18+$0x1600]  }
0x24c: {  	v1 =	vadd.f32 v4, v1;
	v4 =	vld.idx.msk [tilespmem:v7+s13+$0x0], $0xffff  }
0x24d: {  	v7 =	vld [tilespmem:s18+$0x1800]  }
0x24e: {  	v1 =	vadd.f32 v2, v1;
	v2 =	vld.idx.msk [tilespmem:v8+s13+$0x0], $0xffff;
	_ =	sdelay $0x1  }
0x24f: {  	v1 =	vadd.f32 v3, v1;
	v3 =	vld.idx.msk [tilespmem:v9+s13+$0x0], $0xffff;
	_ =	sdelay $0x1  }
0x250: {  	v1 =	vadd.f32 v4, v1;
	v4 =	vld.idx.msk [tilespmem:v6+s13+$0x0], $0xffff;
	_ =	sdelay $0x1  }
0x251: {  	v1 =	vadd.f32 v2, v1;
	v2 =	vld.idx.msk [tilespmem:v5+s13+$0x0], $0xffff;
	_ =	sdelay $0x1  }
0x252: {  	v1 =	vadd.f32 v3, v1;
	v3 =	vld.idx.msk [tilespmem:v7+s13+$0x0], $0xffff;
	_ =	sdelay $0x1  }
0x253: {  	s0 =	sadd.s32 s20, s17;
	v1 =	vadd.f32 v4, v1  }
0x254: {  	v4 =	vld [tilespmem:s0+$0x0]  }
0x255: {  	v1 =	vadd.f32 v2, v1;
	_ =	sdelay $0x1  }
.Ltmp1:
0x256: {  	v1 =	vadd.f32 v3, v1;
	(pc) =	sbr.rel @p0 .LBB2_5-.Ltmp1, $3  }
0x257: {  	_ = 	snop  }
0x258: {  	v1 =	vadd.f32 v1, v4;
	_ =	sdelay $0x1  }
0x259: {  	s20 =	sshra.s32 s21, $0x2;
	s21 =	sadd.s32 $0x40, s21;
	[tilespmem:s0+$0x0] =	vst v1  }
0x25a: {  	v1 =	vld [tilespmem:s20+$0x13800];
	_ =	sdelay $0x1  }
0x25b: {  	v2 =	vld [tilespmem:s20+$0x13880];
	_ =	sdelay $0x1  }
0x25c: {  	v3 =	vld [tilespmem:s20+$0x13900]  }
0x25d: {  	v1 =	vadd.f32 $0.0e+00, v1  }
0x25e: {  	v4 =	vld [tilespmem:s20+$0x13980]  }
0x25f: {  	v1 =	vadd.f32 v2, v1  }
0x260: {  	v2 =	vld [tilespmem:s20+$0x13A00]  }
0x261: {  	v1 =	vadd.f32 v3, v1  }
0x262: {  	v3 =	vld [tilespmem:s20+$0x13A80]  }
0x263: {  	v1 =	vadd.f32 v4, v1  }
0x264: {  	v27 =	vld [tilespmem:s20+$0x13B00]  }
0x265: {  	v1 =	vadd.f32 v2, v1  }
0x266: {  	v2 =	vld [tilespmem:s20+$0x13B80]  }
0x267: {  	v1 =	vadd.f32 v3, v1  }
0x268: {  	v3 =	vld [tilespmem:s20+$0x13C00]  }
0x269: {  	v1 =	vadd.f32 v27, v1  }
0x26a: {  	v28 =	vld [tilespmem:s20+$0x13C80]  }
0x26b: {  	v1 =	vadd.f32 v2, v1  }
0x26c: {  	v2 =	vld [tilespmem:s20+$0x13D00]  }
0x26d: {  	v1 =	vadd.f32 v3, v1  }
0x26e: {  	v3 =	vld [tilespmem:s20+$0x13D80]  }
0x26f: {  	v1 =	vadd.f32 v28, v1  }
0x270: {  	v29 =	vld [tilespmem:s20+$0x13E00]  }
0x271: {  	v1 =	vadd.f32 v2, v1  }
0x272: {  	v2 =	vld [tilespmem:s20+$0x13E80]  }
0x273: {  	v1 =	vadd.f32 v3, v1  }
0x274: {  	v3 =	vld [tilespmem:s20+$0x13F00]  }
0x275: {  	v1 =	vadd.f32 v29, v1  }
0x276: {  	v30 =	vld [tilespmem:s20+$0x13F80]  }
0x277: {  	v1 =	vadd.f32 v2, v1  }
0x278: {  	v2 =	vld [tilespmem:s20+$0x14000]  }
0x279: {  	v1 =	vadd.f32 v3, v1  }
0x27a: {  	v3 =	vld [tilespmem:s20+$0x14080]  }
0x27b: {  	v1 =	vadd.f32 v30, v1  }
0x27c: {  	v31 =	vld [tilespmem:s20+$0x14100]  }
0x27d: {  	v1 =	vadd.f32 v2, v1  }
0x27e: {  	v2 =	vld [tilespmem:s20+$0x14180]  }
0x27f: {  	v1 =	vadd.f32 v3, v1  }
0x280: {  	v3 =	vld [tilespmem:s20+$0x14200]  }
0x281: {  	v1 =	vadd.f32 v31, v1  }
0x282: {  	v32 =	vld [tilespmem:s20+$0x14280]  }
0x283: {  	s18 =	sadd.s32 s20, s16;
	v5 =	vld [tilespmem:s20+$0x14300];
	v1 =	vadd.f32 v2, v1  }
0x284: {  	v2 =	vld [tilespmem:s18+$0xFFFFE600]  }
0x285: {  	v6 =	vld [tilespmem:s20+$0x14380];
	v1 =	vadd.f32 v3, v1  }
0x286: {  	v3 =	vld [tilespmem:s18+$0xFFFFE800]  }
0x287: {  	v7 =	vld [tilespmem:s20+$0x14400];
	v1 =	vadd.f32 v32, v1  }
0x288: {  	v33 =	vld [tilespmem:s18+$0xFFFFEA00]  }
0x289: {  	v8 =	vld [tilespmem:s20+$0x14480];
	v1 =	vadd.f32 v5, v1  }
0x28a: {  	v34 =	vld [tilespmem:s18+$0xFFFFEC00]  }
0x28b: {  	v9 =	vld [tilespmem:s18+$0xFFFFEE00];
	v1 =	vadd.f32 v6, v1  }
0x28c: {  	v2 =	vld.idx.msk [tilespmem:v2+s13+$0x0], $0xffff  }
0x28d: {  	v35 =	vld [tilespmem:s18+$0xFFFFF000];
	v1 =	vadd.f32 v7, v1  }
0x28e: {  	v3 =	vld.idx.msk [tilespmem:v3+s13+$0x0], $0xffff  }
0x28f: {  	v36 =	vld [tilespmem:s18+$0xFFFFF200];
	v1 =	vadd.f32 v8, v1  }
0x290: {  	v4 =	vld.idx.msk [tilespmem:v33+s13+$0x0], $0xffff  }
0x291: {  	v37 =	vld [tilespmem:s18+$0xFFFFF400];
	v1 =	vadd.f32 v2, v1  }
0x292: {  	v2 =	vld.idx.msk [tilespmem:v34+s13+$0x0], $0xffff  }
0x293: {  	v38 =	vld [tilespmem:s18+$0xFFFFF600];
	v1 =	vadd.f32 v3, v1  }
0x294: {  	v3 =	vld.idx.msk [tilespmem:v9+s13+$0x0], $0xffff  }
0x295: {  	v39 =	vld [tilespmem:s18+$0xFFFFF800];
	v1 =	vadd.f32 v4, v1  }
0x296: {  	v40 =	vld.idx.msk [tilespmem:v35+s13+$0x0], $0xffff  }
0x297: {  	v41 =	vld [tilespmem:s18+$0xFFFFFA00];
	v1 =	vadd.f32 v2, v1  }
0x298: {  	v2 =	vld.idx.msk [tilespmem:v36+s13+$0x0], $0xffff  }
0x299: {  	v42 =	vld [tilespmem:s18+$0xFFFFFC00];
	v1 =	vadd.f32 v3, v1  }
0x29a: {  	v3 =	vld.idx.msk [tilespmem:v37+s13+$0x0], $0xffff  }
0x29b: {  	v43 =	vld [tilespmem:s18+$0xFFFFFE00];
	v1 =	vadd.f32 v40, v1  }
0x29c: {  	v44 =	vld.idx.msk [tilespmem:v38+s13+$0x0], $0xffff  }
0x29d: {  	v45 =	vld [tilespmem:s18+$0x0];
	v1 =	vadd.f32 v2, v1  }
0x29e: {  	v2 =	vld.idx.msk [tilespmem:v39+s13+$0x0], $0xffff  }
0x29f: {  	v46 =	vld [tilespmem:s18+$0x200];
	v1 =	vadd.f32 v3, v1  }
0x2a0: {  	v3 =	vld.idx.msk [tilespmem:v41+s13+$0x0], $0xffff  }
0x2a1: {  	v47 =	vld [tilespmem:s18+$0x400];
	v1 =	vadd.f32 v44, v1  }
0x2a2: {  	v48 =	vld.idx.msk [tilespmem:v42+s13+$0x0], $0xffff  }
0x2a3: {  	v49 =	vld [tilespmem:s18+$0x600];
	v1 =	vadd.f32 v2, v1  }
0x2a4: {  	v2 =	vld.idx.msk [tilespmem:v43+s13+$0x0], $0xffff  }
0x2a5: {  	v50 =	vld [tilespmem:s18+$0x800];
	v1 =	vadd.f32 v3, v1  }
0x2a6: {  	v3 =	vld.idx.msk [tilespmem:v45+s13+$0x0], $0xffff  }
0x2a7: {  	v51 =	vld [tilespmem:s18+$0xA00];
	v1 =	vadd.f32 v48, v1  }
0x2a8: {  	v52 =	vld.idx.msk [tilespmem:v46+s13+$0x0], $0xffff  }
0x2a9: {  	v53 =	vld [tilespmem:s18+$0xC00];
	v1 =	vadd.f32 v2, v1  }
0x2aa: {  	v2 =	vld.idx.msk [tilespmem:v47+s13+$0x0], $0xffff  }
0x2ab: {  	v54 =	vld [tilespmem:s18+$0xE00];
	v1 =	vadd.f32 v3, v1  }
0x2ac: {  	v3 =	vld.idx.msk [tilespmem:v49+s13+$0x0], $0xffff  }
0x2ad: {  	v55 =	vld [tilespmem:s18+$0x1000];
	v1 =	vadd.f32 v52, v1  }
0x2ae: {  	v56 =	vld.idx.msk [tilespmem:v50+s13+$0x0], $0xffff  }
0x2af: {  	v57 =	vld [tilespmem:s18+$0x1200];
	v1 =	vadd.f32 v2, v1  }
0x2b0: {  	v2 =	vld.idx.msk [tilespmem:v51+s13+$0x0], $0xffff  }
0x2b1: {  	v58 =	vld [tilespmem:s18+$0x1400];
	v1 =	vadd.f32 v3, v1  }
0x2b2: {  	v3 =	vld.idx.msk [tilespmem:v53+s13+$0x0], $0xffff  }
0x2b3: {  	v59 =	vld [tilespmem:s18+$0x1600];
	v1 =	vadd.f32 v56, v1  }
0x2b4: {  	v60 =	vld.idx.msk [tilespmem:v54+s13+$0x0], $0xffff  }
0x2b5: {  	v61 =	vld [tilespmem:s18+$0x1800];
	v1 =	vadd.f32 v2, v1  }
0x2b6: {  	v2 =	vld.idx.msk [tilespmem:v55+s13+$0x0], $0xffff  }
0x2b7: {  	v1 =	vadd.f32 v3, v1  }
0x2b8: {  	v3 =	vld.idx.msk [tilespmem:v57+s13+$0x0], $0xffff  }
0x2b9: {  	v1 =	vadd.f32 v60, v1  }
0x2ba: {  	v62 =	vld.idx.msk [tilespmem:v58+s13+$0x0], $0xffff  }
0x2bb: {  	v1 =	vadd.f32 v2, v1  }
0x2bc: {  	v2 =	vld.idx.msk [tilespmem:v59+s13+$0x0], $0xffff  }
0x2bd: {  	v1 =	vadd.f32 v3, v1  }
0x2be: {  	v3 =	vld.idx.msk [tilespmem:v61+s13+$0x0], $0xffff  }
0x2bf: {  	s0 =	sadd.s32 s20, s17;
	v1 =	vadd.f32 v62, v1  }
0x2c0: {  	s2 =	rddreg [dreg:$0xf];
	v63 =	vld [tilespmem:s0+$0x0]  }
0x2c1: {  	s2 =	sadd.s32 $0x1, s2;
	v1 =	vadd.f32 v2, v1  }
0x2c2: {  	p0 =	sne.s32 s2, $0x4  }
.Ltmp2:
0x2c3: {  	v1 =	vadd.f32 v3, v1;
	(pc) =	sbr.rel @p0 .LBB2_2-.Ltmp2, $3  }
0x2c4: {  	_ = 	snop  }
0x2c5: {  	v1 =	vadd.f32 v1, v63;
	_ =	sdelay $0x1  }
0x2c6: {  	s1 =	sadd.s32 $0x80, s1;
	s17 =	sadd.s32 $0x80, s17;
	s16 =	sadd.s32 $0x80, s16;
	[tilespmem:s0+$0x0] =	vst v1  }
0x2c7: {  	v1 =	vld [tilespmem:$0x1AA90];
	s16 =	simm.s32 $0x0;
	s17 =	simm.s32 $0x40;
	s1 =	rddreg [dreg:$0xd]  }
.LBB2_8:
0x2c8: {  	p0 =	sne.s32 s17, $0x7C0;
	v2 =	vld [tilespmem:s16+$0x1AAA0];
	_ =	sdelay $0x4  }
0x2c9: {  	v2 =	vadd.f32 v2, v1;
	_ =	sdelay $0x1  }
0x2ca: {  	v2 =	vsub.f32 $0.0e+00, v2;
	_ =	sdelay $0x1  }
0x2cb: {  	v2 =	vmul.f32 $1.442695020e+00, v2;
	_ =	sdelay $0x1  }
0x2cc: {  	(erf) = vpow2.f32 v2;
	_ =	sdelay $0x8  }
0x2cd: {  	v2 =	vpop (erf)  }
0x2ce: {  	v2 =	vadd.f32 $1.000000000e+00, v2;
	_ =	sdelay $0x1  }
0x2cf: {  	(erf) = vrcp.f32 v2;
	_ =	sdelay $0x5  }
.Ltmp3:
0x2d0: {  	(pc) =	sbr.rel @p0 .LBB2_8-.Ltmp3, $3  }
0x2d1: {  	_ =	sdelay $0x1  }
0x2d2: {  	v2 =	vpop (erf)  }
0x2d3: {  	[tilespmem:s16+$0x1AAA0] =	vst v2;
	s16 =	sshra.s32 s17, $0x2;
	s17 =	sadd.s32 $0x40, s17  }
0x2d4: {  	v2 =	vld [tilespmem:s16+$0x1AAA0];
	_ =	sdelay $0x4  }
0x2d5: {  	v1 =	vadd.f32 v2, v1;
	_ =	sdelay $0x1  }
0x2d6: {  	v1 =	vsub.f32 $0.0e+00, v1;
	_ =	sdelay $0x1  }
0x2d7: {  	v1 =	vmul.f32 $1.442695020e+00, v1;
	_ =	sdelay $0x1  }
0x2d8: {  	(erf) = vpow2.f32 v1;
	_ =	sdelay $0x8  }
0x2d9: {  	v1 =	vpop (erf)  }
0x2da: {  	v1 =	vadd.f32 $1.000000000e+00, v1;
	_ =	sdelay $0x1  }
0x2db: {  	(erf) = vrcp.f32 v1;
	_ =	sdelay $0x8  }
0x2dc: {  	v1 =	vpop (erf)  }
0x2dd: {  	s9 =	simm.s32 $0x0;
	s0 =	rddreg [dreg:$0xb];
	s2 =	simm.s32 $0x2;
	[tilespmem:s16+$0x1AAA0] =	vst v1  }
0x2de: {  	[hbm4b:s0+s9] =	stream.linear.scatter [tilespmem:s12], [sflag:$0x2], $0x200, $0x38;
	[tilespmem:$0x1ACA0] =	vst v63  }
0x2df: {  	_ =	swait.ge [sflag:s2], $0x200  }
0x2e0: {  	s1 =	sadd.s32 $0x1, s1;
	s31 =	rddreg [dreg:$0xc]  }
0x2e1: {  	p0 =	sne.s32 s1, s31  }
.Ltmp4:
0x2e2: {  	_ = 	snop;
	(pc) =	sbr.rel @p0 .LBB2_1-.Ltmp4, $3  }
0x2e3: {  	_ =	sdelay $0x1  }
0x2e4: {  	[sflag:s2] =	ssyncset.done $0x0  }
0x2e5: {  	[sflag:s2] =	ssyncadd.s32 $0xFFFFFE00  }
0x2e6: {  	_ =	sfence.sel $0x180000  }
0x2e7: {  	[bflag:$0x0] =	sbarrier.arrive $0xFFFF  }
0x2e8: {  	_ =	strace $0x90000047  }
0x2e9: {  	s0 =	stileid.u32;
	[bflag:$0x2] =	sbarrier.arrive $0xFFFF  }
0x2ea: {  	p0 =	sne.s32 s0, $0x0;
	s0 =	rddreg [dreg:$0x7]  }
0x2eb: {  	s0 =	sadd.s32 @!p0 $0x100000, s0  }
0x2ec: {  	[sflag:s0] =	ssyncadd.tile.s32 @!p0 $0x1;
	_ =	shalt  }
.Lfunc_end2:
_tile_overlayer_lowered:
.L_overlay_start_2:
0x2ed: {  	(tag) =	ssettag $0x2  }
0x2ee: {  	s0 =	rddreg [dreg:$0x0];
	s2 =	stileid.u32  }
0x2ef: {  	s1 =	rddreg [dreg:$0x1];
	p0 =	sne.s32 s2, $0x0  }
0x2f0: {  	s3 =	rddreg [dreg:$0x2];
	[bflag:$0x3] =	sbarrier.arrive $0xFFFF;
	s2 =	simm.s32 @!p0 $0x1C02  }
0x2f1: {  	[timem:s3], [sflag:s2] =	dma.local @!p0 [hbm:s0], s1  }
0x2f2: {  	s0 =	simm.s32 @!p0 $0x2  }
0x2f3: {  	_ =	swait.ge @!p0 [sflag:s0], s1  }
0x2f4: {  	s1 =	ssub.s32 @!p0 $0x0, s1;
	[sflag:s0] =	ssyncset.done @!p0 $0x0  }
0x2f5: {  	[sflag:s0] =	ssyncadd.s32 @!p0 s1  }
0x2f6: {  	[bflag:$0x3] =	sbarrier.arrive $0xFFFF  }
0x2f7: {  	_ =	shalt  }

</sc_bundles>
